<compile_context>
chip_gen: v7x
topology: tpu7x:2x2x1
jax: 0.10.2.dev20260603
libtpu: 0.0.44.dev20260713+nightly
codegen_flags: <defaults>
</compile_context>

<pallas_src>
import functools

import jax
import jax.numpy as jnp
from jax import lax
from jax.experimental import pallas as pl
from jax.experimental.pallas import tpu as pltpu
from jax.experimental.pallas import tpu_sc as plsc

NC = 2
NS = 16
EB = 128
DH = 64
RELS = 3


def _sc_mesh():
    return plsc.VectorSubcoreMesh(core_axis_name="c", subcore_axis_name="s")


def _scatter_kernel(n_fused, blk):
    stripe = n_fused // NS

    def body(h0_hbm, h1_hbm, sf_hbm, zeros_hbm, s0_hbm, s1_hbm, acc_sh):
        cid = lax.axis_index("c")
        sid = lax.axis_index("s")

        def run(h_hbm, out_hbm):
            pltpu.sync_copy(
                zeros_hbm, acc_sh.at[pl.ds(sid * stripe, stripe)])
            plsc.subcore_barrier()

            @pl.loop(0, blk)
            def _(j):
                def scoped(idx_v, rows_v, sem):
                    pltpu.sync_copy(sf_hbm.at[sid, j], idx_v)
                    pltpu.async_copy(
                        h_hbm.at[idx_v.at[0]], rows_v, sem).wait()
                    pltpu.sync_copy(
                        rows_v, acc_sh.at[idx_v.at[1]], add=True)
                pl.run_scoped(
                    scoped,
                    pltpu.VMEM((2, EB), jnp.int32),
                    pltpu.VMEM((EB, DH), jnp.float32),
                    pltpu.SemaphoreType.DMA)

            plsc.subcore_barrier()
            pltpu.sync_copy(acc_sh.at[pl.ds(sid * stripe, stripe)],
                            out_hbm.at[pl.ds(sid * stripe, stripe)])

        @pl.when(cid == 0)
        def _():
            run(h0_hbm, s0_hbm)

        @pl.when(cid == 1)
        def _():
            run(h1_hbm, s1_hbm)

    return pl.kernel(
        body,
        out_type=(jax.ShapeDtypeStruct((n_fused, DH), jnp.float32),
                  jax.ShapeDtypeStruct((n_fused, DH), jnp.float32)),
        mesh=_sc_mesh(),
        scratch_types=[
            pltpu.VMEM_SHARED((n_fused, DH), jnp.float32),
        ],
        compiler_params=pltpu.CompilerParams(use_tc_tiling_on_sc=False),
    )


def _counts_kernel(n_fused, blk):
    stripe = n_fused // NS

    def body(sf_hbm, ones_hbm, zeros_hbm, cnt_hbm, idx_v, ones_v, acc_sh, sem):
        cid = lax.axis_index("c")
        sid = lax.axis_index("s")

        @pl.when(cid == 0)
        def _():
            pltpu.sync_copy(
                zeros_hbm, acc_sh.at[pl.ds(sid * stripe, stripe)])
            pltpu.sync_copy(ones_hbm, ones_v)
            plsc.subcore_barrier()

            @pl.loop(0, blk)
            def _(j):
                pltpu.sync_copy(sf_hbm.at[sid, j], idx_v)
                pltpu.sync_copy(ones_v, acc_sh.at[idx_v.at[1]], add=True)

            plsc.subcore_barrier()
            pltpu.sync_copy(acc_sh.at[pl.ds(sid * stripe, stripe)],
                            cnt_hbm.at[pl.ds(sid * stripe, stripe)])

    return pl.kernel(
        body,
        out_type=jax.ShapeDtypeStruct((n_fused, 16), jnp.float32),
        mesh=_sc_mesh(),
        scratch_types=[
            pltpu.VMEM((2, EB), jnp.int32),
            pltpu.VMEM((EB, 16), jnp.float32),
            pltpu.VMEM_SHARED((n_fused, 16), jnp.float32),
            pltpu.SemaphoreType.DMA,
        ],
        compiler_params=pltpu.CompilerParams(use_tc_tiling_on_sc=False),
    )


def _tc_layer_body(gated, s0_ref, s1_ref, inv_ref, h0_ref, h1_ref,
                   wa_ref, wb_ref, wg0_ref, wg1_ref, bg_ref,
                   o0_ref, o1_ref):
    f32 = jnp.float32
    a = jnp.dot(s0_ref[...] * inv_ref[...], wa_ref[...],
                preferred_element_type=f32)
    a = a + jnp.dot(s1_ref[...] * inv_ref[...], wb_ref[...],
                    preferred_element_type=f32)
    if gated:
        g = jnp.dot(h0_ref[...], wg0_ref[...], preferred_element_type=f32)
        g = g + jnp.dot(h1_ref[...], wg1_ref[...], preferred_element_type=f32)
        g = jax.nn.sigmoid(g + bg_ref[...])
        out = jnp.maximum(g * a, 0.0)
    else:
        out = a - jnp.tanh(a)
    o0_ref[...] = out[:, :DH]
    o1_ref[...] = out[:, DH:]


def _tc_layer(n_pad, gated, bn):
    kdim = RELS * DH
    grid = (n_pad // bn,)
    row_blk = lambda w: pl.BlockSpec((bn, w), lambda i: (i, 0))
    full = lambda a, b: pl.BlockSpec((a, b), lambda i: (0, 0))
    return pl.pallas_call(
        functools.partial(_tc_layer_body, gated),
        grid=grid,
        in_specs=[
            row_blk(kdim), row_blk(kdim), row_blk(kdim),
            row_blk(DH), row_blk(DH),
            full(kdim, 2 * DH), full(kdim, 2 * DH),
            full(DH, 2 * DH), full(DH, 2 * DH), full(1, 2 * DH),
        ],
        out_specs=[row_blk(DH), row_blk(DH)],
        out_shape=(jax.ShapeDtypeStruct((n_pad, DH), jnp.float32),
                   jax.ShapeDtypeStruct((n_pad, DH), jnp.float32)),
    )


def kernel(x, edge_index, edge_type, enc_W, enc_Wg, enc_bg, dec_W):
    n, d = x.shape
    e = edge_index.shape[1]
    assert d == 2 * DH

    n_pad = 10112 if n <= 10112 else ((n + 15) // 16) * 16
    bn = n_pad // 8
    n_fused = n_pad * RELS
    stripe = n_fused // NS
    blk = 2 * (-(-e // (NS * EB * 2)))
    e_pad = NS * EB * blk

    order = jnp.argsort(edge_index[0])
    src = edge_index[0][order]
    dst = edge_index[1][order]
    fused = dst * RELS + edge_type[order]
    pad = e_pad - e
    src_p = jnp.concatenate(
        [src, jnp.zeros((pad,), jnp.int32)]).reshape(NS, blk, 1, EB)
    fused_p = jnp.concatenate(
        [fused, jnp.full((pad,), n * RELS, jnp.int32)]).reshape(NS, blk, 1, EB)
    sf_p = jnp.concatenate([src_p, fused_p], axis=2)

    zeros_st = jnp.zeros((stripe, DH), jnp.float32)
    zeros16 = jnp.zeros((stripe, 16), jnp.float32)
    ones16 = jnp.ones((EB, 16), jnp.float32)
    scatter = _scatter_kernel(n_fused, blk)

    cnt = _counts_kernel(n_fused, blk)(sf_p, ones16, zeros16)
    inv = 1.0 / jnp.maximum(cnt[:, 0], 1.0)
    inv_e = jnp.repeat(inv.reshape(n_pad, RELS), DH, axis=1)

    x_pad = jnp.zeros((n_pad, d), x.dtype).at[:n].set(x)
    h0, h1 = x_pad[:, :DH], x_pad[:, DH:]

    def agg_inputs(h0, h1, W):
        s0, s1 = scatter(h0, h1, sf_p, zeros_st)
        wa = W[:, :DH, :].reshape(RELS * DH, d)
        wb = W[:, DH:, :].reshape(RELS * DH, d)
        return (s0.reshape(n_pad, RELS * DH), s1.reshape(n_pad, RELS * DH),
                inv_e, h0, h1, wa, wb)

    enc = _tc_layer(n_pad, gated=True, bn=bn)
    dec = _tc_layer(n_pad, gated=False, bn=bn)
    zg = jnp.zeros((DH, d), jnp.float32)
    zb = jnp.zeros((1, d), jnp.float32)

    for l in range(enc_W.shape[0]):
        wg = enc_Wg[l]
        h0, h1 = enc(*agg_inputs(h0, h1, enc_W[l]),
                     wg[:DH], wg[DH:], enc_bg[l].reshape(1, d))
    for l in range(dec_W.shape[0]):
        h0, h1 = dec(*agg_inputs(h0, h1, dec_W[l]), zg, zg, zb)

    return jnp.concatenate([h0, h1], axis=1)[:n]

# --- scband reference (transcript-rebuilt; emitter-appended) ---
"""Pipeline reference for scband-dgl-ae-85710367359230 (READ-ONLY COPY).

The authoritative reference and input builder live on the scoring server;
editing this copy changes nothing except your own understanding.
"""

import jax, jax.numpy as jnp
import numpy as np

N_NODES = 10000
N_EDGES = 320000
D = 128
R = 3
L = 2


def setup_inputs(seed: int = 0) -> dict:
    key = jax.random.key(seed)
    ks = jax.random.split(key, 8)
    x = jax.random.normal(ks[0], (N_NODES, D), dtype=jnp.float32)
    edge_index = jax.random.randint(ks[1], (2, N_EDGES), 0, N_NODES, dtype=jnp.int32)
    edge_type = jax.random.randint(ks[2], (N_EDGES,), 0, R, dtype=jnp.int32)
    # learned parameters: per-etype relation weights for encoder (gated) and decoder layers
    enc_W = jax.random.normal(ks[3], (L, R, D, D), dtype=jnp.float32) * 0.05
    enc_Wg = jax.random.normal(ks[4], (L, D, D), dtype=jnp.float32) * 0.05
    enc_bg = jnp.zeros((L, D), dtype=jnp.float32)
    dec_W = jax.random.normal(ks[5], (L, R, D, D), dtype=jnp.float32) * 0.05
    return {"x": x, "edge_index": edge_index, "edge_type": edge_type,
            "enc_W": enc_W, "enc_Wg": enc_Wg, "enc_bg": enc_bg, "dec_W": dec_W}


def _hetero_agg(h, src, dst, etype, W):
    # per-edge-type linear transform of source features, mean-aggregated per dst node,
    # summed across edge types (DGL HeteroRGCN multi_update_all with mean/sum semantics)
    n = h.shape[0]
    out_dim = W.shape[-1]
    agg = jnp.zeros((n, out_dim), dtype=h.dtype)
    for r in range(W.shape[0]):
        mask = (etype == r).astype(h.dtype)
        msg = (h[src] * mask[:, None]) @ W[r]
        s = jax.ops.segment_sum(msg, dst, num_segments=n)
        c = jax.ops.segment_sum(mask, dst, num_segments=n)
        agg = agg + s / jnp.maximum(c, 1.0)[:, None]
    return agg


def _tanhshrink(x):
    return x - jnp.tanh(x)


def reference(x, edge_index, edge_type, enc_W, enc_Wg, enc_bg, dec_W):
    src = edge_index[0]
    dst = edge_index[1]
    h = x
    # encoder: gated hetero RGCN layers with relu activation
    for l in range(enc_W.shape[0]):
        agg = _hetero_agg(h, src, dst, edge_type, enc_W[l])
        gate = jax.nn.sigmoid(h @ enc_Wg[l] + enc_bg[l])
        h = jax.nn.relu(gate * agg)
    # decoder: hetero RGCN layers with tanhshrink activation
    for l in range(dec_W.shape[0]):
        agg = _hetero_agg(h, src, dst, edge_type, dec_W[l])
        h = _tanhshrink(agg)
    return h

if __name__ == "__main__":
    import jax
    _d = setup_inputs()
    print(jax.jit(kernel)(*tuple(_d.values())))

</pallas_src>

<mosaic_0001>
#map = affine_map<(d0, d1) -> (0, 0)>
#map1 = affine_map<(d0, d1) -> (0, 0, 0, 0)>
module attributes {stable_mosaic.version = 14 : i64} {
  func.func @body(%arg0: i32, %arg1: i32, %arg2: memref<10112x64xf32, #tpu.memory_space<hbm>>, %arg3: memref<10112x64xf32, #tpu.memory_space<hbm>>, %arg4: memref<16x158x2x128xi32, #tpu.memory_space<hbm>>, %arg5: memref<1896x64xf32, #tpu.memory_space<hbm>>, %arg6: memref<30336x64xf32, #tpu.memory_space<hbm>>, %arg7: memref<30336x64xf32, #tpu.memory_space<hbm>>, %arg8: memref<30336x64xf32, #tpu.memory_space<vmem_shared>>) attributes {dimension_semantics = [#tpu.dimension_semantics<core_parallel>, #tpu.dimension_semantics<subcore_parallel>], iteration_bounds = array<i64: 2, 16>, scalar_prefetch = 0 : i64, scratch_operands = 1 : i64, tpu.core_type = #tpu.core_type<sc_vector_subcore>, window_params = [{transform_indices = #map}, {transform_indices = #map}, {transform_indices = #map1}, {transform_indices = #map}, {transform_indices = #map}, {transform_indices = #map}]} {
    %eq3A = arith.constant 0 : i32
    %eq3A_0 = arith.cmpi eq, %arg0, %eq3A : i32
    %convert_element_type3A = arith.extui %eq3A_0 : i1 to i32
    %cond3A = arith.constant 0 : i32
    %cond3A_1 = arith.cmpi ne, %convert_element_type3A, %cond3A : i32
    scf.if %cond3A_1 {
      %mul3A = arith.constant 1896 : i32
      %mul3A_7 = arith.muli %arg1, %mul3A : i32
      "tpu.region"() ({
        %run_scoped3A = tpu.sem_alloc : memref<!tpu.dma_semaphore, #tpu.memory_space<semaphore_mem>>
        %dma_start3A = arith.constant 0 : i32
        %dma_start3A_17 = tpu.memref_slice %arg8[%mul3A_7, %dma_start3A] : memref<30336x64xf32, #tpu.memory_space<vmem_shared>> -> memref<1896x64xf32, #tpu.memory_space<vmem_shared>>
        tpu.enqueue_dma source(%arg5 : memref<1896x64xf32, #tpu.memory_space<hbm>>) target(%dma_start3A_17 : memref<1896x64xf32, #tpu.memory_space<vmem_shared>>) target_semaphore(%run_scoped3A : memref<!tpu.dma_semaphore, #tpu.memory_space<semaphore_mem>>)
        %dma_wait3A = arith.constant 0 : i32
        %dma_wait3A_18 = tpu.memref_slice %arg8[%mul3A_7, %dma_wait3A] : memref<30336x64xf32, #tpu.memory_space<vmem_shared>> -> memref<1896x64xf32, #tpu.memory_space<vmem_shared>>
        tpu.wait_dma2 semaphore(%run_scoped3A : memref<!tpu.dma_semaphore, #tpu.memory_space<semaphore_mem>>) src(%arg5 : memref<1896x64xf32, #tpu.memory_space<hbm>>) dst(%dma_wait3A_18 : memref<1896x64xf32, #tpu.memory_space<vmem_shared>>)
        tpu.yield
      }) : () -> ()
      %barrier3A = arith.constant 0 : index
      tpu.barrier barrier_id(%barrier3A)
      %scan3A = arith.constant 0 : i32
      %scan3A_8 = arith.constant 158 : i32
      %scan3A_9 = arith.addi %scan3A, %scan3A_8 : i32
      %scan3A_10 = arith.constant 1 : i32
      scf.for %scan3A_17 = %scan3A to %scan3A_9 step %scan3A_10  : i32 {
        %mul3A_18 = arith.constant 1 : i32
        %mul3A_19 = arith.muli %scan3A_17, %mul3A_18 : i32
        %add3A = arith.constant 0 : i32
        %add3A_20 = arith.addi %add3A, %mul3A_19 : i32
        "tpu.region"() ({
          %run_scoped3A = memref.alloca() : memref<2x128xi32, #tpu.memory_space<vmem>>
          %run_scoped3A_21 = memref.alloca() : memref<128x64xf32, #tpu.memory_space<vmem>>
          %run_scoped3A_22 = tpu.sem_alloc : memref<!tpu.dma_semaphore, #tpu.memory_space<semaphore_mem>>
          "tpu.region"() ({
            %run_scoped3A_36 = tpu.sem_alloc : memref<!tpu.dma_semaphore, #tpu.memory_space<semaphore_mem>>
            %dma_start3A_37 = arith.constant 0 : i32
            %dma_start3A_38 = arith.constant 0 : i32
            %dma_start3A_39 = tpu.memref_slice %arg4[%arg1, %add3A_20, %dma_start3A_37, %dma_start3A_38] : memref<16x158x2x128xi32, #tpu.memory_space<hbm>> -> memref<1x1x2x128xi32, #tpu.memory_space<hbm>>
            %dma_start3A_40 = tpu.memref_squeeze %dma_start3A_39 : memref<1x1x2x128xi32, #tpu.memory_space<hbm>> -> memref<2x128xi32, #tpu.memory_space<hbm>>
            %dma_start3A_41 = arith.constant 0 : i32
            %dma_start3A_42 = arith.constant 0 : i32
            %dma_start3A_43 = tpu.memref_slice %arg4[%arg1, %add3A_20, %dma_start3A_41, %dma_start3A_42] : memref<16x158x2x128xi32, #tpu.memory_space<hbm>> -> memref<1x1x2x128xi32, #tpu.memory_space<hbm>>
            %dma_start3A_44 = tpu.memref_squeeze %dma_start3A_43 : memref<1x1x2x128xi32, #tpu.memory_space<hbm>> -> memref<2x128xi32, #tpu.memory_space<hbm>>
            tpu.enqueue_dma source(%dma_start3A_44 : memref<2x128xi32, #tpu.memory_space<hbm>>) target(%run_scoped3A : memref<2x128xi32, #tpu.memory_space<vmem>>) target_semaphore(%run_scoped3A_36 : memref<!tpu.dma_semaphore, #tpu.memory_space<semaphore_mem>>)
            %dma_wait3A_45 = arith.constant 0 : i32
            %dma_wait3A_46 = arith.constant 0 : i32
            %dma_wait3A_47 = tpu.memref_slice %arg4[%arg1, %add3A_20, %dma_wait3A_45, %dma_wait3A_46] : memref<16x158x2x128xi32, #tpu.memory_space<hbm>> -> memref<1x1x2x128xi32, #tpu.memory_space<hbm>>
            %dma_wait3A_48 = tpu.memref_squeeze %dma_wait3A_47 : memref<1x1x2x128xi32, #tpu.memory_space<hbm>> -> memref<2x128xi32, #tpu.memory_space<hbm>>
            %dma_wait3A_49 = arith.constant 0 : i32
            %dma_wait3A_50 = arith.constant 0 : i32
            %dma_wait3A_51 = tpu.memref_slice %arg4[%arg1, %add3A_20, %dma_wait3A_49, %dma_wait3A_50] : memref<16x158x2x128xi32, #tpu.memory_space<hbm>> -> memref<1x1x2x128xi32, #tpu.memory_space<hbm>>
            %dma_wait3A_52 = tpu.memref_squeeze %dma_wait3A_51 : memref<1x1x2x128xi32, #tpu.memory_space<hbm>> -> memref<2x128xi32, #tpu.memory_space<hbm>>
            tpu.wait_dma2 semaphore(%run_scoped3A_36 : memref<!tpu.dma_semaphore, #tpu.memory_space<semaphore_mem>>) src(%dma_wait3A_52 : memref<2x128xi32, #tpu.memory_space<hbm>>) dst(%run_scoped3A : memref<2x128xi32, #tpu.memory_space<vmem>>)
            tpu.yield
          }) : () -> ()
          %dma_start3A = arith.constant 0 : i32
          %dma_start3A_23 = arith.constant 0 : i32
          %dma_start3A_24 = tpu.memref_slice %run_scoped3A[%dma_start3A, %dma_start3A_23] : memref<2x128xi32, #tpu.memory_space<vmem>> -> memref<1x128xi32, #tpu.memory_space<vmem>>
          %dma_start3A_25 = tpu.memref_squeeze %dma_start3A_24 : memref<1x128xi32, #tpu.memory_space<vmem>> -> memref<128xi32, #tpu.memory_space<vmem>>
          %dma_start3A_26 = arith.constant 0 : i32
          %dma_start3A_27 = arith.constant 0 : i32
          %dma_start3A_28 = tpu.memref_slice %arg2[%dma_start3A_26, %dma_start3A_27] : memref<10112x64xf32, #tpu.memory_space<hbm>> -> memref<10112x64xf32, #tpu.memory_space<hbm>>
          tpu.enqueue_indirect_dma source(%dma_start3A_28 : memref<10112x64xf32, #tpu.memory_space<hbm>>) target(%run_scoped3A_21 : memref<128x64xf32, #tpu.memory_space<vmem>>) offsets(%dma_start3A_25 : memref<128xi32, #tpu.memory_space<vmem>>) semaphore(%run_scoped3A_22 : memref<!tpu.dma_semaphore, #tpu.memory_space<semaphore_mem>>)
          %dma_wait3A = arith.constant 0 : i32
          %dma_wait3A_29 = arith.constant 0 : i32
          %dma_wait3A_30 = tpu.memref_slice %run_scoped3A[%dma_wait3A, %dma_wait3A_29] : memref<2x128xi32, #tpu.memory_space<vmem>> -> memref<1x128xi32, #tpu.memory_space<vmem>>
          %dma_wait3A_31 = tpu.memref_squeeze %dma_wait3A_30 : memref<1x128xi32, #tpu.memory_space<vmem>> -> memref<128xi32, #tpu.memory_space<vmem>>
          %dma_wait3A_32 = arith.constant 0 : i32
          %dma_wait3A_33 = arith.constant 0 : i32
          %dma_wait3A_34 = tpu.memref_slice %arg2[%dma_wait3A_32, %dma_wait3A_33] : memref<10112x64xf32, #tpu.memory_space<hbm>> -> memref<10112x64xf32, #tpu.memory_space<hbm>>
          tpu.wait_indirect_dma semaphore(%run_scoped3A_22 : memref<!tpu.dma_semaphore, #tpu.memory_space<semaphore_mem>>) src(%dma_wait3A_34 : memref<10112x64xf32, #tpu.memory_space<hbm>>) dst(%run_scoped3A_21 : memref<128x64xf32, #tpu.memory_space<vmem>>)
          %run_scoped3A_35 = arith.constant 1 : i32
          "tpu.region"() ({
            %run_scoped3A_36 = tpu.sem_alloc : memref<!tpu.dma_semaphore, #tpu.memory_space<semaphore_mem>>
            %dma_start3A_37 = arith.constant 0 : i32
            %dma_start3A_38 = tpu.memref_slice %run_scoped3A[%run_scoped3A_35, %dma_start3A_37] : memref<2x128xi32, #tpu.memory_space<vmem>> -> memref<1x128xi32, #tpu.memory_space<vmem>>
            %dma_start3A_39 = tpu.memref_squeeze %dma_start3A_38 : memref<1x128xi32, #tpu.memory_space<vmem>> -> memref<128xi32, #tpu.memory_space<vmem>>
            %dma_start3A_40 = arith.constant 0 : i32
            %dma_start3A_41 = arith.constant 0 : i32
            %dma_start3A_42 = tpu.memref_slice %arg8[%dma_start3A_40, %dma_start3A_41] : memref<30336x64xf32, #tpu.memory_space<vmem_shared>> -> memref<30336x64xf32, #tpu.memory_space<vmem_shared>>
            tpu.enqueue_indirect_dma source(%run_scoped3A_21 : memref<128x64xf32, #tpu.memory_space<vmem>>) target(%dma_start3A_42 : memref<30336x64xf32, #tpu.memory_space<vmem_shared>>) offsets(%dma_start3A_39 : memref<128xi32, #tpu.memory_space<vmem>>) semaphore(%run_scoped3A_36 : memref<!tpu.dma_semaphore, #tpu.memory_space<semaphore_mem>>) {add = true}
            %dma_wait3A_43 = arith.constant 0 : i32
            %dma_wait3A_44 = tpu.memref_slice %run_scoped3A[%run_scoped3A_35, %dma_wait3A_43] : memref<2x128xi32, #tpu.memory_space<vmem>> -> memref<1x128xi32, #tpu.memory_space<vmem>>
            %dma_wait3A_45 = tpu.memref_squeeze %dma_wait3A_44 : memref<1x128xi32, #tpu.memory_space<vmem>> -> memref<128xi32, #tpu.memory_space<vmem>>
            %dma_wait3A_46 = arith.constant 0 : i32
            %dma_wait3A_47 = arith.constant 0 : i32
            %dma_wait3A_48 = tpu.memref_slice %arg8[%dma_wait3A_46, %dma_wait3A_47] : memref<30336x64xf32, #tpu.memory_space<vmem_shared>> -> memref<30336x64xf32, #tpu.memory_space<vmem_shared>>
            tpu.wait_indirect_dma semaphore(%run_scoped3A_36 : memref<!tpu.dma_semaphore, #tpu.memory_space<semaphore_mem>>) src(%run_scoped3A_21 : memref<128x64xf32, #tpu.memory_space<vmem>>) dst(%dma_wait3A_48 : memref<30336x64xf32, #tpu.memory_space<vmem_shared>>)
            tpu.yield
          }) : () -> ()
          tpu.yield
        }) : () -> ()
      }
      %scan3A_11 = arith.constant 158 : i32
      %barrier3A_12 = arith.constant 0 : index
      tpu.barrier barrier_id(%barrier3A_12)
      %mul3A_13 = arith.constant 1896 : i32
      %mul3A_14 = arith.muli %arg1, %mul3A_13 : i32
      %mul3A_15 = arith.constant 1896 : i32
      %mul3A_16 = arith.muli %arg1, %mul3A_15 : i32
      "tpu.region"() ({
        %run_scoped3A = tpu.sem_alloc : memref<!tpu.dma_semaphore, #tpu.memory_space<semaphore_mem>>
        %dma_start3A = arith.constant 0 : i32
        %dma_start3A_17 = tpu.memref_slice %arg6[%mul3A_16, %dma_start3A] : memref<30336x64xf32, #tpu.memory_space<hbm>> -> memref<1896x64xf32, #tpu.memory_space<hbm>>
        %dma_start3A_18 = arith.constant 0 : i32
        %dma_start3A_19 = tpu.memref_slice %arg8[%mul3A_14, %dma_start3A_18] : memref<30336x64xf32, #tpu.memory_space<vmem_shared>> -> memref<1896x64xf32, #tpu.memory_space<vmem_shared>>
        tpu.enqueue_dma source(%dma_start3A_19 : memref<1896x64xf32, #tpu.memory_space<vmem_shared>>) target(%dma_start3A_17 : memref<1896x64xf32, #tpu.memory_space<hbm>>) target_semaphore(%run_scoped3A : memref<!tpu.dma_semaphore, #tpu.memory_space<semaphore_mem>>)
        %dma_wait3A = arith.constant 0 : i32
        %dma_wait3A_20 = tpu.memref_slice %arg6[%mul3A_16, %dma_wait3A] : memref<30336x64xf32, #tpu.memory_space<hbm>> -> memref<1896x64xf32, #tpu.memory_space<hbm>>
        %dma_wait3A_21 = arith.constant 0 : i32
        %dma_wait3A_22 = tpu.memref_slice %arg8[%mul3A_14, %dma_wait3A_21] : memref<30336x64xf32, #tpu.memory_space<vmem_shared>> -> memref<1896x64xf32, #tpu.memory_space<vmem_shared>>
        tpu.wait_dma2 semaphore(%run_scoped3A : memref<!tpu.dma_semaphore, #tpu.memory_space<semaphore_mem>>) src(%dma_wait3A_22 : memref<1896x64xf32, #tpu.memory_space<vmem_shared>>) dst(%dma_wait3A_20 : memref<1896x64xf32, #tpu.memory_space<hbm>>)
        tpu.yield
      }) : () -> ()
    } else {
    }
    %eq3A_2 = arith.constant 1 : i32
    %eq3A_3 = arith.cmpi eq, %arg0, %eq3A_2 : i32
    %convert_element_type3A_4 = arith.extui %eq3A_3 : i1 to i32
    %cond3A_5 = arith.constant 0 : i32
    %cond3A_6 = arith.cmpi ne, %convert_element_type3A_4, %cond3A_5 : i32
    scf.if %cond3A_6 {
      %mul3A = arith.constant 1896 : i32
      %mul3A_7 = arith.muli %arg1, %mul3A : i32
      "tpu.region"() ({
        %run_scoped3A = tpu.sem_alloc : memref<!tpu.dma_semaphore, #tpu.memory_space<semaphore_mem>>
        %dma_start3A = arith.constant 0 : i32
        %dma_start3A_17 = tpu.memref_slice %arg8[%mul3A_7, %dma_start3A] : memref<30336x64xf32, #tpu.memory_space<vmem_shared>> -> memref<1896x64xf32, #tpu.memory_space<vmem_shared>>
        tpu.enqueue_dma source(%arg5 : memref<1896x64xf32, #tpu.memory_space<hbm>>) target(%dma_start3A_17 : memref<1896x64xf32, #tpu.memory_space<vmem_shared>>) target_semaphore(%run_scoped3A : memref<!tpu.dma_semaphore, #tpu.memory_space<semaphore_mem>>)
        %dma_wait3A = arith.constant 0 : i32
        %dma_wait3A_18 = tpu.memref_slice %arg8[%mul3A_7, %dma_wait3A] : memref<30336x64xf32, #tpu.memory_space<vmem_shared>> -> memref<1896x64xf32, #tpu.memory_space<vmem_shared>>
        tpu.wait_dma2 semaphore(%run_scoped3A : memref<!tpu.dma_semaphore, #tpu.memory_space<semaphore_mem>>) src(%arg5 : memref<1896x64xf32, #tpu.memory_space<hbm>>) dst(%dma_wait3A_18 : memref<1896x64xf32, #tpu.memory_space<vmem_shared>>)
        tpu.yield
      }) : () -> ()
      %barrier3A = arith.constant 0 : index
      tpu.barrier barrier_id(%barrier3A)
      %scan3A = arith.constant 0 : i32
      %scan3A_8 = arith.constant 158 : i32
      %scan3A_9 = arith.addi %scan3A, %scan3A_8 : i32
      %scan3A_10 = arith.constant 1 : i32
      scf.for %scan3A_17 = %scan3A to %scan3A_9 step %scan3A_10  : i32 {
        %mul3A_18 = arith.constant 1 : i32
        %mul3A_19 = arith.muli %scan3A_17, %mul3A_18 : i32
        %add3A = arith.constant 0 : i32
        %add3A_20 = arith.addi %add3A, %mul3A_19 : i32
        "tpu.region"() ({
          %run_scoped3A = memref.alloca() : memref<2x128xi32, #tpu.memory_space<vmem>>
          %run_scoped3A_21 = memref.alloca() : memref<128x64xf32, #tpu.memory_space<vmem>>
          %run_scoped3A_22 = tpu.sem_alloc : memref<!tpu.dma_semaphore, #tpu.memory_space<semaphore_mem>>
          "tpu.region"() ({
            %run_scoped3A_36 = tpu.sem_alloc : memref<!tpu.dma_semaphore, #tpu.memory_space<semaphore_mem>>
            %dma_start3A_37 = arith.constant 0 : i32
            %dma_start3A_38 = arith.constant 0 : i32
            %dma_start3A_39 = tpu.memref_slice %arg4[%arg1, %add3A_20, %dma_start3A_37, %dma_start3A_38] : memref<16x158x2x128xi32, #tpu.memory_space<hbm>> -> memref<1x1x2x128xi32, #tpu.memory_space<hbm>>
            %dma_start3A_40 = tpu.memref_squeeze %dma_start3A_39 : memref<1x1x2x128xi32, #tpu.memory_space<hbm>> -> memref<2x128xi32, #tpu.memory_space<hbm>>
            %dma_start3A_41 = arith.constant 0 : i32
            %dma_start3A_42 = arith.constant 0 : i32
            %dma_start3A_43 = tpu.memref_slice %arg4[%arg1, %add3A_20, %dma_start3A_41, %dma_start3A_42] : memref<16x158x2x128xi32, #tpu.memory_space<hbm>> -> memref<1x1x2x128xi32, #tpu.memory_space<hbm>>
            %dma_start3A_44 = tpu.memref_squeeze %dma_start3A_43 : memref<1x1x2x128xi32, #tpu.memory_space<hbm>> -> memref<2x128xi32, #tpu.memory_space<hbm>>
            tpu.enqueue_dma source(%dma_start3A_44 : memref<2x128xi32, #tpu.memory_space<hbm>>) target(%run_scoped3A : memref<2x128xi32, #tpu.memory_space<vmem>>) target_semaphore(%run_scoped3A_36 : memref<!tpu.dma_semaphore, #tpu.memory_space<semaphore_mem>>)
            %dma_wait3A_45 = arith.constant 0 : i32
            %dma_wait3A_46 = arith.constant 0 : i32
            %dma_wait3A_47 = tpu.memref_slice %arg4[%arg1, %add3A_20, %dma_wait3A_45, %dma_wait3A_46] : memref<16x158x2x128xi32, #tpu.memory_space<hbm>> -> memref<1x1x2x128xi32, #tpu.memory_space<hbm>>
            %dma_wait3A_48 = tpu.memref_squeeze %dma_wait3A_47 : memref<1x1x2x128xi32, #tpu.memory_space<hbm>> -> memref<2x128xi32, #tpu.memory_space<hbm>>
            %dma_wait3A_49 = arith.constant 0 : i32
            %dma_wait3A_50 = arith.constant 0 : i32
            %dma_wait3A_51 = tpu.memref_slice %arg4[%arg1, %add3A_20, %dma_wait3A_49, %dma_wait3A_50] : memref<16x158x2x128xi32, #tpu.memory_space<hbm>> -> memref<1x1x2x128xi32, #tpu.memory_space<hbm>>
            %dma_wait3A_52 = tpu.memref_squeeze %dma_wait3A_51 : memref<1x1x2x128xi32, #tpu.memory_space<hbm>> -> memref<2x128xi32, #tpu.memory_space<hbm>>
            tpu.wait_dma2 semaphore(%run_scoped3A_36 : memref<!tpu.dma_semaphore, #tpu.memory_space<semaphore_mem>>) src(%dma_wait3A_52 : memref<2x128xi32, #tpu.memory_space<hbm>>) dst(%run_scoped3A : memref<2x128xi32, #tpu.memory_space<vmem>>)
            tpu.yield
          }) : () -> ()
          %dma_start3A = arith.constant 0 : i32
          %dma_start3A_23 = arith.constant 0 : i32
          %dma_start3A_24 = tpu.memref_slice %run_scoped3A[%dma_start3A, %dma_start3A_23] : memref<2x128xi32, #tpu.memory_space<vmem>> -> memref<1x128xi32, #tpu.memory_space<vmem>>
          %dma_start3A_25 = tpu.memref_squeeze %dma_start3A_24 : memref<1x128xi32, #tpu.memory_space<vmem>> -> memref<128xi32, #tpu.memory_space<vmem>>
          %dma_start3A_26 = arith.constant 0 : i32
          %dma_start3A_27 = arith.constant 0 : i32
          %dma_start3A_28 = tpu.memref_slice %arg3[%dma_start3A_26, %dma_start3A_27] : memref<10112x64xf32, #tpu.memory_space<hbm>> -> memref<10112x64xf32, #tpu.memory_space<hbm>>
          tpu.enqueue_indirect_dma source(%dma_start3A_28 : memref<10112x64xf32, #tpu.memory_space<hbm>>) target(%run_scoped3A_21 : memref<128x64xf32, #tpu.memory_space<vmem>>) offsets(%dma_start3A_25 : memref<128xi32, #tpu.memory_space<vmem>>) semaphore(%run_scoped3A_22 : memref<!tpu.dma_semaphore, #tpu.memory_space<semaphore_mem>>)
          %dma_wait3A = arith.constant 0 : i32
          %dma_wait3A_29 = arith.constant 0 : i32
          %dma_wait3A_30 = tpu.memref_slice %run_scoped3A[%dma_wait3A, %dma_wait3A_29] : memref<2x128xi32, #tpu.memory_space<vmem>> -> memref<1x128xi32, #tpu.memory_space<vmem>>
          %dma_wait3A_31 = tpu.memref_squeeze %dma_wait3A_30 : memref<1x128xi32, #tpu.memory_space<vmem>> -> memref<128xi32, #tpu.memory_space<vmem>>
          %dma_wait3A_32 = arith.constant 0 : i32
          %dma_wait3A_33 = arith.constant 0 : i32
          %dma_wait3A_34 = tpu.memref_slice %arg3[%dma_wait3A_32, %dma_wait3A_33] : memref<10112x64xf32, #tpu.memory_space<hbm>> -> memref<10112x64xf32, #tpu.memory_space<hbm>>
          tpu.wait_indirect_dma semaphore(%run_scoped3A_22 : memref<!tpu.dma_semaphore, #tpu.memory_space<semaphore_mem>>) src(%dma_wait3A_34 : memref<10112x64xf32, #tpu.memory_space<hbm>>) dst(%run_scoped3A_21 : memref<128x64xf32, #tpu.memory_space<vmem>>)
          %run_scoped3A_35 = arith.constant 1 : i32
          "tpu.region"() ({
            %run_scoped3A_36 = tpu.sem_alloc : memref<!tpu.dma_semaphore, #tpu.memory_space<semaphore_mem>>
            %dma_start3A_37 = arith.constant 0 : i32
            %dma_start3A_38 = tpu.memref_slice %run_scoped3A[%run_scoped3A_35, %dma_start3A_37] : memref<2x128xi32, #tpu.memory_space<vmem>> -> memref<1x128xi32, #tpu.memory_space<vmem>>
            %dma_start3A_39 = tpu.memref_squeeze %dma_start3A_38 : memref<1x128xi32, #tpu.memory_space<vmem>> -> memref<128xi32, #tpu.memory_space<vmem>>
            %dma_start3A_40 = arith.constant 0 : i32
            %dma_start3A_41 = arith.constant 0 : i32
            %dma_start3A_42 = tpu.memref_slice %arg8[%dma_start3A_40, %dma_start3A_41] : memref<30336x64xf32, #tpu.memory_space<vmem_shared>> -> memref<30336x64xf32, #tpu.memory_space<vmem_shared>>
            tpu.enqueue_indirect_dma source(%run_scoped3A_21 : memref<128x64xf32, #tpu.memory_space<vmem>>) target(%dma_start3A_42 : memref<30336x64xf32, #tpu.memory_space<vmem_shared>>) offsets(%dma_start3A_39 : memref<128xi32, #tpu.memory_space<vmem>>) semaphore(%run_scoped3A_36 : memref<!tpu.dma_semaphore, #tpu.memory_space<semaphore_mem>>) {add = true}
            %dma_wait3A_43 = arith.constant 0 : i32
            %dma_wait3A_44 = tpu.memref_slice %run_scoped3A[%run_scoped3A_35, %dma_wait3A_43] : memref<2x128xi32, #tpu.memory_space<vmem>> -> memref<1x128xi32, #tpu.memory_space<vmem>>
            %dma_wait3A_45 = tpu.memref_squeeze %dma_wait3A_44 : memref<1x128xi32, #tpu.memory_space<vmem>> -> memref<128xi32, #tpu.memory_space<vmem>>
            %dma_wait3A_46 = arith.constant 0 : i32
            %dma_wait3A_47 = arith.constant 0 : i32
            %dma_wait3A_48 = tpu.memref_slice %arg8[%dma_wait3A_46, %dma_wait3A_47] : memref<30336x64xf32, #tpu.memory_space<vmem_shared>> -> memref<30336x64xf32, #tpu.memory_space<vmem_shared>>
            tpu.wait_indirect_dma semaphore(%run_scoped3A_36 : memref<!tpu.dma_semaphore, #tpu.memory_space<semaphore_mem>>) src(%run_scoped3A_21 : memref<128x64xf32, #tpu.memory_space<vmem>>) dst(%dma_wait3A_48 : memref<30336x64xf32, #tpu.memory_space<vmem_shared>>)
            tpu.yield
          }) : () -> ()
          tpu.yield
        }) : () -> ()
      }
      %scan3A_11 = arith.constant 158 : i32
      %barrier3A_12 = arith.constant 0 : index
      tpu.barrier barrier_id(%barrier3A_12)
      %mul3A_13 = arith.constant 1896 : i32
      %mul3A_14 = arith.muli %arg1, %mul3A_13 : i32
      %mul3A_15 = arith.constant 1896 : i32
      %mul3A_16 = arith.muli %arg1, %mul3A_15 : i32
      "tpu.region"() ({
        %run_scoped3A = tpu.sem_alloc : memref<!tpu.dma_semaphore, #tpu.memory_space<semaphore_mem>>
        %dma_start3A = arith.constant 0 : i32
        %dma_start3A_17 = tpu.memref_slice %arg7[%mul3A_16, %dma_start3A] : memref<30336x64xf32, #tpu.memory_space<hbm>> -> memref<1896x64xf32, #tpu.memory_space<hbm>>
        %dma_start3A_18 = arith.constant 0 : i32
        %dma_start3A_19 = tpu.memref_slice %arg8[%mul3A_14, %dma_start3A_18] : memref<30336x64xf32, #tpu.memory_space<vmem_shared>> -> memref<1896x64xf32, #tpu.memory_space<vmem_shared>>
        tpu.enqueue_dma source(%dma_start3A_19 : memref<1896x64xf32, #tpu.memory_space<vmem_shared>>) target(%dma_start3A_17 : memref<1896x64xf32, #tpu.memory_space<hbm>>) target_semaphore(%run_scoped3A : memref<!tpu.dma_semaphore, #tpu.memory_space<semaphore_mem>>)
        %dma_wait3A = arith.constant 0 : i32
        %dma_wait3A_20 = tpu.memref_slice %arg7[%mul3A_16, %dma_wait3A] : memref<30336x64xf32, #tpu.memory_space<hbm>> -> memref<1896x64xf32, #tpu.memory_space<hbm>>
        %dma_wait3A_21 = arith.constant 0 : i32
        %dma_wait3A_22 = tpu.memref_slice %arg8[%mul3A_14, %dma_wait3A_21] : memref<30336x64xf32, #tpu.memory_space<vmem_shared>> -> memref<1896x64xf32, #tpu.memory_space<vmem_shared>>
        tpu.wait_dma2 semaphore(%run_scoped3A : memref<!tpu.dma_semaphore, #tpu.memory_space<semaphore_mem>>) src(%dma_wait3A_22 : memref<1896x64xf32, #tpu.memory_space<vmem_shared>>) dst(%dma_wait3A_20 : memref<1896x64xf32, #tpu.memory_space<hbm>>)
        tpu.yield
      }) : () -> ()
    } else {
    }
    return
  }
}

#map = affine_map<(d0, d1) -> (0, 0, 0, 0)>
#map1 = affine_map<(d0, d1) -> (0, 0)>
module attributes {stable_mosaic.version = 14 : i64} {
  func.func @body(%arg0: i32, %arg1: i32, %arg2: memref<16x158x2x128xi32, #tpu.memory_space<hbm>>, %arg3: memref<128x16xf32, #tpu.memory_space<hbm>>, %arg4: memref<1896x16xf32, #tpu.memory_space<hbm>>, %arg5: memref<30336x16xf32, #tpu.memory_space<hbm>>, %arg6: memref<2x128xi32, #tpu.memory_space<vmem>>, %arg7: memref<128x16xf32, #tpu.memory_space<vmem>>, %arg8: memref<30336x16xf32, #tpu.memory_space<vmem_shared>>, %arg9: memref<!tpu.dma_semaphore, #tpu.memory_space<semaphore_mem>>) attributes {dimension_semantics = [#tpu.dimension_semantics<core_parallel>, #tpu.dimension_semantics<subcore_parallel>], iteration_bounds = array<i64: 2, 16>, scalar_prefetch = 0 : i64, scratch_operands = 4 : i64, tpu.core_type = #tpu.core_type<sc_vector_subcore>, window_params = [{transform_indices = #map}, {transform_indices = #map1}, {transform_indices = #map1}, {transform_indices = #map1}]} {
    %eq3A = arith.constant 0 : i32
    %eq3A_0 = arith.cmpi eq, %arg0, %eq3A : i32
    %convert_element_type3A = arith.extui %eq3A_0 : i1 to i32
    %cond3A = arith.constant 0 : i32
    %cond3A_1 = arith.cmpi ne, %convert_element_type3A, %cond3A : i32
    scf.if %cond3A_1 {
      %mul3A = arith.constant 1896 : i32
      %mul3A_2 = arith.muli %arg1, %mul3A : i32
      "tpu.region"() ({
        %run_scoped3A = tpu.sem_alloc : memref<!tpu.dma_semaphore, #tpu.memory_space<semaphore_mem>>
        %dma_start3A = arith.constant 0 : i32
        %dma_start3A_12 = tpu.memref_slice %arg8[%mul3A_2, %dma_start3A] : memref<30336x16xf32, #tpu.memory_space<vmem_shared>> -> memref<1896x16xf32, #tpu.memory_space<vmem_shared>>
        tpu.enqueue_dma source(%arg4 : memref<1896x16xf32, #tpu.memory_space<hbm>>) target(%dma_start3A_12 : memref<1896x16xf32, #tpu.memory_space<vmem_shared>>) target_semaphore(%run_scoped3A : memref<!tpu.dma_semaphore, #tpu.memory_space<semaphore_mem>>)
        %dma_wait3A = arith.constant 0 : i32
        %dma_wait3A_13 = tpu.memref_slice %arg8[%mul3A_2, %dma_wait3A] : memref<30336x16xf32, #tpu.memory_space<vmem_shared>> -> memref<1896x16xf32, #tpu.memory_space<vmem_shared>>
        tpu.wait_dma2 semaphore(%run_scoped3A : memref<!tpu.dma_semaphore, #tpu.memory_space<semaphore_mem>>) src(%arg4 : memref<1896x16xf32, #tpu.memory_space<hbm>>) dst(%dma_wait3A_13 : memref<1896x16xf32, #tpu.memory_space<vmem_shared>>)
        tpu.yield
      }) : () -> ()
      "tpu.region"() ({
        %run_scoped3A = tpu.sem_alloc : memref<!tpu.dma_semaphore, #tpu.memory_space<semaphore_mem>>
        tpu.enqueue_dma source(%arg3 : memref<128x16xf32, #tpu.memory_space<hbm>>) target(%arg7 : memref<128x16xf32, #tpu.memory_space<vmem>>) target_semaphore(%run_scoped3A : memref<!tpu.dma_semaphore, #tpu.memory_space<semaphore_mem>>)
        tpu.wait_dma2 semaphore(%run_scoped3A : memref<!tpu.dma_semaphore, #tpu.memory_space<semaphore_mem>>) src(%arg3 : memref<128x16xf32, #tpu.memory_space<hbm>>) dst(%arg7 : memref<128x16xf32, #tpu.memory_space<vmem>>)
        tpu.yield
      }) : () -> ()
      %barrier3A = arith.constant 0 : index
      tpu.barrier barrier_id(%barrier3A)
      %scan3A = arith.constant 0 : i32
      %scan3A_3 = arith.constant 158 : i32
      %scan3A_4 = arith.addi %scan3A, %scan3A_3 : i32
      %scan3A_5 = arith.constant 1 : i32
      scf.for %scan3A_12 = %scan3A to %scan3A_4 step %scan3A_5  : i32 {
        %mul3A_13 = arith.constant 1 : i32
        %mul3A_14 = arith.muli %scan3A_12, %mul3A_13 : i32
        %add3A = arith.constant 0 : i32
        %add3A_15 = arith.addi %add3A, %mul3A_14 : i32
        "tpu.region"() ({
          %run_scoped3A_16 = tpu.sem_alloc : memref<!tpu.dma_semaphore, #tpu.memory_space<semaphore_mem>>
          %dma_start3A = arith.constant 0 : i32
          %dma_start3A_17 = arith.constant 0 : i32
          %dma_start3A_18 = tpu.memref_slice %arg2[%arg1, %add3A_15, %dma_start3A, %dma_start3A_17] : memref<16x158x2x128xi32, #tpu.memory_space<hbm>> -> memref<1x1x2x128xi32, #tpu.memory_space<hbm>>
          %dma_start3A_19 = tpu.memref_squeeze %dma_start3A_18 : memref<1x1x2x128xi32, #tpu.memory_space<hbm>> -> memref<2x128xi32, #tpu.memory_space<hbm>>
          %dma_start3A_20 = arith.constant 0 : i32
          %dma_start3A_21 = arith.constant 0 : i32
          %dma_start3A_22 = tpu.memref_slice %arg2[%arg1, %add3A_15, %dma_start3A_20, %dma_start3A_21] : memref<16x158x2x128xi32, #tpu.memory_space<hbm>> -> memref<1x1x2x128xi32, #tpu.memory_space<hbm>>
          %dma_start3A_23 = tpu.memref_squeeze %dma_start3A_22 : memref<1x1x2x128xi32, #tpu.memory_space<hbm>> -> memref<2x128xi32, #tpu.memory_space<hbm>>
          tpu.enqueue_dma source(%dma_start3A_23 : memref<2x128xi32, #tpu.memory_space<hbm>>) target(%arg6 : memref<2x128xi32, #tpu.memory_space<vmem>>) target_semaphore(%run_scoped3A_16 : memref<!tpu.dma_semaphore, #tpu.memory_space<semaphore_mem>>)
          %dma_wait3A = arith.constant 0 : i32
          %dma_wait3A_24 = arith.constant 0 : i32
          %dma_wait3A_25 = tpu.memref_slice %arg2[%arg1, %add3A_15, %dma_wait3A, %dma_wait3A_24] : memref<16x158x2x128xi32, #tpu.memory_space<hbm>> -> memref<1x1x2x128xi32, #tpu.memory_space<hbm>>
          %dma_wait3A_26 = tpu.memref_squeeze %dma_wait3A_25 : memref<1x1x2x128xi32, #tpu.memory_space<hbm>> -> memref<2x128xi32, #tpu.memory_space<hbm>>
          %dma_wait3A_27 = arith.constant 0 : i32
          %dma_wait3A_28 = arith.constant 0 : i32
          %dma_wait3A_29 = tpu.memref_slice %arg2[%arg1, %add3A_15, %dma_wait3A_27, %dma_wait3A_28] : memref<16x158x2x128xi32, #tpu.memory_space<hbm>> -> memref<1x1x2x128xi32, #tpu.memory_space<hbm>>
          %dma_wait3A_30 = tpu.memref_squeeze %dma_wait3A_29 : memref<1x1x2x128xi32, #tpu.memory_space<hbm>> -> memref<2x128xi32, #tpu.memory_space<hbm>>
          tpu.wait_dma2 semaphore(%run_scoped3A_16 : memref<!tpu.dma_semaphore, #tpu.memory_space<semaphore_mem>>) src(%dma_wait3A_30 : memref<2x128xi32, #tpu.memory_space<hbm>>) dst(%arg6 : memref<2x128xi32, #tpu.memory_space<vmem>>)
          tpu.yield
        }) : () -> ()
        %run_scoped3A = arith.constant 1 : i32
        "tpu.region"() ({
          %run_scoped3A_16 = tpu.sem_alloc : memref<!tpu.dma_semaphore, #tpu.memory_space<semaphore_mem>>
          %dma_start3A = arith.constant 0 : i32
          %dma_start3A_17 = tpu.memref_slice %arg6[%run_scoped3A, %dma_start3A] : memref<2x128xi32, #tpu.memory_space<vmem>> -> memref<1x128xi32, #tpu.memory_space<vmem>>
          %dma_start3A_18 = tpu.memref_squeeze %dma_start3A_17 : memref<1x128xi32, #tpu.memory_space<vmem>> -> memref<128xi32, #tpu.memory_space<vmem>>
          %dma_start3A_19 = arith.constant 0 : i32
          %dma_start3A_20 = arith.constant 0 : i32
          %dma_start3A_21 = tpu.memref_slice %arg8[%dma_start3A_19, %dma_start3A_20] : memref<30336x16xf32, #tpu.memory_space<vmem_shared>> -> memref<30336x16xf32, #tpu.memory_space<vmem_shared>>
          tpu.enqueue_indirect_dma source(%arg7 : memref<128x16xf32, #tpu.memory_space<vmem>>) target(%dma_start3A_21 : memref<30336x16xf32, #tpu.memory_space<vmem_shared>>) offsets(%dma_start3A_18 : memref<128xi32, #tpu.memory_space<vmem>>) semaphore(%run_scoped3A_16 : memref<!tpu.dma_semaphore, #tpu.memory_space<semaphore_mem>>) {add = true}
          %dma_wait3A = arith.constant 0 : i32
          %dma_wait3A_22 = tpu.memref_slice %arg6[%run_scoped3A, %dma_wait3A] : memref<2x128xi32, #tpu.memory_space<vmem>> -> memref<1x128xi32, #tpu.memory_space<vmem>>
          %dma_wait3A_23 = tpu.memref_squeeze %dma_wait3A_22 : memref<1x128xi32, #tpu.memory_space<vmem>> -> memref<128xi32, #tpu.memory_space<vmem>>
          %dma_wait3A_24 = arith.constant 0 : i32
          %dma_wait3A_25 = arith.constant 0 : i32
          %dma_wait3A_26 = tpu.memref_slice %arg8[%dma_wait3A_24, %dma_wait3A_25] : memref<30336x16xf32, #tpu.memory_space<vmem_shared>> -> memref<30336x16xf32, #tpu.memory_space<vmem_shared>>
          tpu.wait_indirect_dma semaphore(%run_scoped3A_16 : memref<!tpu.dma_semaphore, #tpu.memory_space<semaphore_mem>>) src(%arg7 : memref<128x16xf32, #tpu.memory_space<vmem>>) dst(%dma_wait3A_26 : memref<30336x16xf32, #tpu.memory_space<vmem_shared>>)
          tpu.yield
        }) : () -> ()
      }
      %scan3A_6 = arith.constant 158 : i32
      %barrier3A_7 = arith.constant 0 : index
      tpu.barrier barrier_id(%barrier3A_7)
      %mul3A_8 = arith.constant 1896 : i32
      %mul3A_9 = arith.muli %arg1, %mul3A_8 : i32
      %mul3A_10 = arith.constant 1896 : i32
      %mul3A_11 = arith.muli %arg1, %mul3A_10 : i32
      "tpu.region"() ({
        %run_scoped3A = tpu.sem_alloc : memref<!tpu.dma_semaphore, #tpu.memory_space<semaphore_mem>>
        %dma_start3A = arith.constant 0 : i32
        %dma_start3A_12 = tpu.memref_slice %arg5[%mul3A_11, %dma_start3A] : memref<30336x16xf32, #tpu.memory_space<hbm>> -> memref<1896x16xf32, #tpu.memory_space<hbm>>
        %dma_start3A_13 = arith.constant 0 : i32
        %dma_start3A_14 = tpu.memref_slice %arg8[%mul3A_9, %dma_start3A_13] : memref<30336x16xf32, #tpu.memory_space<vmem_shared>> -> memref<1896x16xf32, #tpu.memory_space<vmem_shared>>
        tpu.enqueue_dma source(%dma_start3A_14 : memref<1896x16xf32, #tpu.memory_space<vmem_shared>>) target(%dma_start3A_12 : memref<1896x16xf32, #tpu.memory_space<hbm>>) target_semaphore(%run_scoped3A : memref<!tpu.dma_semaphore, #tpu.memory_space<semaphore_mem>>)
        %dma_wait3A = arith.constant 0 : i32
        %dma_wait3A_15 = tpu.memref_slice %arg5[%mul3A_11, %dma_wait3A] : memref<30336x16xf32, #tpu.memory_space<hbm>> -> memref<1896x16xf32, #tpu.memory_space<hbm>>
        %dma_wait3A_16 = arith.constant 0 : i32
        %dma_wait3A_17 = tpu.memref_slice %arg8[%mul3A_9, %dma_wait3A_16] : memref<30336x16xf32, #tpu.memory_space<vmem_shared>> -> memref<1896x16xf32, #tpu.memory_space<vmem_shared>>
        tpu.wait_dma2 semaphore(%run_scoped3A : memref<!tpu.dma_semaphore, #tpu.memory_space<semaphore_mem>>) src(%dma_wait3A_17 : memref<1896x16xf32, #tpu.memory_space<vmem_shared>>) dst(%dma_wait3A_15 : memref<1896x16xf32, #tpu.memory_space<hbm>>)
        tpu.yield
      }) : () -> ()
    } else {
    }
    return
  }
}

#map = affine_map<(d0, d1) -> (0, 0)>
#map1 = affine_map<(d0, d1) -> (0, 0, 0, 0)>
module attributes {stable_mosaic.version = 14 : i64} {
  func.func @body(%arg0: i32, %arg1: i32, %arg2: memref<10112x64xf32, #tpu.memory_space<hbm>>, %arg3: memref<10112x64xf32, #tpu.memory_space<hbm>>, %arg4: memref<16x158x2x128xi32, #tpu.memory_space<hbm>>, %arg5: memref<1896x64xf32, #tpu.memory_space<hbm>>, %arg6: memref<30336x64xf32, #tpu.memory_space<hbm>>, %arg7: memref<30336x64xf32, #tpu.memory_space<hbm>>, %arg8: memref<30336x64xf32, #tpu.memory_space<vmem_shared>>) attributes {dimension_semantics = [#tpu.dimension_semantics<core_parallel>, #tpu.dimension_semantics<subcore_parallel>], iteration_bounds = array<i64: 2, 16>, scalar_prefetch = 0 : i64, scratch_operands = 1 : i64, tpu.core_type = #tpu.core_type<sc_vector_subcore>, window_params = [{transform_indices = #map}, {transform_indices = #map}, {transform_indices = #map1}, {transform_indices = #map}, {transform_indices = #map}, {transform_indices = #map}]} {
    %eq3A = arith.constant 0 : i32
    %eq3A_0 = arith.cmpi eq, %arg0, %eq3A : i32
    %convert_element_type3A = arith.extui %eq3A_0 : i1 to i32
    %cond3A = arith.constant 0 : i32
    %cond3A_1 = arith.cmpi ne, %convert_element_type3A, %cond3A : i32
    scf.if %cond3A_1 {
      %mul3A = arith.constant 1896 : i32
      %mul3A_7 = arith.muli %arg1, %mul3A : i32
      "tpu.region"() ({
        %run_scoped3A = tpu.sem_alloc : memref<!tpu.dma_semaphore, #tpu.memory_space<semaphore_mem>>
        %dma_start3A = arith.constant 0 : i32
        %dma_start3A_17 = tpu.memref_slice %arg8[%mul3A_7, %dma_start3A] : memref<30336x64xf32, #tpu.memory_space<vmem_shared>> -> memref<1896x64xf32, #tpu.memory_space<vmem_shared>>
        tpu.enqueue_dma source(%arg5 : memref<1896x64xf32, #tpu.memory_space<hbm>>) target(%dma_start3A_17 : memref<1896x64xf32, #tpu.memory_space<vmem_shared>>) target_semaphore(%run_scoped3A : memref<!tpu.dma_semaphore, #tpu.memory_space<semaphore_mem>>)
        %dma_wait3A = arith.constant 0 : i32
        %dma_wait3A_18 = tpu.memref_slice %arg8[%mul3A_7, %dma_wait3A] : memref<30336x64xf32, #tpu.memory_space<vmem_shared>> -> memref<1896x64xf32, #tpu.memory_space<vmem_shared>>
        tpu.wait_dma2 semaphore(%run_scoped3A : memref<!tpu.dma_semaphore, #tpu.memory_space<semaphore_mem>>) src(%arg5 : memref<1896x64xf32, #tpu.memory_space<hbm>>) dst(%dma_wait3A_18 : memref<1896x64xf32, #tpu.memory_space<vmem_shared>>)
        tpu.yield
      }) : () -> ()
      %barrier3A = arith.constant 0 : index
      tpu.barrier barrier_id(%barrier3A)
      %scan3A = arith.constant 0 : i32
      %scan3A_8 = arith.constant 158 : i32
      %scan3A_9 = arith.addi %scan3A, %scan3A_8 : i32
      %scan3A_10 = arith.constant 1 : i32
      scf.for %scan3A_17 = %scan3A to %scan3A_9 step %scan3A_10  : i32 {
        %mul3A_18 = arith.constant 1 : i32
        %mul3A_19 = arith.muli %scan3A_17, %mul3A_18 : i32
        %add3A = arith.constant 0 : i32
        %add3A_20 = arith.addi %add3A, %mul3A_19 : i32
        "tpu.region"() ({
          %run_scoped3A = memref.alloca() : memref<2x128xi32, #tpu.memory_space<vmem>>
          %run_scoped3A_21 = memref.alloca() : memref<128x64xf32, #tpu.memory_space<vmem>>
          %run_scoped3A_22 = tpu.sem_alloc : memref<!tpu.dma_semaphore, #tpu.memory_space<semaphore_mem>>
          "tpu.region"() ({
            %run_scoped3A_36 = tpu.sem_alloc : memref<!tpu.dma_semaphore, #tpu.memory_space<semaphore_mem>>
            %dma_start3A_37 = arith.constant 0 : i32
            %dma_start3A_38 = arith.constant 0 : i32
            %dma_start3A_39 = tpu.memref_slice %arg4[%arg1, %add3A_20, %dma_start3A_37, %dma_start3A_38] : memref<16x158x2x128xi32, #tpu.memory_space<hbm>> -> memref<1x1x2x128xi32, #tpu.memory_space<hbm>>
            %dma_start3A_40 = tpu.memref_squeeze %dma_start3A_39 : memref<1x1x2x128xi32, #tpu.memory_space<hbm>> -> memref<2x128xi32, #tpu.memory_space<hbm>>
            %dma_start3A_41 = arith.constant 0 : i32
            %dma_start3A_42 = arith.constant 0 : i32
            %dma_start3A_43 = tpu.memref_slice %arg4[%arg1, %add3A_20, %dma_start3A_41, %dma_start3A_42] : memref<16x158x2x128xi32, #tpu.memory_space<hbm>> -> memref<1x1x2x128xi32, #tpu.memory_space<hbm>>
            %dma_start3A_44 = tpu.memref_squeeze %dma_start3A_43 : memref<1x1x2x128xi32, #tpu.memory_space<hbm>> -> memref<2x128xi32, #tpu.memory_space<hbm>>
            tpu.enqueue_dma source(%dma_start3A_44 : memref<2x128xi32, #tpu.memory_space<hbm>>) target(%run_scoped3A : memref<2x128xi32, #tpu.memory_space<vmem>>) target_semaphore(%run_scoped3A_36 : memref<!tpu.dma_semaphore, #tpu.memory_space<semaphore_mem>>)
            %dma_wait3A_45 = arith.constant 0 : i32
            %dma_wait3A_46 = arith.constant 0 : i32
            %dma_wait3A_47 = tpu.memref_slice %arg4[%arg1, %add3A_20, %dma_wait3A_45, %dma_wait3A_46] : memref<16x158x2x128xi32, #tpu.memory_space<hbm>> -> memref<1x1x2x128xi32, #tpu.memory_space<hbm>>
            %dma_wait3A_48 = tpu.memref_squeeze %dma_wait3A_47 : memref<1x1x2x128xi32, #tpu.memory_space<hbm>> -> memref<2x128xi32, #tpu.memory_space<hbm>>
            %dma_wait3A_49 = arith.constant 0 : i32
            %dma_wait3A_50 = arith.constant 0 : i32
            %dma_wait3A_51 = tpu.memref_slice %arg4[%arg1, %add3A_20, %dma_wait3A_49, %dma_wait3A_50] : memref<16x158x2x128xi32, #tpu.memory_space<hbm>> -> memref<1x1x2x128xi32, #tpu.memory_space<hbm>>
            %dma_wait3A_52 = tpu.memref_squeeze %dma_wait3A_51 : memref<1x1x2x128xi32, #tpu.memory_space<hbm>> -> memref<2x128xi32, #tpu.memory_space<hbm>>
            tpu.wait_dma2 semaphore(%run_scoped3A_36 : memref<!tpu.dma_semaphore, #tpu.memory_space<semaphore_mem>>) src(%dma_wait3A_52 : memref<2x128xi32, #tpu.memory_space<hbm>>) dst(%run_scoped3A : memref<2x128xi32, #tpu.memory_space<vmem>>)
            tpu.yield
          }) : () -> ()
          %dma_start3A = arith.constant 0 : i32
          %dma_start3A_23 = arith.constant 0 : i32
          %dma_start3A_24 = tpu.memref_slice %run_scoped3A[%dma_start3A, %dma_start3A_23] : memref<2x128xi32, #tpu.memory_space<vmem>> -> memref<1x128xi32, #tpu.memory_space<vmem>>
          %dma_start3A_25 = tpu.memref_squeeze %dma_start3A_24 : memref<1x128xi32, #tpu.memory_space<vmem>> -> memref<128xi32, #tpu.memory_space<vmem>>
          %dma_start3A_26 = arith.constant 0 : i32
          %dma_start3A_27 = arith.constant 0 : i32
          %dma_start3A_28 = tpu.memref_slice %arg2[%dma_start3A_26, %dma_start3A_27] : memref<10112x64xf32, #tpu.memory_space<hbm>> -> memref<10112x64xf32, #tpu.memory_space<hbm>>
          tpu.enqueue_indirect_dma source(%dma_start3A_28 : memref<10112x64xf32, #tpu.memory_space<hbm>>) target(%run_scoped3A_21 : memref<128x64xf32, #tpu.memory_space<vmem>>) offsets(%dma_start3A_25 : memref<128xi32, #tpu.memory_space<vmem>>) semaphore(%run_scoped3A_22 : memref<!tpu.dma_semaphore, #tpu.memory_space<semaphore_mem>>)
          %dma_wait3A = arith.constant 0 : i32
          %dma_wait3A_29 = arith.constant 0 : i32
          %dma_wait3A_30 = tpu.memref_slice %run_scoped3A[%dma_wait3A, %dma_wait3A_29] : memref<2x128xi32, #tpu.memory_space<vmem>> -> memref<1x128xi32, #tpu.memory_space<vmem>>
          %dma_wait3A_31 = tpu.memref_squeeze %dma_wait3A_30 : memref<1x128xi32, #tpu.memory_space<vmem>> -> memref<128xi32, #tpu.memory_space<vmem>>
          %dma_wait3A_32 = arith.constant 0 : i32
          %dma_wait3A_33 = arith.constant 0 : i32
          %dma_wait3A_34 = tpu.memref_slice %arg2[%dma_wait3A_32, %dma_wait3A_33] : memref<10112x64xf32, #tpu.memory_space<hbm>> -> memref<10112x64xf32, #tpu.memory_space<hbm>>
          tpu.wait_indirect_dma semaphore(%run_scoped3A_22 : memref<!tpu.dma_semaphore, #tpu.memory_space<semaphore_mem>>) src(%dma_wait3A_34 : memref<10112x64xf32, #tpu.memory_space<hbm>>) dst(%run_scoped3A_21 : memref<128x64xf32, #tpu.memory_space<vmem>>)
          %run_scoped3A_35 = arith.constant 1 : i32
          "tpu.region"() ({
            %run_scoped3A_36 = tpu.sem_alloc : memref<!tpu.dma_semaphore, #tpu.memory_space<semaphore_mem>>
            %dma_start3A_37 = arith.constant 0 : i32
            %dma_start3A_38 = tpu.memref_slice %run_scoped3A[%run_scoped3A_35, %dma_start3A_37] : memref<2x128xi32, #tpu.memory_space<vmem>> -> memref<1x128xi32, #tpu.memory_space<vmem>>
            %dma_start3A_39 = tpu.memref_squeeze %dma_start3A_38 : memref<1x128xi32, #tpu.memory_space<vmem>> -> memref<128xi32, #tpu.memory_space<vmem>>
            %dma_start3A_40 = arith.constant 0 : i32
            %dma_start3A_41 = arith.constant 0 : i32
            %dma_start3A_42 = tpu.memref_slice %arg8[%dma_start3A_40, %dma_start3A_41] : memref<30336x64xf32, #tpu.memory_space<vmem_shared>> -> memref<30336x64xf32, #tpu.memory_space<vmem_shared>>
            tpu.enqueue_indirect_dma source(%run_scoped3A_21 : memref<128x64xf32, #tpu.memory_space<vmem>>) target(%dma_start3A_42 : memref<30336x64xf32, #tpu.memory_space<vmem_shared>>) offsets(%dma_start3A_39 : memref<128xi32, #tpu.memory_space<vmem>>) semaphore(%run_scoped3A_36 : memref<!tpu.dma_semaphore, #tpu.memory_space<semaphore_mem>>) {add = true}
            %dma_wait3A_43 = arith.constant 0 : i32
            %dma_wait3A_44 = tpu.memref_slice %run_scoped3A[%run_scoped3A_35, %dma_wait3A_43] : memref<2x128xi32, #tpu.memory_space<vmem>> -> memref<1x128xi32, #tpu.memory_space<vmem>>
            %dma_wait3A_45 = tpu.memref_squeeze %dma_wait3A_44 : memref<1x128xi32, #tpu.memory_space<vmem>> -> memref<128xi32, #tpu.memory_space<vmem>>
            %dma_wait3A_46 = arith.constant 0 : i32
            %dma_wait3A_47 = arith.constant 0 : i32
            %dma_wait3A_48 = tpu.memref_slice %arg8[%dma_wait3A_46, %dma_wait3A_47] : memref<30336x64xf32, #tpu.memory_space<vmem_shared>> -> memref<30336x64xf32, #tpu.memory_space<vmem_shared>>
            tpu.wait_indirect_dma semaphore(%run_scoped3A_36 : memref<!tpu.dma_semaphore, #tpu.memory_space<semaphore_mem>>) src(%run_scoped3A_21 : memref<128x64xf32, #tpu.memory_space<vmem>>) dst(%dma_wait3A_48 : memref<30336x64xf32, #tpu.memory_space<vmem_shared>>)
            tpu.yield
          }) : () -> ()
          tpu.yield
        }) : () -> ()
      }
      %scan3A_11 = arith.constant 158 : i32
      %barrier3A_12 = arith.constant 0 : index
      tpu.barrier barrier_id(%barrier3A_12)
      %mul3A_13 = arith.constant 1896 : i32
      %mul3A_14 = arith.muli %arg1, %mul3A_13 : i32
      %mul3A_15 = arith.constant 1896 : i32
      %mul3A_16 = arith.muli %arg1, %mul3A_15 : i32
      "tpu.region"() ({
        %run_scoped3A = tpu.sem_alloc : memref<!tpu.dma_semaphore, #tpu.memory_space<semaphore_mem>>
        %dma_start3A = arith.constant 0 : i32
        %dma_start3A_17 = tpu.memref_slice %arg6[%mul3A_16, %dma_start3A] : memref<30336x64xf32, #tpu.memory_space<hbm>> -> memref<1896x64xf32, #tpu.memory_space<hbm>>
        %dma_start3A_18 = arith.constant 0 : i32
        %dma_start3A_19 = tpu.memref_slice %arg8[%mul3A_14, %dma_start3A_18] : memref<30336x64xf32, #tpu.memory_space<vmem_shared>> -> memref<1896x64xf32, #tpu.memory_space<vmem_shared>>
        tpu.enqueue_dma source(%dma_start3A_19 : memref<1896x64xf32, #tpu.memory_space<vmem_shared>>) target(%dma_start3A_17 : memref<1896x64xf32, #tpu.memory_space<hbm>>) target_semaphore(%run_scoped3A : memref<!tpu.dma_semaphore, #tpu.memory_space<semaphore_mem>>)
        %dma_wait3A = arith.constant 0 : i32
        %dma_wait3A_20 = tpu.memref_slice %arg6[%mul3A_16, %dma_wait3A] : memref<30336x64xf32, #tpu.memory_space<hbm>> -> memref<1896x64xf32, #tpu.memory_space<hbm>>
        %dma_wait3A_21 = arith.constant 0 : i32
        %dma_wait3A_22 = tpu.memref_slice %arg8[%mul3A_14, %dma_wait3A_21] : memref<30336x64xf32, #tpu.memory_space<vmem_shared>> -> memref<1896x64xf32, #tpu.memory_space<vmem_shared>>
        tpu.wait_dma2 semaphore(%run_scoped3A : memref<!tpu.dma_semaphore, #tpu.memory_space<semaphore_mem>>) src(%dma_wait3A_22 : memref<1896x64xf32, #tpu.memory_space<vmem_shared>>) dst(%dma_wait3A_20 : memref<1896x64xf32, #tpu.memory_space<hbm>>)
        tpu.yield
      }) : () -> ()
    } else {
    }
    %eq3A_2 = arith.constant 1 : i32
    %eq3A_3 = arith.cmpi eq, %arg0, %eq3A_2 : i32
    %convert_element_type3A_4 = arith.extui %eq3A_3 : i1 to i32
    %cond3A_5 = arith.constant 0 : i32
    %cond3A_6 = arith.cmpi ne, %convert_element_type3A_4, %cond3A_5 : i32
    scf.if %cond3A_6 {
      %mul3A = arith.constant 1896 : i32
      %mul3A_7 = arith.muli %arg1, %mul3A : i32
      "tpu.region"() ({
        %run_scoped3A = tpu.sem_alloc : memref<!tpu.dma_semaphore, #tpu.memory_space<semaphore_mem>>
        %dma_start3A = arith.constant 0 : i32
        %dma_start3A_17 = tpu.memref_slice %arg8[%mul3A_7, %dma_start3A] : memref<30336x64xf32, #tpu.memory_space<vmem_shared>> -> memref<1896x64xf32, #tpu.memory_space<vmem_shared>>
        tpu.enqueue_dma source(%arg5 : memref<1896x64xf32, #tpu.memory_space<hbm>>) target(%dma_start3A_17 : memref<1896x64xf32, #tpu.memory_space<vmem_shared>>) target_semaphore(%run_scoped3A : memref<!tpu.dma_semaphore, #tpu.memory_space<semaphore_mem>>)
        %dma_wait3A = arith.constant 0 : i32
        %dma_wait3A_18 = tpu.memref_slice %arg8[%mul3A_7, %dma_wait3A] : memref<30336x64xf32, #tpu.memory_space<vmem_shared>> -> memref<1896x64xf32, #tpu.memory_space<vmem_shared>>
        tpu.wait_dma2 semaphore(%run_scoped3A : memref<!tpu.dma_semaphore, #tpu.memory_space<semaphore_mem>>) src(%arg5 : memref<1896x64xf32, #tpu.memory_space<hbm>>) dst(%dma_wait3A_18 : memref<1896x64xf32, #tpu.memory_space<vmem_shared>>)
        tpu.yield
      }) : () -> ()
      %barrier3A = arith.constant 0 : index
      tpu.barrier barrier_id(%barrier3A)
      %scan3A = arith.constant 0 : i32
      %scan3A_8 = arith.constant 158 : i32
      %scan3A_9 = arith.addi %scan3A, %scan3A_8 : i32
      %scan3A_10 = arith.constant 1 : i32
      scf.for %scan3A_17 = %scan3A to %scan3A_9 step %scan3A_10  : i32 {
        %mul3A_18 = arith.constant 1 : i32
        %mul3A_19 = arith.muli %scan3A_17, %mul3A_18 : i32
        %add3A = arith.constant 0 : i32
        %add3A_20 = arith.addi %add3A, %mul3A_19 : i32
        "tpu.region"() ({
          %run_scoped3A = memref.alloca() : memref<2x128xi32, #tpu.memory_space<vmem>>
          %run_scoped3A_21 = memref.alloca() : memref<128x64xf32, #tpu.memory_space<vmem>>
          %run_scoped3A_22 = tpu.sem_alloc : memref<!tpu.dma_semaphore, #tpu.memory_space<semaphore_mem>>
          "tpu.region"() ({
            %run_scoped3A_36 = tpu.sem_alloc : memref<!tpu.dma_semaphore, #tpu.memory_space<semaphore_mem>>
            %dma_start3A_37 = arith.constant 0 : i32
            %dma_start3A_38 = arith.constant 0 : i32
            %dma_start3A_39 = tpu.memref_slice %arg4[%arg1, %add3A_20, %dma_start3A_37, %dma_start3A_38] : memref<16x158x2x128xi32, #tpu.memory_space<hbm>> -> memref<1x1x2x128xi32, #tpu.memory_space<hbm>>
            %dma_start3A_40 = tpu.memref_squeeze %dma_start3A_39 : memref<1x1x2x128xi32, #tpu.memory_space<hbm>> -> memref<2x128xi32, #tpu.memory_space<hbm>>
            %dma_start3A_41 = arith.constant 0 : i32
            %dma_start3A_42 = arith.constant 0 : i32
            %dma_start3A_43 = tpu.memref_slice %arg4[%arg1, %add3A_20, %dma_start3A_41, %dma_start3A_42] : memref<16x158x2x128xi32, #tpu.memory_space<hbm>> -> memref<1x1x2x128xi32, #tpu.memory_space<hbm>>
            %dma_start3A_44 = tpu.memref_squeeze %dma_start3A_43 : memref<1x1x2x128xi32, #tpu.memory_space<hbm>> -> memref<2x128xi32, #tpu.memory_space<hbm>>
            tpu.enqueue_dma source(%dma_start3A_44 : memref<2x128xi32, #tpu.memory_space<hbm>>) target(%run_scoped3A : memref<2x128xi32, #tpu.memory_space<vmem>>) target_semaphore(%run_scoped3A_36 : memref<!tpu.dma_semaphore, #tpu.memory_space<semaphore_mem>>)
            %dma_wait3A_45 = arith.constant 0 : i32
            %dma_wait3A_46 = arith.constant 0 : i32
            %dma_wait3A_47 = tpu.memref_slice %arg4[%arg1, %add3A_20, %dma_wait3A_45, %dma_wait3A_46] : memref<16x158x2x128xi32, #tpu.memory_space<hbm>> -> memref<1x1x2x128xi32, #tpu.memory_space<hbm>>
            %dma_wait3A_48 = tpu.memref_squeeze %dma_wait3A_47 : memref<1x1x2x128xi32, #tpu.memory_space<hbm>> -> memref<2x128xi32, #tpu.memory_space<hbm>>
            %dma_wait3A_49 = arith.constant 0 : i32
            %dma_wait3A_50 = arith.constant 0 : i32
            %dma_wait3A_51 = tpu.memref_slice %arg4[%arg1, %add3A_20, %dma_wait3A_49, %dma_wait3A_50] : memref<16x158x2x128xi32, #tpu.memory_space<hbm>> -> memref<1x1x2x128xi32, #tpu.memory_space<hbm>>
            %dma_wait3A_52 = tpu.memref_squeeze %dma_wait3A_51 : memref<1x1x2x128xi32, #tpu.memory_space<hbm>> -> memref<2x128xi32, #tpu.memory_space<hbm>>
            tpu.wait_dma2 semaphore(%run_scoped3A_36 : memref<!tpu.dma_semaphore, #tpu.memory_space<semaphore_mem>>) src(%dma_wait3A_52 : memref<2x128xi32, #tpu.memory_space<hbm>>) dst(%run_scoped3A : memref<2x128xi32, #tpu.memory_space<vmem>>)
            tpu.yield
          }) : () -> ()
          %dma_start3A = arith.constant 0 : i32
          %dma_start3A_23 = arith.constant 0 : i32
          %dma_start3A_24 = tpu.memref_slice %run_scoped3A[%dma_start3A, %dma_start3A_23] : memref<2x128xi32, #tpu.memory_space<vmem>> -> memref<1x128xi32, #tpu.memory_space<vmem>>
          %dma_start3A_25 = tpu.memref_squeeze %dma_start3A_24 : memref<1x128xi32, #tpu.memory_space<vmem>> -> memref<128xi32, #tpu.memory_space<vmem>>
          %dma_start3A_26 = arith.constant 0 : i32
          %dma_start3A_27 = arith.constant 0 : i32
          %dma_start3A_28 = tpu.memref_slice %arg3[%dma_start3A_26, %dma_start3A_27] : memref<10112x64xf32, #tpu.memory_space<hbm>> -> memref<10112x64xf32, #tpu.memory_space<hbm>>
          tpu.enqueue_indirect_dma source(%dma_start3A_28 : memref<10112x64xf32, #tpu.memory_space<hbm>>) target(%run_scoped3A_21 : memref<128x64xf32, #tpu.memory_space<vmem>>) offsets(%dma_start3A_25 : memref<128xi32, #tpu.memory_space<vmem>>) semaphore(%run_scoped3A_22 : memref<!tpu.dma_semaphore, #tpu.memory_space<semaphore_mem>>)
          %dma_wait3A = arith.constant 0 : i32
          %dma_wait3A_29 = arith.constant 0 : i32
          %dma_wait3A_30 = tpu.memref_slice %run_scoped3A[%dma_wait3A, %dma_wait3A_29] : memref<2x128xi32, #tpu.memory_space<vmem>> -> memref<1x128xi32, #tpu.memory_space<vmem>>
          %dma_wait3A_31 = tpu.memref_squeeze %dma_wait3A_30 : memref<1x128xi32, #tpu.memory_space<vmem>> -> memref<128xi32, #tpu.memory_space<vmem>>
          %dma_wait3A_32 = arith.constant 0 : i32
          %dma_wait3A_33 = arith.constant 0 : i32
          %dma_wait3A_34 = tpu.memref_slice %arg3[%dma_wait3A_32, %dma_wait3A_33] : memref<10112x64xf32, #tpu.memory_space<hbm>> -> memref<10112x64xf32, #tpu.memory_space<hbm>>
          tpu.wait_indirect_dma semaphore(%run_scoped3A_22 : memref<!tpu.dma_semaphore, #tpu.memory_space<semaphore_mem>>) src(%dma_wait3A_34 : memref<10112x64xf32, #tpu.memory_space<hbm>>) dst(%run_scoped3A_21 : memref<128x64xf32, #tpu.memory_space<vmem>>)
          %run_scoped3A_35 = arith.constant 1 : i32
          "tpu.region"() ({
            %run_scoped3A_36 = tpu.sem_alloc : memref<!tpu.dma_semaphore, #tpu.memory_space<semaphore_mem>>
            %dma_start3A_37 = arith.constant 0 : i32
            %dma_start3A_38 = tpu.memref_slice %run_scoped3A[%run_scoped3A_35, %dma_start3A_37] : memref<2x128xi32, #tpu.memory_space<vmem>> -> memref<1x128xi32, #tpu.memory_space<vmem>>
            %dma_start3A_39 = tpu.memref_squeeze %dma_start3A_38 : memref<1x128xi32, #tpu.memory_space<vmem>> -> memref<128xi32, #tpu.memory_space<vmem>>
            %dma_start3A_40 = arith.constant 0 : i32
            %dma_start3A_41 = arith.constant 0 : i32
            %dma_start3A_42 = tpu.memref_slice %arg8[%dma_start3A_40, %dma_start3A_41] : memref<30336x64xf32, #tpu.memory_space<vmem_shared>> -> memref<30336x64xf32, #tpu.memory_space<vmem_shared>>
            tpu.enqueue_indirect_dma source(%run_scoped3A_21 : memref<128x64xf32, #tpu.memory_space<vmem>>) target(%dma_start3A_42 : memref<30336x64xf32, #tpu.memory_space<vmem_shared>>) offsets(%dma_start3A_39 : memref<128xi32, #tpu.memory_space<vmem>>) semaphore(%run_scoped3A_36 : memref<!tpu.dma_semaphore, #tpu.memory_space<semaphore_mem>>) {add = true}
            %dma_wait3A_43 = arith.constant 0 : i32
            %dma_wait3A_44 = tpu.memref_slice %run_scoped3A[%run_scoped3A_35, %dma_wait3A_43] : memref<2x128xi32, #tpu.memory_space<vmem>> -> memref<1x128xi32, #tpu.memory_space<vmem>>
            %dma_wait3A_45 = tpu.memref_squeeze %dma_wait3A_44 : memref<1x128xi32, #tpu.memory_space<vmem>> -> memref<128xi32, #tpu.memory_space<vmem>>
            %dma_wait3A_46 = arith.constant 0 : i32
            %dma_wait3A_47 = arith.constant 0 : i32
            %dma_wait3A_48 = tpu.memref_slice %arg8[%dma_wait3A_46, %dma_wait3A_47] : memref<30336x64xf32, #tpu.memory_space<vmem_shared>> -> memref<30336x64xf32, #tpu.memory_space<vmem_shared>>
            tpu.wait_indirect_dma semaphore(%run_scoped3A_36 : memref<!tpu.dma_semaphore, #tpu.memory_space<semaphore_mem>>) src(%run_scoped3A_21 : memref<128x64xf32, #tpu.memory_space<vmem>>) dst(%dma_wait3A_48 : memref<30336x64xf32, #tpu.memory_space<vmem_shared>>)
            tpu.yield
          }) : () -> ()
          tpu.yield
        }) : () -> ()
      }
      %scan3A_11 = arith.constant 158 : i32
      %barrier3A_12 = arith.constant 0 : index
      tpu.barrier barrier_id(%barrier3A_12)
      %mul3A_13 = arith.constant 1896 : i32
      %mul3A_14 = arith.muli %arg1, %mul3A_13 : i32
      %mul3A_15 = arith.constant 1896 : i32
      %mul3A_16 = arith.muli %arg1, %mul3A_15 : i32
      "tpu.region"() ({
        %run_scoped3A = tpu.sem_alloc : memref<!tpu.dma_semaphore, #tpu.memory_space<semaphore_mem>>
        %dma_start3A = arith.constant 0 : i32
        %dma_start3A_17 = tpu.memref_slice %arg7[%mul3A_16, %dma_start3A] : memref<30336x64xf32, #tpu.memory_space<hbm>> -> memref<1896x64xf32, #tpu.memory_space<hbm>>
        %dma_start3A_18 = arith.constant 0 : i32
        %dma_start3A_19 = tpu.memref_slice %arg8[%mul3A_14, %dma_start3A_18] : memref<30336x64xf32, #tpu.memory_space<vmem_shared>> -> memref<1896x64xf32, #tpu.memory_space<vmem_shared>>
        tpu.enqueue_dma source(%dma_start3A_19 : memref<1896x64xf32, #tpu.memory_space<vmem_shared>>) target(%dma_start3A_17 : memref<1896x64xf32, #tpu.memory_space<hbm>>) target_semaphore(%run_scoped3A : memref<!tpu.dma_semaphore, #tpu.memory_space<semaphore_mem>>)
        %dma_wait3A = arith.constant 0 : i32
        %dma_wait3A_20 = tpu.memref_slice %arg7[%mul3A_16, %dma_wait3A] : memref<30336x64xf32, #tpu.memory_space<hbm>> -> memref<1896x64xf32, #tpu.memory_space<hbm>>
        %dma_wait3A_21 = arith.constant 0 : i32
        %dma_wait3A_22 = tpu.memref_slice %arg8[%mul3A_14, %dma_wait3A_21] : memref<30336x64xf32, #tpu.memory_space<vmem_shared>> -> memref<1896x64xf32, #tpu.memory_space<vmem_shared>>
        tpu.wait_dma2 semaphore(%run_scoped3A : memref<!tpu.dma_semaphore, #tpu.memory_space<semaphore_mem>>) src(%dma_wait3A_22 : memref<1896x64xf32, #tpu.memory_space<vmem_shared>>) dst(%dma_wait3A_20 : memref<1896x64xf32, #tpu.memory_space<hbm>>)
        tpu.yield
      }) : () -> ()
    } else {
    }
    return
  }
}

#map = affine_map<(d0, d1) -> (0, 0)>
#map1 = affine_map<(d0, d1) -> (0, 0, 0, 0)>
module attributes {stable_mosaic.version = 14 : i64} {
  func.func @body(%arg0: i32, %arg1: i32, %arg2: memref<10112x64xf32, #tpu.memory_space<hbm>>, %arg3: memref<10112x64xf32, #tpu.memory_space<hbm>>, %arg4: memref<16x158x2x128xi32, #tpu.memory_space<hbm>>, %arg5: memref<1896x64xf32, #tpu.memory_space<hbm>>, %arg6: memref<30336x64xf32, #tpu.memory_space<hbm>>, %arg7: memref<30336x64xf32, #tpu.memory_space<hbm>>, %arg8: memref<30336x64xf32, #tpu.memory_space<vmem_shared>>) attributes {dimension_semantics = [#tpu.dimension_semantics<core_parallel>, #tpu.dimension_semantics<subcore_parallel>], iteration_bounds = array<i64: 2, 16>, scalar_prefetch = 0 : i64, scratch_operands = 1 : i64, tpu.core_type = #tpu.core_type<sc_vector_subcore>, window_params = [{transform_indices = #map}, {transform_indices = #map}, {transform_indices = #map1}, {transform_indices = #map}, {transform_indices = #map}, {transform_indices = #map}]} {
    %eq3A = arith.constant 0 : i32
    %eq3A_0 = arith.cmpi eq, %arg0, %eq3A : i32
    %convert_element_type3A = arith.extui %eq3A_0 : i1 to i32
    %cond3A = arith.constant 0 : i32
    %cond3A_1 = arith.cmpi ne, %convert_element_type3A, %cond3A : i32
    scf.if %cond3A_1 {
      %mul3A = arith.constant 1896 : i32
      %mul3A_7 = arith.muli %arg1, %mul3A : i32
      "tpu.region"() ({
        %run_scoped3A = tpu.sem_alloc : memref<!tpu.dma_semaphore, #tpu.memory_space<semaphore_mem>>
        %dma_start3A = arith.constant 0 : i32
        %dma_start3A_17 = tpu.memref_slice %arg8[%mul3A_7, %dma_start3A] : memref<30336x64xf32, #tpu.memory_space<vmem_shared>> -> memref<1896x64xf32, #tpu.memory_space<vmem_shared>>
        tpu.enqueue_dma source(%arg5 : memref<1896x64xf32, #tpu.memory_space<hbm>>) target(%dma_start3A_17 : memref<1896x64xf32, #tpu.memory_space<vmem_shared>>) target_semaphore(%run_scoped3A : memref<!tpu.dma_semaphore, #tpu.memory_space<semaphore_mem>>)
        %dma_wait3A = arith.constant 0 : i32
        %dma_wait3A_18 = tpu.memref_slice %arg8[%mul3A_7, %dma_wait3A] : memref<30336x64xf32, #tpu.memory_space<vmem_shared>> -> memref<1896x64xf32, #tpu.memory_space<vmem_shared>>
        tpu.wait_dma2 semaphore(%run_scoped3A : memref<!tpu.dma_semaphore, #tpu.memory_space<semaphore_mem>>) src(%arg5 : memref<1896x64xf32, #tpu.memory_space<hbm>>) dst(%dma_wait3A_18 : memref<1896x64xf32, #tpu.memory_space<vmem_shared>>)
        tpu.yield
      }) : () -> ()
      %barrier3A = arith.constant 0 : index
      tpu.barrier barrier_id(%barrier3A)
      %scan3A = arith.constant 0 : i32
      %scan3A_8 = arith.constant 158 : i32
      %scan3A_9 = arith.addi %scan3A, %scan3A_8 : i32
      %scan3A_10 = arith.constant 1 : i32
      scf.for %scan3A_17 = %scan3A to %scan3A_9 step %scan3A_10  : i32 {
        %mul3A_18 = arith.constant 1 : i32
        %mul3A_19 = arith.muli %scan3A_17, %mul3A_18 : i32
        %add3A = arith.constant 0 : i32
        %add3A_20 = arith.addi %add3A, %mul3A_19 : i32
        "tpu.region"() ({
          %run_scoped3A = memref.alloca() : memref<2x128xi32, #tpu.memory_space<vmem>>
          %run_scoped3A_21 = memref.alloca() : memref<128x64xf32, #tpu.memory_space<vmem>>
          %run_scoped3A_22 = tpu.sem_alloc : memref<!tpu.dma_semaphore, #tpu.memory_space<semaphore_mem>>
          "tpu.region"() ({
            %run_scoped3A_36 = tpu.sem_alloc : memref<!tpu.dma_semaphore, #tpu.memory_space<semaphore_mem>>
            %dma_start3A_37 = arith.constant 0 : i32
            %dma_start3A_38 = arith.constant 0 : i32
            %dma_start3A_39 = tpu.memref_slice %arg4[%arg1, %add3A_20, %dma_start3A_37, %dma_start3A_38] : memref<16x158x2x128xi32, #tpu.memory_space<hbm>> -> memref<1x1x2x128xi32, #tpu.memory_space<hbm>>
            %dma_start3A_40 = tpu.memref_squeeze %dma_start3A_39 : memref<1x1x2x128xi32, #tpu.memory_space<hbm>> -> memref<2x128xi32, #tpu.memory_space<hbm>>
            %dma_start3A_41 = arith.constant 0 : i32
            %dma_start3A_42 = arith.constant 0 : i32
            %dma_start3A_43 = tpu.memref_slice %arg4[%arg1, %add3A_20, %dma_start3A_41, %dma_start3A_42] : memref<16x158x2x128xi32, #tpu.memory_space<hbm>> -> memref<1x1x2x128xi32, #tpu.memory_space<hbm>>
            %dma_start3A_44 = tpu.memref_squeeze %dma_start3A_43 : memref<1x1x2x128xi32, #tpu.memory_space<hbm>> -> memref<2x128xi32, #tpu.memory_space<hbm>>
            tpu.enqueue_dma source(%dma_start3A_44 : memref<2x128xi32, #tpu.memory_space<hbm>>) target(%run_scoped3A : memref<2x128xi32, #tpu.memory_space<vmem>>) target_semaphore(%run_scoped3A_36 : memref<!tpu.dma_semaphore, #tpu.memory_space<semaphore_mem>>)
            %dma_wait3A_45 = arith.constant 0 : i32
            %dma_wait3A_46 = arith.constant 0 : i32
            %dma_wait3A_47 = tpu.memref_slice %arg4[%arg1, %add3A_20, %dma_wait3A_45, %dma_wait3A_46] : memref<16x158x2x128xi32, #tpu.memory_space<hbm>> -> memref<1x1x2x128xi32, #tpu.memory_space<hbm>>
            %dma_wait3A_48 = tpu.memref_squeeze %dma_wait3A_47 : memref<1x1x2x128xi32, #tpu.memory_space<hbm>> -> memref<2x128xi32, #tpu.memory_space<hbm>>
            %dma_wait3A_49 = arith.constant 0 : i32
            %dma_wait3A_50 = arith.constant 0 : i32
            %dma_wait3A_51 = tpu.memref_slice %arg4[%arg1, %add3A_20, %dma_wait3A_49, %dma_wait3A_50] : memref<16x158x2x128xi32, #tpu.memory_space<hbm>> -> memref<1x1x2x128xi32, #tpu.memory_space<hbm>>
            %dma_wait3A_52 = tpu.memref_squeeze %dma_wait3A_51 : memref<1x1x2x128xi32, #tpu.memory_space<hbm>> -> memref<2x128xi32, #tpu.memory_space<hbm>>
            tpu.wait_dma2 semaphore(%run_scoped3A_36 : memref<!tpu.dma_semaphore, #tpu.memory_space<semaphore_mem>>) src(%dma_wait3A_52 : memref<2x128xi32, #tpu.memory_space<hbm>>) dst(%run_scoped3A : memref<2x128xi32, #tpu.memory_space<vmem>>)
            tpu.yield
          }) : () -> ()
          %dma_start3A = arith.constant 0 : i32
          %dma_start3A_23 = arith.constant 0 : i32
          %dma_start3A_24 = tpu.memref_slice %run_scoped3A[%dma_start3A, %dma_start3A_23] : memref<2x128xi32, #tpu.memory_space<vmem>> -> memref<1x128xi32, #tpu.memory_space<vmem>>
          %dma_start3A_25 = tpu.memref_squeeze %dma_start3A_24 : memref<1x128xi32, #tpu.memory_space<vmem>> -> memref<128xi32, #tpu.memory_space<vmem>>
          %dma_start3A_26 = arith.constant 0 : i32
          %dma_start3A_27 = arith.constant 0 : i32
          %dma_start3A_28 = tpu.memref_slice %arg2[%dma_start3A_26, %dma_start3A_27] : memref<10112x64xf32, #tpu.memory_space<hbm>> -> memref<10112x64xf32, #tpu.memory_space<hbm>>
          tpu.enqueue_indirect_dma source(%dma_start3A_28 : memref<10112x64xf32, #tpu.memory_space<hbm>>) target(%run_scoped3A_21 : memref<128x64xf32, #tpu.memory_space<vmem>>) offsets(%dma_start3A_25 : memref<128xi32, #tpu.memory_space<vmem>>) semaphore(%run_scoped3A_22 : memref<!tpu.dma_semaphore, #tpu.memory_space<semaphore_mem>>)
          %dma_wait3A = arith.constant 0 : i32
          %dma_wait3A_29 = arith.constant 0 : i32
          %dma_wait3A_30 = tpu.memref_slice %run_scoped3A[%dma_wait3A, %dma_wait3A_29] : memref<2x128xi32, #tpu.memory_space<vmem>> -> memref<1x128xi32, #tpu.memory_space<vmem>>
          %dma_wait3A_31 = tpu.memref_squeeze %dma_wait3A_30 : memref<1x128xi32, #tpu.memory_space<vmem>> -> memref<128xi32, #tpu.memory_space<vmem>>
          %dma_wait3A_32 = arith.constant 0 : i32
          %dma_wait3A_33 = arith.constant 0 : i32
          %dma_wait3A_34 = tpu.memref_slice %arg2[%dma_wait3A_32, %dma_wait3A_33] : memref<10112x64xf32, #tpu.memory_space<hbm>> -> memref<10112x64xf32, #tpu.memory_space<hbm>>
          tpu.wait_indirect_dma semaphore(%run_scoped3A_22 : memref<!tpu.dma_semaphore, #tpu.memory_space<semaphore_mem>>) src(%dma_wait3A_34 : memref<10112x64xf32, #tpu.memory_space<hbm>>) dst(%run_scoped3A_21 : memref<128x64xf32, #tpu.memory_space<vmem>>)
          %run_scoped3A_35 = arith.constant 1 : i32
          "tpu.region"() ({
            %run_scoped3A_36 = tpu.sem_alloc : memref<!tpu.dma_semaphore, #tpu.memory_space<semaphore_mem>>
            %dma_start3A_37 = arith.constant 0 : i32
            %dma_start3A_38 = tpu.memref_slice %run_scoped3A[%run_scoped3A_35, %dma_start3A_37] : memref<2x128xi32, #tpu.memory_space<vmem>> -> memref<1x128xi32, #tpu.memory_space<vmem>>
            %dma_start3A_39 = tpu.memref_squeeze %dma_start3A_38 : memref<1x128xi32, #tpu.memory_space<vmem>> -> memref<128xi32, #tpu.memory_space<vmem>>
            %dma_start3A_40 = arith.constant 0 : i32
            %dma_start3A_41 = arith.constant 0 : i32
            %dma_start3A_42 = tpu.memref_slice %arg8[%dma_start3A_40, %dma_start3A_41] : memref<30336x64xf32, #tpu.memory_space<vmem_shared>> -> memref<30336x64xf32, #tpu.memory_space<vmem_shared>>
            tpu.enqueue_indirect_dma source(%run_scoped3A_21 : memref<128x64xf32, #tpu.memory_space<vmem>>) target(%dma_start3A_42 : memref<30336x64xf32, #tpu.memory_space<vmem_shared>>) offsets(%dma_start3A_39 : memref<128xi32, #tpu.memory_space<vmem>>) semaphore(%run_scoped3A_36 : memref<!tpu.dma_semaphore, #tpu.memory_space<semaphore_mem>>) {add = true}
            %dma_wait3A_43 = arith.constant 0 : i32
            %dma_wait3A_44 = tpu.memref_slice %run_scoped3A[%run_scoped3A_35, %dma_wait3A_43] : memref<2x128xi32, #tpu.memory_space<vmem>> -> memref<1x128xi32, #tpu.memory_space<vmem>>
            %dma_wait3A_45 = tpu.memref_squeeze %dma_wait3A_44 : memref<1x128xi32, #tpu.memory_space<vmem>> -> memref<128xi32, #tpu.memory_space<vmem>>
            %dma_wait3A_46 = arith.constant 0 : i32
            %dma_wait3A_47 = arith.constant 0 : i32
            %dma_wait3A_48 = tpu.memref_slice %arg8[%dma_wait3A_46, %dma_wait3A_47] : memref<30336x64xf32, #tpu.memory_space<vmem_shared>> -> memref<30336x64xf32, #tpu.memory_space<vmem_shared>>
            tpu.wait_indirect_dma semaphore(%run_scoped3A_36 : memref<!tpu.dma_semaphore, #tpu.memory_space<semaphore_mem>>) src(%run_scoped3A_21 : memref<128x64xf32, #tpu.memory_space<vmem>>) dst(%dma_wait3A_48 : memref<30336x64xf32, #tpu.memory_space<vmem_shared>>)
            tpu.yield
          }) : () -> ()
          tpu.yield
        }) : () -> ()
      }
      %scan3A_11 = arith.constant 158 : i32
      %barrier3A_12 = arith.constant 0 : index
      tpu.barrier barrier_id(%barrier3A_12)
      %mul3A_13 = arith.constant 1896 : i32
      %mul3A_14 = arith.muli %arg1, %mul3A_13 : i32
      %mul3A_15 = arith.constant 1896 : i32
      %mul3A_16 = arith.muli %arg1, %mul3A_15 : i32
      "tpu.region"() ({
        %run_scoped3A = tpu.sem_alloc : memref<!tpu.dma_semaphore, #tpu.memory_space<semaphore_mem>>
        %dma_start3A = arith.constant 0 : i32
        %dma_start3A_17 = tpu.memref_slice %arg6[%mul3A_16, %dma_start3A] : memref<30336x64xf32, #tpu.memory_space<hbm>> -> memref<1896x64xf32, #tpu.memory_space<hbm>>
        %dma_start3A_18 = arith.constant 0 : i32
        %dma_start3A_19 = tpu.memref_slice %arg8[%mul3A_14, %dma_start3A_18] : memref<30336x64xf32, #tpu.memory_space<vmem_shared>> -> memref<1896x64xf32, #tpu.memory_space<vmem_shared>>
        tpu.enqueue_dma source(%dma_start3A_19 : memref<1896x64xf32, #tpu.memory_space<vmem_shared>>) target(%dma_start3A_17 : memref<1896x64xf32, #tpu.memory_space<hbm>>) target_semaphore(%run_scoped3A : memref<!tpu.dma_semaphore, #tpu.memory_space<semaphore_mem>>)
        %dma_wait3A = arith.constant 0 : i32
        %dma_wait3A_20 = tpu.memref_slice %arg6[%mul3A_16, %dma_wait3A] : memref<30336x64xf32, #tpu.memory_space<hbm>> -> memref<1896x64xf32, #tpu.memory_space<hbm>>
        %dma_wait3A_21 = arith.constant 0 : i32
        %dma_wait3A_22 = tpu.memref_slice %arg8[%mul3A_14, %dma_wait3A_21] : memref<30336x64xf32, #tpu.memory_space<vmem_shared>> -> memref<1896x64xf32, #tpu.memory_space<vmem_shared>>
        tpu.wait_dma2 semaphore(%run_scoped3A : memref<!tpu.dma_semaphore, #tpu.memory_space<semaphore_mem>>) src(%dma_wait3A_22 : memref<1896x64xf32, #tpu.memory_space<vmem_shared>>) dst(%dma_wait3A_20 : memref<1896x64xf32, #tpu.memory_space<hbm>>)
        tpu.yield
      }) : () -> ()
    } else {
    }
    %eq3A_2 = arith.constant 1 : i32
    %eq3A_3 = arith.cmpi eq, %arg0, %eq3A_2 : i32
    %convert_element_type3A_4 = arith.extui %eq3A_3 : i1 to i32
    %cond3A_5 = arith.constant 0 : i32
    %cond3A_6 = arith.cmpi ne, %convert_element_type3A_4, %cond3A_5 : i32
    scf.if %cond3A_6 {
      %mul3A = arith.constant 1896 : i32
      %mul3A_7 = arith.muli %arg1, %mul3A : i32
      "tpu.region"() ({
        %run_scoped3A = tpu.sem_alloc : memref<!tpu.dma_semaphore, #tpu.memory_space<semaphore_mem>>
        %dma_start3A = arith.constant 0 : i32
        %dma_start3A_17 = tpu.memref_slice %arg8[%mul3A_7, %dma_start3A] : memref<30336x64xf32, #tpu.memory_space<vmem_shared>> -> memref<1896x64xf32, #tpu.memory_space<vmem_shared>>
        tpu.enqueue_dma source(%arg5 : memref<1896x64xf32, #tpu.memory_space<hbm>>) target(%dma_start3A_17 : memref<1896x64xf32, #tpu.memory_space<vmem_shared>>) target_semaphore(%run_scoped3A : memref<!tpu.dma_semaphore, #tpu.memory_space<semaphore_mem>>)
        %dma_wait3A = arith.constant 0 : i32
        %dma_wait3A_18 = tpu.memref_slice %arg8[%mul3A_7, %dma_wait3A] : memref<30336x64xf32, #tpu.memory_space<vmem_shared>> -> memref<1896x64xf32, #tpu.memory_space<vmem_shared>>
        tpu.wait_dma2 semaphore(%run_scoped3A : memref<!tpu.dma_semaphore, #tpu.memory_space<semaphore_mem>>) src(%arg5 : memref<1896x64xf32, #tpu.memory_space<hbm>>) dst(%dma_wait3A_18 : memref<1896x64xf32, #tpu.memory_space<vmem_shared>>)
        tpu.yield
      }) : () -> ()
      %barrier3A = arith.constant 0 : index
      tpu.barrier barrier_id(%barrier3A)
      %scan3A = arith.constant 0 : i32
      %scan3A_8 = arith.constant 158 : i32
      %scan3A_9 = arith.addi %scan3A, %scan3A_8 : i32
      %scan3A_10 = arith.constant 1 : i32
      scf.for %scan3A_17 = %scan3A to %scan3A_9 step %scan3A_10  : i32 {
        %mul3A_18 = arith.constant 1 : i32
        %mul3A_19 = arith.muli %scan3A_17, %mul3A_18 : i32
        %add3A = arith.constant 0 : i32
        %add3A_20 = arith.addi %add3A, %mul3A_19 : i32
        "tpu.region"() ({
          %run_scoped3A = memref.alloca() : memref<2x128xi32, #tpu.memory_space<vmem>>
          %run_scoped3A_21 = memref.alloca() : memref<128x64xf32, #tpu.memory_space<vmem>>
          %run_scoped3A_22 = tpu.sem_alloc : memref<!tpu.dma_semaphore, #tpu.memory_space<semaphore_mem>>
          "tpu.region"() ({
            %run_scoped3A_36 = tpu.sem_alloc : memref<!tpu.dma_semaphore, #tpu.memory_space<semaphore_mem>>
            %dma_start3A_37 = arith.constant 0 : i32
            %dma_start3A_38 = arith.constant 0 : i32
            %dma_start3A_39 = tpu.memref_slice %arg4[%arg1, %add3A_20, %dma_start3A_37, %dma_start3A_38] : memref<16x158x2x128xi32, #tpu.memory_space<hbm>> -> memref<1x1x2x128xi32, #tpu.memory_space<hbm>>
            %dma_start3A_40 = tpu.memref_squeeze %dma_start3A_39 : memref<1x1x2x128xi32, #tpu.memory_space<hbm>> -> memref<2x128xi32, #tpu.memory_space<hbm>>
            %dma_start3A_41 = arith.constant 0 : i32
            %dma_start3A_42 = arith.constant 0 : i32
            %dma_start3A_43 = tpu.memref_slice %arg4[%arg1, %add3A_20, %dma_start3A_41, %dma_start3A_42] : memref<16x158x2x128xi32, #tpu.memory_space<hbm>> -> memref<1x1x2x128xi32, #tpu.memory_space<hbm>>
            %dma_start3A_44 = tpu.memref_squeeze %dma_start3A_43 : memref<1x1x2x128xi32, #tpu.memory_space<hbm>> -> memref<2x128xi32, #tpu.memory_space<hbm>>
            tpu.enqueue_dma source(%dma_start3A_44 : memref<2x128xi32, #tpu.memory_space<hbm>>) target(%run_scoped3A : memref<2x128xi32, #tpu.memory_space<vmem>>) target_semaphore(%run_scoped3A_36 : memref<!tpu.dma_semaphore, #tpu.memory_space<semaphore_mem>>)
            %dma_wait3A_45 = arith.constant 0 : i32
            %dma_wait3A_46 = arith.constant 0 : i32
            %dma_wait3A_47 = tpu.memref_slice %arg4[%arg1, %add3A_20, %dma_wait3A_45, %dma_wait3A_46] : memref<16x158x2x128xi32, #tpu.memory_space<hbm>> -> memref<1x1x2x128xi32, #tpu.memory_space<hbm>>
            %dma_wait3A_48 = tpu.memref_squeeze %dma_wait3A_47 : memref<1x1x2x128xi32, #tpu.memory_space<hbm>> -> memref<2x128xi32, #tpu.memory_space<hbm>>
            %dma_wait3A_49 = arith.constant 0 : i32
            %dma_wait3A_50 = arith.constant 0 : i32
            %dma_wait3A_51 = tpu.memref_slice %arg4[%arg1, %add3A_20, %dma_wait3A_49, %dma_wait3A_50] : memref<16x158x2x128xi32, #tpu.memory_space<hbm>> -> memref<1x1x2x128xi32, #tpu.memory_space<hbm>>
            %dma_wait3A_52 = tpu.memref_squeeze %dma_wait3A_51 : memref<1x1x2x128xi32, #tpu.memory_space<hbm>> -> memref<2x128xi32, #tpu.memory_space<hbm>>
            tpu.wait_dma2 semaphore(%run_scoped3A_36 : memref<!tpu.dma_semaphore, #tpu.memory_space<semaphore_mem>>) src(%dma_wait3A_52 : memref<2x128xi32, #tpu.memory_space<hbm>>) dst(%run_scoped3A : memref<2x128xi32, #tpu.memory_space<vmem>>)
            tpu.yield
          }) : () -> ()
          %dma_start3A = arith.constant 0 : i32
          %dma_start3A_23 = arith.constant 0 : i32
          %dma_start3A_24 = tpu.memref_slice %run_scoped3A[%dma_start3A, %dma_start3A_23] : memref<2x128xi32, #tpu.memory_space<vmem>> -> memref<1x128xi32, #tpu.memory_space<vmem>>
          %dma_start3A_25 = tpu.memref_squeeze %dma_start3A_24 : memref<1x128xi32, #tpu.memory_space<vmem>> -> memref<128xi32, #tpu.memory_space<vmem>>
          %dma_start3A_26 = arith.constant 0 : i32
          %dma_start3A_27 = arith.constant 0 : i32
          %dma_start3A_28 = tpu.memref_slice %arg3[%dma_start3A_26, %dma_start3A_27] : memref<10112x64xf32, #tpu.memory_space<hbm>> -> memref<10112x64xf32, #tpu.memory_space<hbm>>
          tpu.enqueue_indirect_dma source(%dma_start3A_28 : memref<10112x64xf32, #tpu.memory_space<hbm>>) target(%run_scoped3A_21 : memref<128x64xf32, #tpu.memory_space<vmem>>) offsets(%dma_start3A_25 : memref<128xi32, #tpu.memory_space<vmem>>) semaphore(%run_scoped3A_22 : memref<!tpu.dma_semaphore, #tpu.memory_space<semaphore_mem>>)
          %dma_wait3A = arith.constant 0 : i32
          %dma_wait3A_29 = arith.constant 0 : i32
          %dma_wait3A_30 = tpu.memref_slice %run_scoped3A[%dma_wait3A, %dma_wait3A_29] : memref<2x128xi32, #tpu.memory_space<vmem>> -> memref<1x128xi32, #tpu.memory_space<vmem>>
          %dma_wait3A_31 = tpu.memref_squeeze %dma_wait3A_30 : memref<1x128xi32, #tpu.memory_space<vmem>> -> memref<128xi32, #tpu.memory_space<vmem>>
          %dma_wait3A_32 = arith.constant 0 : i32
          %dma_wait3A_33 = arith.constant 0 : i32
          %dma_wait3A_34 = tpu.memref_slice %arg3[%dma_wait3A_32, %dma_wait3A_33] : memref<10112x64xf32, #tpu.memory_space<hbm>> -> memref<10112x64xf32, #tpu.memory_space<hbm>>
          tpu.wait_indirect_dma semaphore(%run_scoped3A_22 : memref<!tpu.dma_semaphore, #tpu.memory_space<semaphore_mem>>) src(%dma_wait3A_34 : memref<10112x64xf32, #tpu.memory_space<hbm>>) dst(%run_scoped3A_21 : memref<128x64xf32, #tpu.memory_space<vmem>>)
          %run_scoped3A_35 = arith.constant 1 : i32
          "tpu.region"() ({
            %run_scoped3A_36 = tpu.sem_alloc : memref<!tpu.dma_semaphore, #tpu.memory_space<semaphore_mem>>
            %dma_start3A_37 = arith.constant 0 : i32
            %dma_start3A_38 = tpu.memref_slice %run_scoped3A[%run_scoped3A_35, %dma_start3A_37] : memref<2x128xi32, #tpu.memory_space<vmem>> -> memref<1x128xi32, #tpu.memory_space<vmem>>
            %dma_start3A_39 = tpu.memref_squeeze %dma_start3A_38 : memref<1x128xi32, #tpu.memory_space<vmem>> -> memref<128xi32, #tpu.memory_space<vmem>>
            %dma_start3A_40 = arith.constant 0 : i32
            %dma_start3A_41 = arith.constant 0 : i32
            %dma_start3A_42 = tpu.memref_slice %arg8[%dma_start3A_40, %dma_start3A_41] : memref<30336x64xf32, #tpu.memory_space<vmem_shared>> -> memref<30336x64xf32, #tpu.memory_space<vmem_shared>>
            tpu.enqueue_indirect_dma source(%run_scoped3A_21 : memref<128x64xf32, #tpu.memory_space<vmem>>) target(%dma_start3A_42 : memref<30336x64xf32, #tpu.memory_space<vmem_shared>>) offsets(%dma_start3A_39 : memref<128xi32, #tpu.memory_space<vmem>>) semaphore(%run_scoped3A_36 : memref<!tpu.dma_semaphore, #tpu.memory_space<semaphore_mem>>) {add = true}
            %dma_wait3A_43 = arith.constant 0 : i32
            %dma_wait3A_44 = tpu.memref_slice %run_scoped3A[%run_scoped3A_35, %dma_wait3A_43] : memref<2x128xi32, #tpu.memory_space<vmem>> -> memref<1x128xi32, #tpu.memory_space<vmem>>
            %dma_wait3A_45 = tpu.memref_squeeze %dma_wait3A_44 : memref<1x128xi32, #tpu.memory_space<vmem>> -> memref<128xi32, #tpu.memory_space<vmem>>
            %dma_wait3A_46 = arith.constant 0 : i32
            %dma_wait3A_47 = arith.constant 0 : i32
            %dma_wait3A_48 = tpu.memref_slice %arg8[%dma_wait3A_46, %dma_wait3A_47] : memref<30336x64xf32, #tpu.memory_space<vmem_shared>> -> memref<30336x64xf32, #tpu.memory_space<vmem_shared>>
            tpu.wait_indirect_dma semaphore(%run_scoped3A_36 : memref<!tpu.dma_semaphore, #tpu.memory_space<semaphore_mem>>) src(%run_scoped3A_21 : memref<128x64xf32, #tpu.memory_space<vmem>>) dst(%dma_wait3A_48 : memref<30336x64xf32, #tpu.memory_space<vmem_shared>>)
            tpu.yield
          }) : () -> ()
          tpu.yield
        }) : () -> ()
      }
      %scan3A_11 = arith.constant 158 : i32
      %barrier3A_12 = arith.constant 0 : index
      tpu.barrier barrier_id(%barrier3A_12)
      %mul3A_13 = arith.constant 1896 : i32
      %mul3A_14 = arith.muli %arg1, %mul3A_13 : i32
      %mul3A_15 = arith.constant 1896 : i32
      %mul3A_16 = arith.muli %arg1, %mul3A_15 : i32
      "tpu.region"() ({
        %run_scoped3A = tpu.sem_alloc : memref<!tpu.dma_semaphore, #tpu.memory_space<semaphore_mem>>
        %dma_start3A = arith.constant 0 : i32
        %dma_start3A_17 = tpu.memref_slice %arg7[%mul3A_16, %dma_start3A] : memref<30336x64xf32, #tpu.memory_space<hbm>> -> memref<1896x64xf32, #tpu.memory_space<hbm>>
        %dma_start3A_18 = arith.constant 0 : i32
        %dma_start3A_19 = tpu.memref_slice %arg8[%mul3A_14, %dma_start3A_18] : memref<30336x64xf32, #tpu.memory_space<vmem_shared>> -> memref<1896x64xf32, #tpu.memory_space<vmem_shared>>
        tpu.enqueue_dma source(%dma_start3A_19 : memref<1896x64xf32, #tpu.memory_space<vmem_shared>>) target(%dma_start3A_17 : memref<1896x64xf32, #tpu.memory_space<hbm>>) target_semaphore(%run_scoped3A : memref<!tpu.dma_semaphore, #tpu.memory_space<semaphore_mem>>)
        %dma_wait3A = arith.constant 0 : i32
        %dma_wait3A_20 = tpu.memref_slice %arg7[%mul3A_16, %dma_wait3A] : memref<30336x64xf32, #tpu.memory_space<hbm>> -> memref<1896x64xf32, #tpu.memory_space<hbm>>
        %dma_wait3A_21 = arith.constant 0 : i32
        %dma_wait3A_22 = tpu.memref_slice %arg8[%mul3A_14, %dma_wait3A_21] : memref<30336x64xf32, #tpu.memory_space<vmem_shared>> -> memref<1896x64xf32, #tpu.memory_space<vmem_shared>>
        tpu.wait_dma2 semaphore(%run_scoped3A : memref<!tpu.dma_semaphore, #tpu.memory_space<semaphore_mem>>) src(%dma_wait3A_22 : memref<1896x64xf32, #tpu.memory_space<vmem_shared>>) dst(%dma_wait3A_20 : memref<1896x64xf32, #tpu.memory_space<hbm>>)
        tpu.yield
      }) : () -> ()
    } else {
    }
    return
  }
}

#map = affine_map<(d0, d1) -> (0, 0)>
#map1 = affine_map<(d0, d1) -> (0, 0, 0, 0)>
module attributes {stable_mosaic.version = 14 : i64} {
  func.func @body(%arg0: i32, %arg1: i32, %arg2: memref<10112x64xf32, #tpu.memory_space<hbm>>, %arg3: memref<10112x64xf32, #tpu.memory_space<hbm>>, %arg4: memref<16x158x2x128xi32, #tpu.memory_space<hbm>>, %arg5: memref<1896x64xf32, #tpu.memory_space<hbm>>, %arg6: memref<30336x64xf32, #tpu.memory_space<hbm>>, %arg7: memref<30336x64xf32, #tpu.memory_space<hbm>>, %arg8: memref<30336x64xf32, #tpu.memory_space<vmem_shared>>) attributes {dimension_semantics = [#tpu.dimension_semantics<core_parallel>, #tpu.dimension_semantics<subcore_parallel>], iteration_bounds = array<i64: 2, 16>, scalar_prefetch = 0 : i64, scratch_operands = 1 : i64, tpu.core_type = #tpu.core_type<sc_vector_subcore>, window_params = [{transform_indices = #map}, {transform_indices = #map}, {transform_indices = #map1}, {transform_indices = #map}, {transform_indices = #map}, {transform_indices = #map}]} {
    %eq3A = arith.constant 0 : i32
    %eq3A_0 = arith.cmpi eq, %arg0, %eq3A : i32
    %convert_element_type3A = arith.extui %eq3A_0 : i1 to i32
    %cond3A = arith.constant 0 : i32
    %cond3A_1 = arith.cmpi ne, %convert_element_type3A, %cond3A : i32
    scf.if %cond3A_1 {
      %mul3A = arith.constant 1896 : i32
      %mul3A_7 = arith.muli %arg1, %mul3A : i32
      "tpu.region"() ({
        %run_scoped3A = tpu.sem_alloc : memref<!tpu.dma_semaphore, #tpu.memory_space<semaphore_mem>>
        %dma_start3A = arith.constant 0 : i32
        %dma_start3A_17 = tpu.memref_slice %arg8[%mul3A_7, %dma_start3A] : memref<30336x64xf32, #tpu.memory_space<vmem_shared>> -> memref<1896x64xf32, #tpu.memory_space<vmem_shared>>
        tpu.enqueue_dma source(%arg5 : memref<1896x64xf32, #tpu.memory_space<hbm>>) target(%dma_start3A_17 : memref<1896x64xf32, #tpu.memory_space<vmem_shared>>) target_semaphore(%run_scoped3A : memref<!tpu.dma_semaphore, #tpu.memory_space<semaphore_mem>>)
        %dma_wait3A = arith.constant 0 : i32
        %dma_wait3A_18 = tpu.memref_slice %arg8[%mul3A_7, %dma_wait3A] : memref<30336x64xf32, #tpu.memory_space<vmem_shared>> -> memref<1896x64xf32, #tpu.memory_space<vmem_shared>>
        tpu.wait_dma2 semaphore(%run_scoped3A : memref<!tpu.dma_semaphore, #tpu.memory_space<semaphore_mem>>) src(%arg5 : memref<1896x64xf32, #tpu.memory_space<hbm>>) dst(%dma_wait3A_18 : memref<1896x64xf32, #tpu.memory_space<vmem_shared>>)
        tpu.yield
      }) : () -> ()
      %barrier3A = arith.constant 0 : index
      tpu.barrier barrier_id(%barrier3A)
      %scan3A = arith.constant 0 : i32
      %scan3A_8 = arith.constant 158 : i32
      %scan3A_9 = arith.addi %scan3A, %scan3A_8 : i32
      %scan3A_10 = arith.constant 1 : i32
      scf.for %scan3A_17 = %scan3A to %scan3A_9 step %scan3A_10  : i32 {
        %mul3A_18 = arith.constant 1 : i32
        %mul3A_19 = arith.muli %scan3A_17, %mul3A_18 : i32
        %add3A = arith.constant 0 : i32
        %add3A_20 = arith.addi %add3A, %mul3A_19 : i32
        "tpu.region"() ({
          %run_scoped3A = memref.alloca() : memref<2x128xi32, #tpu.memory_space<vmem>>
          %run_scoped3A_21 = memref.alloca() : memref<128x64xf32, #tpu.memory_space<vmem>>
          %run_scoped3A_22 = tpu.sem_alloc : memref<!tpu.dma_semaphore, #tpu.memory_space<semaphore_mem>>
          "tpu.region"() ({
            %run_scoped3A_36 = tpu.sem_alloc : memref<!tpu.dma_semaphore, #tpu.memory_space<semaphore_mem>>
            %dma_start3A_37 = arith.constant 0 : i32
            %dma_start3A_38 = arith.constant 0 : i32
            %dma_start3A_39 = tpu.memref_slice %arg4[%arg1, %add3A_20, %dma_start3A_37, %dma_start3A_38] : memref<16x158x2x128xi32, #tpu.memory_space<hbm>> -> memref<1x1x2x128xi32, #tpu.memory_space<hbm>>
            %dma_start3A_40 = tpu.memref_squeeze %dma_start3A_39 : memref<1x1x2x128xi32, #tpu.memory_space<hbm>> -> memref<2x128xi32, #tpu.memory_space<hbm>>
            %dma_start3A_41 = arith.constant 0 : i32
            %dma_start3A_42 = arith.constant 0 : i32
            %dma_start3A_43 = tpu.memref_slice %arg4[%arg1, %add3A_20, %dma_start3A_41, %dma_start3A_42] : memref<16x158x2x128xi32, #tpu.memory_space<hbm>> -> memref<1x1x2x128xi32, #tpu.memory_space<hbm>>
            %dma_start3A_44 = tpu.memref_squeeze %dma_start3A_43 : memref<1x1x2x128xi32, #tpu.memory_space<hbm>> -> memref<2x128xi32, #tpu.memory_space<hbm>>
            tpu.enqueue_dma source(%dma_start3A_44 : memref<2x128xi32, #tpu.memory_space<hbm>>) target(%run_scoped3A : memref<2x128xi32, #tpu.memory_space<vmem>>) target_semaphore(%run_scoped3A_36 : memref<!tpu.dma_semaphore, #tpu.memory_space<semaphore_mem>>)
            %dma_wait3A_45 = arith.constant 0 : i32
            %dma_wait3A_46 = arith.constant 0 : i32
            %dma_wait3A_47 = tpu.memref_slice %arg4[%arg1, %add3A_20, %dma_wait3A_45, %dma_wait3A_46] : memref<16x158x2x128xi32, #tpu.memory_space<hbm>> -> memref<1x1x2x128xi32, #tpu.memory_space<hbm>>
            %dma_wait3A_48 = tpu.memref_squeeze %dma_wait3A_47 : memref<1x1x2x128xi32, #tpu.memory_space<hbm>> -> memref<2x128xi32, #tpu.memory_space<hbm>>
            %dma_wait3A_49 = arith.constant 0 : i32
            %dma_wait3A_50 = arith.constant 0 : i32
            %dma_wait3A_51 = tpu.memref_slice %arg4[%arg1, %add3A_20, %dma_wait3A_49, %dma_wait3A_50] : memref<16x158x2x128xi32, #tpu.memory_space<hbm>> -> memref<1x1x2x128xi32, #tpu.memory_space<hbm>>
            %dma_wait3A_52 = tpu.memref_squeeze %dma_wait3A_51 : memref<1x1x2x128xi32, #tpu.memory_space<hbm>> -> memref<2x128xi32, #tpu.memory_space<hbm>>
            tpu.wait_dma2 semaphore(%run_scoped3A_36 : memref<!tpu.dma_semaphore, #tpu.memory_space<semaphore_mem>>) src(%dma_wait3A_52 : memref<2x128xi32, #tpu.memory_space<hbm>>) dst(%run_scoped3A : memref<2x128xi32, #tpu.memory_space<vmem>>)
            tpu.yield
          }) : () -> ()
          %dma_start3A = arith.constant 0 : i32
          %dma_start3A_23 = arith.constant 0 : i32
          %dma_start3A_24 = tpu.memref_slice %run_scoped3A[%dma_start3A, %dma_start3A_23] : memref<2x128xi32, #tpu.memory_space<vmem>> -> memref<1x128xi32, #tpu.memory_space<vmem>>
          %dma_start3A_25 = tpu.memref_squeeze %dma_start3A_24 : memref<1x128xi32, #tpu.memory_space<vmem>> -> memref<128xi32, #tpu.memory_space<vmem>>
          %dma_start3A_26 = arith.constant 0 : i32
          %dma_start3A_27 = arith.constant 0 : i32
          %dma_start3A_28 = tpu.memref_slice %arg2[%dma_start3A_26, %dma_start3A_27] : memref<10112x64xf32, #tpu.memory_space<hbm>> -> memref<10112x64xf32, #tpu.memory_space<hbm>>
          tpu.enqueue_indirect_dma source(%dma_start3A_28 : memref<10112x64xf32, #tpu.memory_space<hbm>>) target(%run_scoped3A_21 : memref<128x64xf32, #tpu.memory_space<vmem>>) offsets(%dma_start3A_25 : memref<128xi32, #tpu.memory_space<vmem>>) semaphore(%run_scoped3A_22 : memref<!tpu.dma_semaphore, #tpu.memory_space<semaphore_mem>>)
          %dma_wait3A = arith.constant 0 : i32
          %dma_wait3A_29 = arith.constant 0 : i32
          %dma_wait3A_30 = tpu.memref_slice %run_scoped3A[%dma_wait3A, %dma_wait3A_29] : memref<2x128xi32, #tpu.memory_space<vmem>> -> memref<1x128xi32, #tpu.memory_space<vmem>>
          %dma_wait3A_31 = tpu.memref_squeeze %dma_wait3A_30 : memref<1x128xi32, #tpu.memory_space<vmem>> -> memref<128xi32, #tpu.memory_space<vmem>>
          %dma_wait3A_32 = arith.constant 0 : i32
          %dma_wait3A_33 = arith.constant 0 : i32
          %dma_wait3A_34 = tpu.memref_slice %arg2[%dma_wait3A_32, %dma_wait3A_33] : memref<10112x64xf32, #tpu.memory_space<hbm>> -> memref<10112x64xf32, #tpu.memory_space<hbm>>
          tpu.wait_indirect_dma semaphore(%run_scoped3A_22 : memref<!tpu.dma_semaphore, #tpu.memory_space<semaphore_mem>>) src(%dma_wait3A_34 : memref<10112x64xf32, #tpu.memory_space<hbm>>) dst(%run_scoped3A_21 : memref<128x64xf32, #tpu.memory_space<vmem>>)
          %run_scoped3A_35 = arith.constant 1 : i32
          "tpu.region"() ({
            %run_scoped3A_36 = tpu.sem_alloc : memref<!tpu.dma_semaphore, #tpu.memory_space<semaphore_mem>>
            %dma_start3A_37 = arith.constant 0 : i32
            %dma_start3A_38 = tpu.memref_slice %run_scoped3A[%run_scoped3A_35, %dma_start3A_37] : memref<2x128xi32, #tpu.memory_space<vmem>> -> memref<1x128xi32, #tpu.memory_space<vmem>>
            %dma_start3A_39 = tpu.memref_squeeze %dma_start3A_38 : memref<1x128xi32, #tpu.memory_space<vmem>> -> memref<128xi32, #tpu.memory_space<vmem>>
            %dma_start3A_40 = arith.constant 0 : i32
            %dma_start3A_41 = arith.constant 0 : i32
            %dma_start3A_42 = tpu.memref_slice %arg8[%dma_start3A_40, %dma_start3A_41] : memref<30336x64xf32, #tpu.memory_space<vmem_shared>> -> memref<30336x64xf32, #tpu.memory_space<vmem_shared>>
            tpu.enqueue_indirect_dma source(%run_scoped3A_21 : memref<128x64xf32, #tpu.memory_space<vmem>>) target(%dma_start3A_42 : memref<30336x64xf32, #tpu.memory_space<vmem_shared>>) offsets(%dma_start3A_39 : memref<128xi32, #tpu.memory_space<vmem>>) semaphore(%run_scoped3A_36 : memref<!tpu.dma_semaphore, #tpu.memory_space<semaphore_mem>>) {add = true}
            %dma_wait3A_43 = arith.constant 0 : i32
            %dma_wait3A_44 = tpu.memref_slice %run_scoped3A[%run_scoped3A_35, %dma_wait3A_43] : memref<2x128xi32, #tpu.memory_space<vmem>> -> memref<1x128xi32, #tpu.memory_space<vmem>>
            %dma_wait3A_45 = tpu.memref_squeeze %dma_wait3A_44 : memref<1x128xi32, #tpu.memory_space<vmem>> -> memref<128xi32, #tpu.memory_space<vmem>>
            %dma_wait3A_46 = arith.constant 0 : i32
            %dma_wait3A_47 = arith.constant 0 : i32
            %dma_wait3A_48 = tpu.memref_slice %arg8[%dma_wait3A_46, %dma_wait3A_47] : memref<30336x64xf32, #tpu.memory_space<vmem_shared>> -> memref<30336x64xf32, #tpu.memory_space<vmem_shared>>
            tpu.wait_indirect_dma semaphore(%run_scoped3A_36 : memref<!tpu.dma_semaphore, #tpu.memory_space<semaphore_mem>>) src(%run_scoped3A_21 : memref<128x64xf32, #tpu.memory_space<vmem>>) dst(%dma_wait3A_48 : memref<30336x64xf32, #tpu.memory_space<vmem_shared>>)
            tpu.yield
          }) : () -> ()
          tpu.yield
        }) : () -> ()
      }
      %scan3A_11 = arith.constant 158 : i32
      %barrier3A_12 = arith.constant 0 : index
      tpu.barrier barrier_id(%barrier3A_12)
      %mul3A_13 = arith.constant 1896 : i32
      %mul3A_14 = arith.muli %arg1, %mul3A_13 : i32
      %mul3A_15 = arith.constant 1896 : i32
      %mul3A_16 = arith.muli %arg1, %mul3A_15 : i32
      "tpu.region"() ({
        %run_scoped3A = tpu.sem_alloc : memref<!tpu.dma_semaphore, #tpu.memory_space<semaphore_mem>>
        %dma_start3A = arith.constant 0 : i32
        %dma_start3A_17 = tpu.memref_slice %arg6[%mul3A_16, %dma_start3A] : memref<30336x64xf32, #tpu.memory_space<hbm>> -> memref<1896x64xf32, #tpu.memory_space<hbm>>
        %dma_start3A_18 = arith.constant 0 : i32
        %dma_start3A_19 = tpu.memref_slice %arg8[%mul3A_14, %dma_start3A_18] : memref<30336x64xf32, #tpu.memory_space<vmem_shared>> -> memref<1896x64xf32, #tpu.memory_space<vmem_shared>>
        tpu.enqueue_dma source(%dma_start3A_19 : memref<1896x64xf32, #tpu.memory_space<vmem_shared>>) target(%dma_start3A_17 : memref<1896x64xf32, #tpu.memory_space<hbm>>) target_semaphore(%run_scoped3A : memref<!tpu.dma_semaphore, #tpu.memory_space<semaphore_mem>>)
        %dma_wait3A = arith.constant 0 : i32
        %dma_wait3A_20 = tpu.memref_slice %arg6[%mul3A_16, %dma_wait3A] : memref<30336x64xf32, #tpu.memory_space<hbm>> -> memref<1896x64xf32, #tpu.memory_space<hbm>>
        %dma_wait3A_21 = arith.constant 0 : i32
        %dma_wait3A_22 = tpu.memref_slice %arg8[%mul3A_14, %dma_wait3A_21] : memref<30336x64xf32, #tpu.memory_space<vmem_shared>> -> memref<1896x64xf32, #tpu.memory_space<vmem_shared>>
        tpu.wait_dma2 semaphore(%run_scoped3A : memref<!tpu.dma_semaphore, #tpu.memory_space<semaphore_mem>>) src(%dma_wait3A_22 : memref<1896x64xf32, #tpu.memory_space<vmem_shared>>) dst(%dma_wait3A_20 : memref<1896x64xf32, #tpu.memory_space<hbm>>)
        tpu.yield
      }) : () -> ()
    } else {
    }
    %eq3A_2 = arith.constant 1 : i32
    %eq3A_3 = arith.cmpi eq, %arg0, %eq3A_2 : i32
    %convert_element_type3A_4 = arith.extui %eq3A_3 : i1 to i32
    %cond3A_5 = arith.constant 0 : i32
    %cond3A_6 = arith.cmpi ne, %convert_element_type3A_4, %cond3A_5 : i32
    scf.if %cond3A_6 {
      %mul3A = arith.constant 1896 : i32
      %mul3A_7 = arith.muli %arg1, %mul3A : i32
      "tpu.region"() ({
        %run_scoped3A = tpu.sem_alloc : memref<!tpu.dma_semaphore, #tpu.memory_space<semaphore_mem>>
        %dma_start3A = arith.constant 0 : i32
        %dma_start3A_17 = tpu.memref_slice %arg8[%mul3A_7, %dma_start3A] : memref<30336x64xf32, #tpu.memory_space<vmem_shared>> -> memref<1896x64xf32, #tpu.memory_space<vmem_shared>>
        tpu.enqueue_dma source(%arg5 : memref<1896x64xf32, #tpu.memory_space<hbm>>) target(%dma_start3A_17 : memref<1896x64xf32, #tpu.memory_space<vmem_shared>>) target_semaphore(%run_scoped3A : memref<!tpu.dma_semaphore, #tpu.memory_space<semaphore_mem>>)
        %dma_wait3A = arith.constant 0 : i32
        %dma_wait3A_18 = tpu.memref_slice %arg8[%mul3A_7, %dma_wait3A] : memref<30336x64xf32, #tpu.memory_space<vmem_shared>> -> memref<1896x64xf32, #tpu.memory_space<vmem_shared>>
        tpu.wait_dma2 semaphore(%run_scoped3A : memref<!tpu.dma_semaphore, #tpu.memory_space<semaphore_mem>>) src(%arg5 : memref<1896x64xf32, #tpu.memory_space<hbm>>) dst(%dma_wait3A_18 : memref<1896x64xf32, #tpu.memory_space<vmem_shared>>)
        tpu.yield
      }) : () -> ()
      %barrier3A = arith.constant 0 : index
      tpu.barrier barrier_id(%barrier3A)
      %scan3A = arith.constant 0 : i32
      %scan3A_8 = arith.constant 158 : i32
      %scan3A_9 = arith.addi %scan3A, %scan3A_8 : i32
      %scan3A_10 = arith.constant 1 : i32
      scf.for %scan3A_17 = %scan3A to %scan3A_9 step %scan3A_10  : i32 {
        %mul3A_18 = arith.constant 1 : i32
        %mul3A_19 = arith.muli %scan3A_17, %mul3A_18 : i32
        %add3A = arith.constant 0 : i32
        %add3A_20 = arith.addi %add3A, %mul3A_19 : i32
        "tpu.region"() ({
          %run_scoped3A = memref.alloca() : memref<2x128xi32, #tpu.memory_space<vmem>>
          %run_scoped3A_21 = memref.alloca() : memref<128x64xf32, #tpu.memory_space<vmem>>
          %run_scoped3A_22 = tpu.sem_alloc : memref<!tpu.dma_semaphore, #tpu.memory_space<semaphore_mem>>
          "tpu.region"() ({
            %run_scoped3A_36 = tpu.sem_alloc : memref<!tpu.dma_semaphore, #tpu.memory_space<semaphore_mem>>
            %dma_start3A_37 = arith.constant 0 : i32
            %dma_start3A_38 = arith.constant 0 : i32
            %dma_start3A_39 = tpu.memref_slice %arg4[%arg1, %add3A_20, %dma_start3A_37, %dma_start3A_38] : memref<16x158x2x128xi32, #tpu.memory_space<hbm>> -> memref<1x1x2x128xi32, #tpu.memory_space<hbm>>
            %dma_start3A_40 = tpu.memref_squeeze %dma_start3A_39 : memref<1x1x2x128xi32, #tpu.memory_space<hbm>> -> memref<2x128xi32, #tpu.memory_space<hbm>>
            %dma_start3A_41 = arith.constant 0 : i32
            %dma_start3A_42 = arith.constant 0 : i32
            %dma_start3A_43 = tpu.memref_slice %arg4[%arg1, %add3A_20, %dma_start3A_41, %dma_start3A_42] : memref<16x158x2x128xi32, #tpu.memory_space<hbm>> -> memref<1x1x2x128xi32, #tpu.memory_space<hbm>>
            %dma_start3A_44 = tpu.memref_squeeze %dma_start3A_43 : memref<1x1x2x128xi32, #tpu.memory_space<hbm>> -> memref<2x128xi32, #tpu.memory_space<hbm>>
            tpu.enqueue_dma source(%dma_start3A_44 : memref<2x128xi32, #tpu.memory_space<hbm>>) target(%run_scoped3A : memref<2x128xi32, #tpu.memory_space<vmem>>) target_semaphore(%run_scoped3A_36 : memref<!tpu.dma_semaphore, #tpu.memory_space<semaphore_mem>>)
            %dma_wait3A_45 = arith.constant 0 : i32
            %dma_wait3A_46 = arith.constant 0 : i32
            %dma_wait3A_47 = tpu.memref_slice %arg4[%arg1, %add3A_20, %dma_wait3A_45, %dma_wait3A_46] : memref<16x158x2x128xi32, #tpu.memory_space<hbm>> -> memref<1x1x2x128xi32, #tpu.memory_space<hbm>>
            %dma_wait3A_48 = tpu.memref_squeeze %dma_wait3A_47 : memref<1x1x2x128xi32, #tpu.memory_space<hbm>> -> memref<2x128xi32, #tpu.memory_space<hbm>>
            %dma_wait3A_49 = arith.constant 0 : i32
            %dma_wait3A_50 = arith.constant 0 : i32
            %dma_wait3A_51 = tpu.memref_slice %arg4[%arg1, %add3A_20, %dma_wait3A_49, %dma_wait3A_50] : memref<16x158x2x128xi32, #tpu.memory_space<hbm>> -> memref<1x1x2x128xi32, #tpu.memory_space<hbm>>
            %dma_wait3A_52 = tpu.memref_squeeze %dma_wait3A_51 : memref<1x1x2x128xi32, #tpu.memory_space<hbm>> -> memref<2x128xi32, #tpu.memory_space<hbm>>
            tpu.wait_dma2 semaphore(%run_scoped3A_36 : memref<!tpu.dma_semaphore, #tpu.memory_space<semaphore_mem>>) src(%dma_wait3A_52 : memref<2x128xi32, #tpu.memory_space<hbm>>) dst(%run_scoped3A : memref<2x128xi32, #tpu.memory_space<vmem>>)
            tpu.yield
          }) : () -> ()
          %dma_start3A = arith.constant 0 : i32
          %dma_start3A_23 = arith.constant 0 : i32
          %dma_start3A_24 = tpu.memref_slice %run_scoped3A[%dma_start3A, %dma_start3A_23] : memref<2x128xi32, #tpu.memory_space<vmem>> -> memref<1x128xi32, #tpu.memory_space<vmem>>
          %dma_start3A_25 = tpu.memref_squeeze %dma_start3A_24 : memref<1x128xi32, #tpu.memory_space<vmem>> -> memref<128xi32, #tpu.memory_space<vmem>>
          %dma_start3A_26 = arith.constant 0 : i32
          %dma_start3A_27 = arith.constant 0 : i32
          %dma_start3A_28 = tpu.memref_slice %arg3[%dma_start3A_26, %dma_start3A_27] : memref<10112x64xf32, #tpu.memory_space<hbm>> -> memref<10112x64xf32, #tpu.memory_space<hbm>>
          tpu.enqueue_indirect_dma source(%dma_start3A_28 : memref<10112x64xf32, #tpu.memory_space<hbm>>) target(%run_scoped3A_21 : memref<128x64xf32, #tpu.memory_space<vmem>>) offsets(%dma_start3A_25 : memref<128xi32, #tpu.memory_space<vmem>>) semaphore(%run_scoped3A_22 : memref<!tpu.dma_semaphore, #tpu.memory_space<semaphore_mem>>)
          %dma_wait3A = arith.constant 0 : i32
          %dma_wait3A_29 = arith.constant 0 : i32
          %dma_wait3A_30 = tpu.memref_slice %run_scoped3A[%dma_wait3A, %dma_wait3A_29] : memref<2x128xi32, #tpu.memory_space<vmem>> -> memref<1x128xi32, #tpu.memory_space<vmem>>
          %dma_wait3A_31 = tpu.memref_squeeze %dma_wait3A_30 : memref<1x128xi32, #tpu.memory_space<vmem>> -> memref<128xi32, #tpu.memory_space<vmem>>
          %dma_wait3A_32 = arith.constant 0 : i32
          %dma_wait3A_33 = arith.constant 0 : i32
          %dma_wait3A_34 = tpu.memref_slice %arg3[%dma_wait3A_32, %dma_wait3A_33] : memref<10112x64xf32, #tpu.memory_space<hbm>> -> memref<10112x64xf32, #tpu.memory_space<hbm>>
          tpu.wait_indirect_dma semaphore(%run_scoped3A_22 : memref<!tpu.dma_semaphore, #tpu.memory_space<semaphore_mem>>) src(%dma_wait3A_34 : memref<10112x64xf32, #tpu.memory_space<hbm>>) dst(%run_scoped3A_21 : memref<128x64xf32, #tpu.memory_space<vmem>>)
          %run_scoped3A_35 = arith.constant 1 : i32
          "tpu.region"() ({
            %run_scoped3A_36 = tpu.sem_alloc : memref<!tpu.dma_semaphore, #tpu.memory_space<semaphore_mem>>
            %dma_start3A_37 = arith.constant 0 : i32
            %dma_start3A_38 = tpu.memref_slice %run_scoped3A[%run_scoped3A_35, %dma_start3A_37] : memref<2x128xi32, #tpu.memory_space<vmem>> -> memref<1x128xi32, #tpu.memory_space<vmem>>
            %dma_start3A_39 = tpu.memref_squeeze %dma_start3A_38 : memref<1x128xi32, #tpu.memory_space<vmem>> -> memref<128xi32, #tpu.memory_space<vmem>>
            %dma_start3A_40 = arith.constant 0 : i32
            %dma_start3A_41 = arith.constant 0 : i32
            %dma_start3A_42 = tpu.memref_slice %arg8[%dma_start3A_40, %dma_start3A_41] : memref<30336x64xf32, #tpu.memory_space<vmem_shared>> -> memref<30336x64xf32, #tpu.memory_space<vmem_shared>>
            tpu.enqueue_indirect_dma source(%run_scoped3A_21 : memref<128x64xf32, #tpu.memory_space<vmem>>) target(%dma_start3A_42 : memref<30336x64xf32, #tpu.memory_space<vmem_shared>>) offsets(%dma_start3A_39 : memref<128xi32, #tpu.memory_space<vmem>>) semaphore(%run_scoped3A_36 : memref<!tpu.dma_semaphore, #tpu.memory_space<semaphore_mem>>) {add = true}
            %dma_wait3A_43 = arith.constant 0 : i32
            %dma_wait3A_44 = tpu.memref_slice %run_scoped3A[%run_scoped3A_35, %dma_wait3A_43] : memref<2x128xi32, #tpu.memory_space<vmem>> -> memref<1x128xi32, #tpu.memory_space<vmem>>
            %dma_wait3A_45 = tpu.memref_squeeze %dma_wait3A_44 : memref<1x128xi32, #tpu.memory_space<vmem>> -> memref<128xi32, #tpu.memory_space<vmem>>
            %dma_wait3A_46 = arith.constant 0 : i32
            %dma_wait3A_47 = arith.constant 0 : i32
            %dma_wait3A_48 = tpu.memref_slice %arg8[%dma_wait3A_46, %dma_wait3A_47] : memref<30336x64xf32, #tpu.memory_space<vmem_shared>> -> memref<30336x64xf32, #tpu.memory_space<vmem_shared>>
            tpu.wait_indirect_dma semaphore(%run_scoped3A_36 : memref<!tpu.dma_semaphore, #tpu.memory_space<semaphore_mem>>) src(%run_scoped3A_21 : memref<128x64xf32, #tpu.memory_space<vmem>>) dst(%dma_wait3A_48 : memref<30336x64xf32, #tpu.memory_space<vmem_shared>>)
            tpu.yield
          }) : () -> ()
          tpu.yield
        }) : () -> ()
      }
      %scan3A_11 = arith.constant 158 : i32
      %barrier3A_12 = arith.constant 0 : index
      tpu.barrier barrier_id(%barrier3A_12)
      %mul3A_13 = arith.constant 1896 : i32
      %mul3A_14 = arith.muli %arg1, %mul3A_13 : i32
      %mul3A_15 = arith.constant 1896 : i32
      %mul3A_16 = arith.muli %arg1, %mul3A_15 : i32
      "tpu.region"() ({
        %run_scoped3A = tpu.sem_alloc : memref<!tpu.dma_semaphore, #tpu.memory_space<semaphore_mem>>
        %dma_start3A = arith.constant 0 : i32
        %dma_start3A_17 = tpu.memref_slice %arg7[%mul3A_16, %dma_start3A] : memref<30336x64xf32, #tpu.memory_space<hbm>> -> memref<1896x64xf32, #tpu.memory_space<hbm>>
        %dma_start3A_18 = arith.constant 0 : i32
        %dma_start3A_19 = tpu.memref_slice %arg8[%mul3A_14, %dma_start3A_18] : memref<30336x64xf32, #tpu.memory_space<vmem_shared>> -> memref<1896x64xf32, #tpu.memory_space<vmem_shared>>
        tpu.enqueue_dma source(%dma_start3A_19 : memref<1896x64xf32, #tpu.memory_space<vmem_shared>>) target(%dma_start3A_17 : memref<1896x64xf32, #tpu.memory_space<hbm>>) target_semaphore(%run_scoped3A : memref<!tpu.dma_semaphore, #tpu.memory_space<semaphore_mem>>)
        %dma_wait3A = arith.constant 0 : i32
        %dma_wait3A_20 = tpu.memref_slice %arg7[%mul3A_16, %dma_wait3A] : memref<30336x64xf32, #tpu.memory_space<hbm>> -> memref<1896x64xf32, #tpu.memory_space<hbm>>
        %dma_wait3A_21 = arith.constant 0 : i32
        %dma_wait3A_22 = tpu.memref_slice %arg8[%mul3A_14, %dma_wait3A_21] : memref<30336x64xf32, #tpu.memory_space<vmem_shared>> -> memref<1896x64xf32, #tpu.memory_space<vmem_shared>>
        tpu.wait_dma2 semaphore(%run_scoped3A : memref<!tpu.dma_semaphore, #tpu.memory_space<semaphore_mem>>) src(%dma_wait3A_22 : memref<1896x64xf32, #tpu.memory_space<vmem_shared>>) dst(%dma_wait3A_20 : memref<1896x64xf32, #tpu.memory_space<hbm>>)
        tpu.yield
      }) : () -> ()
    } else {
    }
    return
  }
}

module attributes {stable_mosaic.version = 14 : i64} {
  func.func @_tc_layer_body(%arg0: i32, %arg1: memref<1264x192xf32, #tpu.memory_space<vmem>>, %arg2: memref<1264x192xf32, #tpu.memory_space<vmem>>, %arg3: memref<1264x192xf32, #tpu.memory_space<vmem>>, %arg4: memref<1264x64xf32, #tpu.memory_space<vmem>>, %arg5: memref<1264x64xf32, #tpu.memory_space<vmem>>, %arg6: memref<192x128xf32, #tpu.memory_space<vmem>>, %arg7: memref<192x128xf32, #tpu.memory_space<vmem>>, %arg8: memref<64x128xf32, #tpu.memory_space<vmem>>, %arg9: memref<64x128xf32, #tpu.memory_space<vmem>>, %arg10: memref<1x128xf32, #tpu.memory_space<vmem>>, %arg11: memref<1264x64xf32, #tpu.memory_space<vmem>>, %arg12: memref<1264x64xf32, #tpu.memory_space<vmem>>) attributes {dimension_semantics = [#tpu.dimension_semantics<arbitrary>], iteration_bounds = array<i64: 8>, scalar_prefetch = 0 : i64, scratch_operands = 0 : i64, tpu.core_type = #tpu.core_type<tc>, window_params = [{transform_indices = @transform_0, window_bounds = array<i64: 1264, 192>}, {transform_indices = @transform_1, window_bounds = array<i64: 1264, 192>}, {transform_indices = @transform_2, window_bounds = array<i64: 1264, 192>}, {transform_indices = @transform_3, window_bounds = array<i64: 1264, 64>}, {transform_indices = @transform_4, window_bounds = array<i64: 1264, 64>}, {pipeline_mode = #tpu.pipeline_mode<synchronous>, transform_indices = @transform_5, window_bounds = array<i64: 192, 128>}, {pipeline_mode = #tpu.pipeline_mode<synchronous>, transform_indices = @transform_6, window_bounds = array<i64: 192, 128>}, {pipeline_mode = #tpu.pipeline_mode<synchronous>, transform_indices = @transform_7, window_bounds = array<i64: 64, 128>}, {pipeline_mode = #tpu.pipeline_mode<synchronous>, transform_indices = @transform_8, window_bounds = array<i64: 64, 128>}, {pipeline_mode = #tpu.pipeline_mode<synchronous>, transform_indices = @transform_9, window_bounds = array<i64: 1, 128>}, {transform_indices = @transform_10, window_bounds = array<i64: 1264, 64>}, {transform_indices = @transform_11, window_bounds = array<i64: 1264, 64>}]} {
    %get3A = arith.constant 0 : index
    %get3A_0 = arith.constant 0 : index
    %get3A_1 = vector.load %arg1[%get3A, %get3A_0] : memref<1264x192xf32, #tpu.memory_space<vmem>>, vector<1264x192xf32>
    %get3A_2 = arith.constant 0 : index
    %get3A_3 = arith.constant 0 : index
    %get3A_4 = vector.load %arg3[%get3A_2, %get3A_3] : memref<1264x192xf32, #tpu.memory_space<vmem>>, vector<1264x192xf32>
    %mul3A = arith.mulf %get3A_1, %get3A_4 : vector<1264x192xf32>
    %get3A_5 = arith.constant 0 : index
    %get3A_6 = arith.constant 0 : index
    %get3A_7 = vector.load %arg6[%get3A_5, %get3A_6] : memref<192x128xf32, #tpu.memory_space<vmem>>, vector<192x128xf32>
    %dot_general3A = arith.constant dense<0.000000e+00> : vector<1264x128xf32>
    %dot_general3A_8 = tpu.matmul %mul3A, %get3A_7, %dot_general3A {dimension_numbers = #tpu.dot_dimension_numbers<[1], [0], [0], [1], [0, 0, 1, 1], [], []>, transpose_lhs_hint = false} : vector<1264x192xf32>, vector<192x128xf32>, vector<1264x128xf32> -> vector<1264x128xf32>
    %get3A_9 = arith.constant 0 : index
    %get3A_10 = arith.constant 0 : index
    %get3A_11 = vector.load %arg2[%get3A_9, %get3A_10] : memref<1264x192xf32, #tpu.memory_space<vmem>>, vector<1264x192xf32>
    %get3A_12 = arith.constant 0 : index
    %get3A_13 = arith.constant 0 : index
    %get3A_14 = vector.load %arg3[%get3A_12, %get3A_13] : memref<1264x192xf32, #tpu.memory_space<vmem>>, vector<1264x192xf32>
    %mul3A_15 = arith.mulf %get3A_11, %get3A_14 : vector<1264x192xf32>
    %get3A_16 = arith.constant 0 : index
    %get3A_17 = arith.constant 0 : index
    %get3A_18 = vector.load %arg7[%get3A_16, %get3A_17] : memref<192x128xf32, #tpu.memory_space<vmem>>, vector<192x128xf32>
    %dot_general3A_19 = arith.constant dense<0.000000e+00> : vector<1264x128xf32>
    %dot_general3A_20 = tpu.matmul %mul3A_15, %get3A_18, %dot_general3A_19 {dimension_numbers = #tpu.dot_dimension_numbers<[1], [0], [0], [1], [0, 0, 1, 1], [], []>, transpose_lhs_hint = false} : vector<1264x192xf32>, vector<192x128xf32>, vector<1264x128xf32> -> vector<1264x128xf32>
    %add3A = arith.addf %dot_general3A_8, %dot_general3A_20 : vector<1264x128xf32>
    %get3A_21 = arith.constant 0 : index
    %get3A_22 = arith.constant 0 : index
    %get3A_23 = vector.load %arg4[%get3A_21, %get3A_22] : memref<1264x64xf32, #tpu.memory_space<vmem>>, vector<1264x64xf32>
    %get3A_24 = arith.constant 0 : index
    %get3A_25 = arith.constant 0 : index
    %get3A_26 = vector.load %arg8[%get3A_24, %get3A_25] : memref<64x128xf32, #tpu.memory_space<vmem>>, vector<64x128xf32>
    %dot_general3A_27 = arith.constant dense<0.000000e+00> : vector<1264x128xf32>
    %dot_general3A_28 = tpu.matmul %get3A_23, %get3A_26, %dot_general3A_27 {dimension_numbers = #tpu.dot_dimension_numbers<[1], [0], [0], [1], [0, 0, 1, 1], [], []>, transpose_lhs_hint = false} : vector<1264x64xf32>, vector<64x128xf32>, vector<1264x128xf32> -> vector<1264x128xf32>
    %get3A_29 = arith.constant 0 : index
    %get3A_30 = arith.constant 0 : index
    %get3A_31 = vector.load %arg5[%get3A_29, %get3A_30] : memref<1264x64xf32, #tpu.memory_space<vmem>>, vector<1264x64xf32>
    %get3A_32 = arith.constant 0 : index
    %get3A_33 = arith.constant 0 : index
    %get3A_34 = vector.load %arg9[%get3A_32, %get3A_33] : memref<64x128xf32, #tpu.memory_space<vmem>>, vector<64x128xf32>
    %dot_general3A_35 = arith.constant dense<0.000000e+00> : vector<1264x128xf32>
    %dot_general3A_36 = tpu.matmul %get3A_31, %get3A_34, %dot_general3A_35 {dimension_numbers = #tpu.dot_dimension_numbers<[1], [0], [0], [1], [0, 0, 1, 1], [], []>, transpose_lhs_hint = false} : vector<1264x64xf32>, vector<64x128xf32>, vector<1264x128xf32> -> vector<1264x128xf32>
    %add3A_37 = arith.addf %dot_general3A_28, %dot_general3A_36 : vector<1264x128xf32>
    %get3A_38 = arith.constant 0 : index
    %get3A_39 = arith.constant 0 : index
    %get3A_40 = vector.load %arg10[%get3A_38, %get3A_39] : memref<1x128xf32, #tpu.memory_space<vmem>>, vector<1x128xf32>
    %add3A_41 = vector.broadcast %get3A_40 : vector<1x128xf32> to vector<1264x128xf32>
    %add3A_42 = arith.addf %add3A_37, %add3A_41 : vector<1264x128xf32>
    %logistic3A = arith.negf %add3A_42 : vector<1264x128xf32>
    %logistic3A_43 = math.exp %logistic3A : vector<1264x128xf32>
    %logistic3A_44 = arith.constant 1.000000e+00 : f32
    %logistic3A_45 = vector.broadcast %logistic3A_44 : f32 to vector<1264x128xf32>
    %logistic3A_46 = arith.addf %logistic3A_45, %logistic3A_43 : vector<1264x128xf32>
    %logistic3A_47 = arith.divf %logistic3A_45, %logistic3A_46 : vector<1264x128xf32>
    %mul3A_48 = arith.mulf %logistic3A_47, %add3A : vector<1264x128xf32>
    %max3A = arith.constant 0.000000e+00 : f32
    %max3A_49 = vector.broadcast %max3A : f32 to vector<1264x128xf32>
    %max3A_50 = arith.maximumf %mul3A_48, %max3A_49 : vector<1264x128xf32>
    %slice3A = vector.extract_strided_slice %max3A_50 {offsets = [0, 0], sizes = [1264, 64], strides = [1, 1]} : vector<1264x128xf32> to vector<1264x64xf32>
    %swap3A = arith.constant 0 : index
    %swap3A_51 = arith.constant 0 : index
    %swap3A_52 = vector.load %arg11[%swap3A, %swap3A_51] : memref<1264x64xf32, #tpu.memory_space<vmem>>, vector<1264x64xf32>
    tpu.vector_store %arg11[%swap3A, %swap3A_51], %slice3A {strides = array<i32>} : memref<1264x64xf32, #tpu.memory_space<vmem>>, vector<1264x64xf32>,
    %slice3A_53 = vector.extract_strided_slice %max3A_50 {offsets = [0, 64], sizes = [1264, 64], strides = [1, 1]} : vector<1264x128xf32> to vector<1264x64xf32>
    %swap3A_54 = arith.constant 0 : index
    %swap3A_55 = arith.constant 0 : index
    %swap3A_56 = vector.load %arg12[%swap3A_54, %swap3A_55] : memref<1264x64xf32, #tpu.memory_space<vmem>>, vector<1264x64xf32>
    tpu.vector_store %arg12[%swap3A_54, %swap3A_55], %slice3A_53 {strides = array<i32>} : memref<1264x64xf32, #tpu.memory_space<vmem>>, vector<1264x64xf32>,
    return
  }
  func.func @transform_0(%arg0: i32) -> (i32, i32) {
    %c0_i32 = arith.constant 0 : i32
    %c0_i32_0 = arith.constant 0 : i32
    return %arg0, %c0_i32 : i32, i32
  }
  func.func @transform_1(%arg0: i32) -> (i32, i32) {
    %c0_i32 = arith.constant 0 : i32
    %c0_i32_0 = arith.constant 0 : i32
    return %arg0, %c0_i32 : i32, i32
  }
  func.func @transform_2(%arg0: i32) -> (i32, i32) {
    %c0_i32 = arith.constant 0 : i32
    %c0_i32_0 = arith.constant 0 : i32
    return %arg0, %c0_i32 : i32, i32
  }
  func.func @transform_3(%arg0: i32) -> (i32, i32) {
    %c0_i32 = arith.constant 0 : i32
    %c0_i32_0 = arith.constant 0 : i32
    return %arg0, %c0_i32 : i32, i32
  }
  func.func @transform_4(%arg0: i32) -> (i32, i32) {
    %c0_i32 = arith.constant 0 : i32
    %c0_i32_0 = arith.constant 0 : i32
    return %arg0, %c0_i32 : i32, i32
  }
  func.func @transform_5(%arg0: i32) -> (i32, i32) {
    %c0_i32 = arith.constant 0 : i32
    %c0_i32_0 = arith.constant 0 : i32
    %c0_i32_1 = arith.constant 0 : i32
    return %c0_i32, %c0_i32_0 : i32, i32
  }
  func.func @transform_6(%arg0: i32) -> (i32, i32) {
    %c0_i32 = arith.constant 0 : i32
    %c0_i32_0 = arith.constant 0 : i32
    %c0_i32_1 = arith.constant 0 : i32
    return %c0_i32, %c0_i32_0 : i32, i32
  }
  func.func @transform_7(%arg0: i32) -> (i32, i32) {
    %c0_i32 = arith.constant 0 : i32
    %c0_i32_0 = arith.constant 0 : i32
    %c0_i32_1 = arith.constant 0 : i32
    return %c0_i32, %c0_i32_0 : i32, i32
  }
  func.func @transform_8(%arg0: i32) -> (i32, i32) {
    %c0_i32 = arith.constant 0 : i32
    %c0_i32_0 = arith.constant 0 : i32
    %c0_i32_1 = arith.constant 0 : i32
    return %c0_i32, %c0_i32_0 : i32, i32
  }
  func.func @transform_9(%arg0: i32) -> (i32, i32) {
    %c0_i32 = arith.constant 0 : i32
    %c0_i32_0 = arith.constant 0 : i32
    %c0_i32_1 = arith.constant 0 : i32
    return %c0_i32, %c0_i32_0 : i32, i32
  }
  func.func @transform_10(%arg0: i32) -> (i32, i32) {
    %c0_i32 = arith.constant 0 : i32
    %c0_i32_0 = arith.constant 0 : i32
    return %arg0, %c0_i32 : i32, i32
  }
  func.func @transform_11(%arg0: i32) -> (i32, i32) {
    %c0_i32 = arith.constant 0 : i32
    %c0_i32_0 = arith.constant 0 : i32
    return %arg0, %c0_i32 : i32, i32
  }
}

module attributes {stable_mosaic.version = 14 : i64} {
  func.func @_tc_layer_body(%arg0: i32, %arg1: memref<1264x192xf32, #tpu.memory_space<vmem>>, %arg2: memref<1264x192xf32, #tpu.memory_space<vmem>>, %arg3: memref<1264x192xf32, #tpu.memory_space<vmem>>, %arg4: memref<1264x64xf32, #tpu.memory_space<vmem>>, %arg5: memref<1264x64xf32, #tpu.memory_space<vmem>>, %arg6: memref<192x128xf32, #tpu.memory_space<vmem>>, %arg7: memref<192x128xf32, #tpu.memory_space<vmem>>, %arg8: memref<64x128xf32, #tpu.memory_space<vmem>>, %arg9: memref<64x128xf32, #tpu.memory_space<vmem>>, %arg10: memref<1x128xf32, #tpu.memory_space<vmem>>, %arg11: memref<1264x64xf32, #tpu.memory_space<vmem>>, %arg12: memref<1264x64xf32, #tpu.memory_space<vmem>>) attributes {dimension_semantics = [#tpu.dimension_semantics<arbitrary>], iteration_bounds = array<i64: 8>, scalar_prefetch = 0 : i64, scratch_operands = 0 : i64, tpu.core_type = #tpu.core_type<tc>, window_params = [{transform_indices = @transform_0, window_bounds = array<i64: 1264, 192>}, {transform_indices = @transform_1, window_bounds = array<i64: 1264, 192>}, {transform_indices = @transform_2, window_bounds = array<i64: 1264, 192>}, {transform_indices = @transform_3, window_bounds = array<i64: 1264, 64>}, {transform_indices = @transform_4, window_bounds = array<i64: 1264, 64>}, {pipeline_mode = #tpu.pipeline_mode<synchronous>, transform_indices = @transform_5, window_bounds = array<i64: 192, 128>}, {pipeline_mode = #tpu.pipeline_mode<synchronous>, transform_indices = @transform_6, window_bounds = array<i64: 192, 128>}, {pipeline_mode = #tpu.pipeline_mode<synchronous>, transform_indices = @transform_7, window_bounds = array<i64: 64, 128>}, {pipeline_mode = #tpu.pipeline_mode<synchronous>, transform_indices = @transform_8, window_bounds = array<i64: 64, 128>}, {pipeline_mode = #tpu.pipeline_mode<synchronous>, transform_indices = @transform_9, window_bounds = array<i64: 1, 128>}, {transform_indices = @transform_10, window_bounds = array<i64: 1264, 64>}, {transform_indices = @transform_11, window_bounds = array<i64: 1264, 64>}]} {
    %get3A = arith.constant 0 : index
    %get3A_0 = arith.constant 0 : index
    %get3A_1 = vector.load %arg1[%get3A, %get3A_0] : memref<1264x192xf32, #tpu.memory_space<vmem>>, vector<1264x192xf32>
    %get3A_2 = arith.constant 0 : index
    %get3A_3 = arith.constant 0 : index
    %get3A_4 = vector.load %arg3[%get3A_2, %get3A_3] : memref<1264x192xf32, #tpu.memory_space<vmem>>, vector<1264x192xf32>
    %mul3A = arith.mulf %get3A_1, %get3A_4 : vector<1264x192xf32>
    %get3A_5 = arith.constant 0 : index
    %get3A_6 = arith.constant 0 : index
    %get3A_7 = vector.load %arg6[%get3A_5, %get3A_6] : memref<192x128xf32, #tpu.memory_space<vmem>>, vector<192x128xf32>
    %dot_general3A = arith.constant dense<0.000000e+00> : vector<1264x128xf32>
    %dot_general3A_8 = tpu.matmul %mul3A, %get3A_7, %dot_general3A {dimension_numbers = #tpu.dot_dimension_numbers<[1], [0], [0], [1], [0, 0, 1, 1], [], []>, transpose_lhs_hint = false} : vector<1264x192xf32>, vector<192x128xf32>, vector<1264x128xf32> -> vector<1264x128xf32>
    %get3A_9 = arith.constant 0 : index
    %get3A_10 = arith.constant 0 : index
    %get3A_11 = vector.load %arg2[%get3A_9, %get3A_10] : memref<1264x192xf32, #tpu.memory_space<vmem>>, vector<1264x192xf32>
    %get3A_12 = arith.constant 0 : index
    %get3A_13 = arith.constant 0 : index
    %get3A_14 = vector.load %arg3[%get3A_12, %get3A_13] : memref<1264x192xf32, #tpu.memory_space<vmem>>, vector<1264x192xf32>
    %mul3A_15 = arith.mulf %get3A_11, %get3A_14 : vector<1264x192xf32>
    %get3A_16 = arith.constant 0 : index
    %get3A_17 = arith.constant 0 : index
    %get3A_18 = vector.load %arg7[%get3A_16, %get3A_17] : memref<192x128xf32, #tpu.memory_space<vmem>>, vector<192x128xf32>
    %dot_general3A_19 = arith.constant dense<0.000000e+00> : vector<1264x128xf32>
    %dot_general3A_20 = tpu.matmul %mul3A_15, %get3A_18, %dot_general3A_19 {dimension_numbers = #tpu.dot_dimension_numbers<[1], [0], [0], [1], [0, 0, 1, 1], [], []>, transpose_lhs_hint = false} : vector<1264x192xf32>, vector<192x128xf32>, vector<1264x128xf32> -> vector<1264x128xf32>
    %add3A = arith.addf %dot_general3A_8, %dot_general3A_20 : vector<1264x128xf32>
    %tanh3A = math.tanh %add3A : vector<1264x128xf32>
    %sub3A = arith.subf %add3A, %tanh3A : vector<1264x128xf32>
    %slice3A = vector.extract_strided_slice %sub3A {offsets = [0, 0], sizes = [1264, 64], strides = [1, 1]} : vector<1264x128xf32> to vector<1264x64xf32>
    %swap3A = arith.constant 0 : index
    %swap3A_21 = arith.constant 0 : index
    %swap3A_22 = vector.load %arg11[%swap3A, %swap3A_21] : memref<1264x64xf32, #tpu.memory_space<vmem>>, vector<1264x64xf32>
    tpu.vector_store %arg11[%swap3A, %swap3A_21], %slice3A {strides = array<i32>} : memref<1264x64xf32, #tpu.memory_space<vmem>>, vector<1264x64xf32>,
    %slice3A_23 = vector.extract_strided_slice %sub3A {offsets = [0, 64], sizes = [1264, 64], strides = [1, 1]} : vector<1264x128xf32> to vector<1264x64xf32>
    %swap3A_24 = arith.constant 0 : index
    %swap3A_25 = arith.constant 0 : index
    %swap3A_26 = vector.load %arg12[%swap3A_24, %swap3A_25] : memref<1264x64xf32, #tpu.memory_space<vmem>>, vector<1264x64xf32>
    tpu.vector_store %arg12[%swap3A_24, %swap3A_25], %slice3A_23 {strides = array<i32>} : memref<1264x64xf32, #tpu.memory_space<vmem>>, vector<1264x64xf32>,
    return
  }
  func.func @transform_0(%arg0: i32) -> (i32, i32) {
    %c0_i32 = arith.constant 0 : i32
    %c0_i32_0 = arith.constant 0 : i32
    return %arg0, %c0_i32 : i32, i32
  }
  func.func @transform_1(%arg0: i32) -> (i32, i32) {
    %c0_i32 = arith.constant 0 : i32
    %c0_i32_0 = arith.constant 0 : i32
    return %arg0, %c0_i32 : i32, i32
  }
  func.func @transform_2(%arg0: i32) -> (i32, i32) {
    %c0_i32 = arith.constant 0 : i32
    %c0_i32_0 = arith.constant 0 : i32
    return %arg0, %c0_i32 : i32, i32
  }
  func.func @transform_3(%arg0: i32) -> (i32, i32) {
    %c0_i32 = arith.constant 0 : i32
    %c0_i32_0 = arith.constant 0 : i32
    return %arg0, %c0_i32 : i32, i32
  }
  func.func @transform_4(%arg0: i32) -> (i32, i32) {
    %c0_i32 = arith.constant 0 : i32
    %c0_i32_0 = arith.constant 0 : i32
    return %arg0, %c0_i32 : i32, i32
  }
  func.func @transform_5(%arg0: i32) -> (i32, i32) {
    %c0_i32 = arith.constant 0 : i32
    %c0_i32_0 = arith.constant 0 : i32
    %c0_i32_1 = arith.constant 0 : i32
    return %c0_i32, %c0_i32_0 : i32, i32
  }
  func.func @transform_6(%arg0: i32) -> (i32, i32) {
    %c0_i32 = arith.constant 0 : i32
    %c0_i32_0 = arith.constant 0 : i32
    %c0_i32_1 = arith.constant 0 : i32
    return %c0_i32, %c0_i32_0 : i32, i32
  }
  func.func @transform_7(%arg0: i32) -> (i32, i32) {
    %c0_i32 = arith.constant 0 : i32
    %c0_i32_0 = arith.constant 0 : i32
    %c0_i32_1 = arith.constant 0 : i32
    return %c0_i32, %c0_i32_0 : i32, i32
  }
  func.func @transform_8(%arg0: i32) -> (i32, i32) {
    %c0_i32 = arith.constant 0 : i32
    %c0_i32_0 = arith.constant 0 : i32
    %c0_i32_1 = arith.constant 0 : i32
    return %c0_i32, %c0_i32_0 : i32, i32
  }
  func.func @transform_9(%arg0: i32) -> (i32, i32) {
    %c0_i32 = arith.constant 0 : i32
    %c0_i32_0 = arith.constant 0 : i32
    %c0_i32_1 = arith.constant 0 : i32
    return %c0_i32, %c0_i32_0 : i32, i32
  }
  func.func @transform_10(%arg0: i32) -> (i32, i32) {
    %c0_i32 = arith.constant 0 : i32
    %c0_i32_0 = arith.constant 0 : i32
    return %arg0, %c0_i32 : i32, i32
  }
  func.func @transform_11(%arg0: i32) -> (i32, i32) {
    %c0_i32 = arith.constant 0 : i32
    %c0_i32_0 = arith.constant 0 : i32
    return %arg0, %c0_i32 : i32, i32
  }
}

</mosaic_0001>

<sc_bundles>
// kernel: gather_offload_async_start.1
scs
__scs_entry_jumppad:
0x0: {  	(pc) =	sbr.rel $0x88, $3  }
0x1: {  	(tag) =	ssettag $0x0;
	lr =	simm.s32 $0x1  }
0x2: {  	[smem:$0x3F9A] =	sst lr;
	_ =	strace $0xD0000000  }
0x3: {  	_ = 	snop  }
0x4: {  	_ = 	snop  }
0x5: {  	_ = 	snop  }
0x6: {  	_ = 	snop  }
0x7: {  	_ = 	snop  }
__scs_overlays_trampoline_lowered:
0x8: {  	[smem:$0x3FA9] =	sst s0  }
0x9: {  	[smem:$0x3FAA] =	sst s1  }
0xa: {  	[smem:$0x3FAB] =	sst s2  }
0xb: {  	[smem:$0x3FAC] =	sst s3  }
0xc: {  	[smem:$0x3FAD] =	sst s4  }
0xd: {  	[smem:$0x3FAE] =	sst s5  }
0xe: {  	[smem:$0x3FAF] =	sst s6  }
0xf: {  	[smem:$0x3FB0] =	sst s7  }
0x10: {  	[smem:$0x3FB1] =	sst s8  }
0x11: {  	[smem:$0x3FB2] =	sst s9;
	s0 =	simm.s32 @!p0 $0x0  }
0x12: {  	s1 =	sld [smem:$0x3F98];
	s0 =	simm.s32 @p0 $0x1  }
0x13: {  	[smem:$0x3FB3] =	sst s0;
	s0 =	simm.s32 @!p1 $0x0  }
0x14: {  	s2 =	sld [smem:$0x3F97];
	s0 =	simm.s32 @p1 $0x1  }
0x15: {  	[smem:$0x3FB4] =	sst s0;
	s0 =	simm.s32 @!p2 $0x0  }
0x16: {  	s3 =	sld [smem:$0x3FDB];
	s0 =	simm.s32 @p2 $0x1  }
0x17: {  	s4 =	simm.s32 $0x1BF5;
	[smem:$0x3FB6] =	sst s0  }
0x18: {  	s0 =	sld [smem:$0x3F99];
	_ =	swait.ge [sflag:s4], $0x0  }
0x19: {  	s7 =	sld [smem:$0x3F9A]  }
0x1a: {  	s8 =	sadd.s32 $0xFFFFE003, lr  }
0x1b: {  	s9 =	sadd.s32 $0xFFFFFEF7, lr;
	s5 =	simm.s32 $0xFFFFFFFF;
	p2 =	slt.u32 s8, $0xFFFFF086  }
0x1c: {  	p1 =	slt.u32 s9, $0xF7A;
	s5 =	simm.s32 @!p2 $0x0  }
0x1d: {  	s5 =	simm.s32 @p1 $0x1;
	p0 =	seq.s32 s7, s2  }
0x1e: {  	s7 =	smul.u32 @!p0 $0xF7A, s2;
	p2 =	seq.s32 @!p0 s5, $0x0  }
0x1f: {  	s9 =	smul.u32 $0xF7A, s1;
	s8 =	simm.s32 @!p0 $0x1BF5;
	p2 =	por !p2, p0  }
0x20: {  	[sflag:s8] =	ssyncset.s32 @!p0 $0xFFFFF086;
	s6 =	sadd.s32 @!p0 s3, s7;
	s7 =	simm.s32 @!p0 $0x108  }
0x21: {  	s3 =	sadd.s32 s3, s9;
	s6 =	sadd.s32 @!p0 $0x88, s6;
	s7 =	simm.s32 @p2 $0x1082  }
0x22: {  	[simem:s7], [sflag:s8] =	dma.local @!p0 [hbm:s6], $0xF7A  }
0x23: {  	s9 =	sor.u32 $0xD0000000, s2;
	s6 =	simm.s32 $0x108;
	_ =	swait.ge @!p0 [sflag:s8], $0x0  }
0x24: {  	s3 =	sadd.s32 $0x88, s3;
	s6 =	simm.s32 @!p1 $0x1082;
	[sflag:s4] =	ssyncset.s32 $0xFFFFF086  }
0x25: {  	[simem:s6], [sflag:s4] =	dma.local [hbm:s3], $0xF7A  }
0x26: {  	[smem:$0x3F9A] =	sst s1;
	(tag) =	ssettag s2;
	_ =	strace s9  }
0x27: {  	s1 =	sld [smem:$0x3FAA]  }
0x28: {  	s2 =	sld [smem:$0x3FAB]  }
0x29: {  	s4 =	sld [smem:$0x3FAD]  }
0x2a: {  	p0 =	seq.s32 s5, $0x0;
	s5 =	sld [smem:$0x3FAE]  }
0x2b: {  	s6 =	sld [smem:$0x3FAF]  }
0x2c: {  	s7 =	sld [smem:$0x3FB0]  }
0x2d: {  	s3 =	simm.s32 $0x108;
	s8 =	sld [smem:$0x3FB1]  }
0x2e: {  	s3 =	simm.s32 @!p0 $0x1082;
	s9 =	sld [smem:$0x3FB2]  }
0x2f: {  	lr =	sadd.s32 s0, s3;
	s0 =	sld [smem:$0x3FA9]  }
0x30: {  	s3 =	sld [smem:$0x3FAC]  }
0x31: {  	[smem:$0x3FB5] =	sst s10  }
0x32: {  	s10 =	sld [smem:$0x3FB3];
	_ =	sdelay $0x3  }
0x33: {  	p0 =	seq.s32 s10, $0x1;
	s10 =	sld [smem:$0x3FB5];
	_ =	sdelay $0x3  }
0x34: {  	[smem:$0x3FB5] =	sst s10  }
0x35: {  	s10 =	sld [smem:$0x3FB4];
	_ =	sdelay $0x3  }
0x36: {  	p1 =	seq.s32 s10, $0x1;
	s10 =	sld [smem:$0x3FB5];
	_ =	sdelay $0x3  }
0x37: {  	[smem:$0x3FB5] =	sst s10  }
0x38: {  	s10 =	sld [smem:$0x3FB6]  }
0x39: {  	_ = 	snop;
	(pc) =	sbr.ind lr, $3  }
0x3a: {  	_ = 	snop  }
0x3b: {  	_ = 	snop  }
0x3c: {  	p2 =	seq.s32 s10, $0x1;
	s10 =	sld [smem:$0x3FB5]  }
0x3d: {  	_ =	shalt  }
0x3e: {  	_ =	shalt  }
0x3f: {  	_ =	shalt  }
0x40: {  	_ =	shalt  }
0x41: {  	_ =	shalt  }
0x42: {  	_ =	shalt  }
0x43: {  	_ =	shalt  }
0x44: {  	_ =	shalt  }
0x45: {  	_ =	shalt  }
0x46: {  	_ =	shalt  }
0x47: {  	_ =	shalt  }
0x48: {  	_ =	shalt  }
0x49: {  	_ =	shalt  }
0x4a: {  	_ =	shalt  }
0x4b: {  	_ =	shalt  }
0x4c: {  	_ =	shalt  }
0x4d: {  	_ =	shalt  }
0x4e: {  	_ =	shalt  }
0x4f: {  	_ =	shalt  }
0x50: {  	_ =	shalt  }
0x51: {  	_ =	shalt  }
0x52: {  	_ =	shalt  }
0x53: {  	_ =	shalt  }
0x54: {  	_ =	shalt  }
0x55: {  	_ =	shalt  }
0x56: {  	_ =	shalt  }
0x57: {  	_ =	shalt  }
0x58: {  	_ =	shalt  }
0x59: {  	_ =	shalt  }
0x5a: {  	_ =	shalt  }
0x5b: {  	_ =	shalt  }
0x5c: {  	_ =	shalt  }
0x5d: {  	_ =	shalt  }
0x5e: {  	_ =	shalt  }
0x5f: {  	_ =	shalt  }
0x60: {  	_ =	shalt  }
0x61: {  	_ =	shalt  }
0x62: {  	_ =	shalt  }
0x63: {  	_ =	shalt  }
0x64: {  	_ =	shalt  }
0x65: {  	_ =	shalt  }
0x66: {  	_ =	shalt  }
0x67: {  	_ =	shalt  }
0x68: {  	_ =	shalt  }
0x69: {  	_ =	shalt  }
0x6a: {  	_ =	shalt  }
0x6b: {  	_ =	shalt  }
0x6c: {  	_ =	shalt  }
0x6d: {  	_ =	shalt  }
0x6e: {  	_ =	shalt  }
0x6f: {  	_ =	shalt  }
0x70: {  	_ =	shalt  }
0x71: {  	_ =	shalt  }
0x72: {  	_ =	shalt  }
0x73: {  	_ =	shalt  }
0x74: {  	_ =	shalt  }
0x75: {  	_ =	shalt  }
0x76: {  	_ =	shalt  }
0x77: {  	_ =	shalt  }
0x78: {  	_ =	shalt  }
0x79: {  	_ =	shalt  }
0x7a: {  	_ =	shalt  }
0x7b: {  	_ =	shalt  }
0x7c: {  	_ =	shalt  }
0x7d: {  	_ =	shalt  }
0x7e: {  	_ =	shalt  }
0x7f: {  	_ =	shalt  }
0x80: {  	_ =	shalt  }
0x81: {  	_ =	shalt  }
0x82: {  	_ =	shalt  }
0x83: {  	_ =	shalt  }
0x84: {  	_ =	shalt  }
0x85: {  	_ =	shalt  }
0x86: {  	_ =	shalt  }
0x87: {  	_ =	shalt  }
.Lfunc_end0:
.L_simem_size_0:
called_computation.1_lowered:
.L_overlay_start_0:
0x88: {  	s2 =	sld [smem:$0x3FD9]  }
0x89: {  	s3 =	sld [smem:$0x3FFE];
	_ =	sdelay $0x1  }
0x8a: {  	s1 =	srdreg.scid  }
0x8b: {  	s0 =	sand.u32 $0x1, s1  }
0x8c: {  	s16 =	sshll.u32 s0, $0xA;
	s2 =	sadd.s32 s3, s2  }
0x8d: {  	s2 =	sadd.s32 s2, s16  }
0x8e: {  	[smem:$0x3FC1] =	sst s2  }
0x8f: {  	_ = 	snop  }
0x90: {  	(tm) =	ssettm $0x1  }
0x91: {  	s17 =	sld [smem:$0x3FFB];
	_ =	sdelay $0x3  }
0x92: {  	_ =	strace s17  }
0x93: {  	s2 =	sld [smem:$0x3FFC];
	_ =	sdelay $0x3  }
0x94: {  	_ =	strace s2  }
0x95: {  	s2 =	sld [smem:$0x3FFD];
	_ =	sdelay $0x3  }
0x96: {  	_ =	strace s2  }
0x97: {  	_ =	strace $0x8FFFFFFF  }
0x98: {  	s18 =	sld [smem:$0x3FDB];
	_ =	sdelay $0x1  }
0x99: {  	s19 =	simm.s32 $_scs_section_size  }
0x9a: {  	s4 =	simm.s32 $_size__tile_overlayer_lowered;
	s5 =	simm.s32 $_tile_overlayer_lowered  }
0x9b: {  	s22 =	simm.s32 $0x1BFF;
	s21 =	sshll.u32 s5, $0x1;
	s2 =	sadd.s32 s19, s18  }
0x9c: {  	s6 =	simm.s32 $0x0;
	s20 =	sshll.u32 s4, $0x1;
	s4 =	sadd.s32 s21, s2  }
0x9d: {  	[timem:s6], [sflag:s22] =	dma.local [hbm:s4], s20  }
0x9e: {  	_ =	swait.ge [sflag:s22], s20  }
0x9f: {  	s3 =	ssub.s32 $0x0, s20;
	[sflag:s22] =	ssyncset.done $0x0  }
0xa0: {  	[sflag:s22] =	ssyncadd.s32 s3;
	_ =	sdelay $0x1  }
0xa1: {  	s23 =	simm.s32 $0x1B8B  }
0xa2: {  	_ =	swait.ge [sflag:s23], $0x1  }
0xa3: {  	[sflag:s23] =	ssyncset.done $0x0  }
0xa4: {  	s25 =	simm.s32 $0x1B8E;
	s24 =	sld [smem:$0x3FFE];
	[sflag:s23] =	ssyncadd.s32 $0xFFFFFFFF  }
0xa5: {  	s26 =	simm.s32 $execute0_lowered;
	[smem:$0x3FD2] =	sst s25  }
0xa6: {  	s4 =	sshll.u32 s26, $0x1;
	_ =	strace $0x80000046;
	[dreg:$0x1] =	wrdreg $0xFFFFFFFF  }
0xa7: {  	s28 =	simm.s32 $_size_execute0_lowered;
	s2 =	sadd.s32 s2, s4;
	[dreg:$0x0] =	wrdreg $0x0  }
0xa8: {  	s4 =	sshll.u32 s28, $0x1;
	[dreg:$0x2] =	wrdreg s2  }
0xa9: {  	[dreg:$0x3] =	wrdreg s4  }
0xaa: {  	[dreg:$0x4] =	wrdreg $0xC0  }
0xab: {  	_ =	task [dreg:s6], $0x5FFFF  }
0xac: {  	[dreg:$0x1] =	wrdreg $0xFFFFFFFF  }
0xad: {  	[dreg:$0x0] =	wrdreg $0x60  }
0xae: {  	[dreg:$0x2] =	wrdreg s24  }
0xaf: {  	[dreg:$0x3] =	wrdreg $0x9  }
0xb0: {  	_ =	task.clear_ibuf [dreg:s6], $0x4FFFF;
	_ =	strace $0x90000046  }
0xb1: {  	s29 =	simm.s32 $0x9;
	_ =	strace $0x80000048  }
0xb2: {  	_ =	swait.ge [sflag:s29], $0x1  }
0xb3: {  	[sflag:s29] =	ssyncadd.s32 $0xFFFFFFFF  }
0xb4: {  	_ =	strace $0x90000048  }
0xb5: {  	_ =	sfence  }
0xb6: {  	s30 =	sld [smem:$0x0];
	_ =	sdelay $0x2  }
0xb7: {  	s31 =	sshll.u32 s1, $0xD;
	s1 =	sshrl.u32 s1, $0x2  }
0xb8: {  	s3 =	sand.u32 $0x4000, s31;
	s1 =	sadd.s32 s1, s30  }
0xb9: {  	s0 =	sor.u32 s3, s0;
	s1 =	sshll.u32 s1, $0x11  }
0xba: {  	s0 =	sor.u32 s1, s0  }
0xbb: {  	s0 =	sadd.s32 $0x8F2B, s0  }
0xbc: {  	[sflag:s0] =	ssyncadd.remote.s32 $0x1  }
0xbd: {  	_ =	sfence.sel $0xFFFF  }
0xbe: {  	[dreg:$0x0] =	wrdreg $0xFFFFFFFF;
	(pc) =	sbr.abs _section_cstart, $3  }
0xbf: {  	[dreg:$0x1] =	wrdreg $0xFFFFFFFF  }
0xc0: {  	_ =	task.clear_ibuf [dreg:s6], $0x2FFFF;
	_ =	strace $0x9FFFFFFF  }
0xc1: {  	(tm) =	ssettm $0x7FFFFFFF  }
tec
execute0_lowered:
.L_overlay_start_1:
0x0: {  	(tag) =	ssettag $0x1  }
0x1: {  	s8 =	rddreg [dreg:$0x0]  }
0x2: {  	s0 =	rddreg [dreg:$0x1];
	_ =	strace $0x80000047;
	s1 =	stileid.u32  }
0x3: {  	s3 =	srdreg.scid;
	s4 =	simm.s32 $0x1;
	s7 =	simm.s32 $0x1  }
0x4: {  	s9 =	simm.s32 $0x1;
	s10 =	simm.s32 $0x3;
	s13 =	simm.s32 $0x0  }
0x5: {  	s12 =	simm.s32 $0x0;
	s5 =	sand.u32 $0x1, s3;
	s6 =	sshll.u32 s1, $0x1  }
0x6: {  	s2 =	sadd.s32 $0x6E00, s8;
	s3 =	sadd.s32 $0x1AA00, s8;
	s5 =	sor.u32 s6, s5  }
.Ltmp0:
0x7: {  	[sflag:s4] =	ssyncpa.u1 $0x0;
	p0 =	slt.u32 s5, $0x9;
	(pc) =	sbr.rel .LBB2_1-.Ltmp0, $4  }
0x8: {  	s6 =	simm.s32 $0x2;
	s7 =	simm.s32 @!p0 $0x0;
	p0 =	sne.s32 s5, $0x8  }
0x9: {  	[sflag:s6] =	ssyncpa.u1 $0x0;
	s5 =	smul.u32 $0x1F40, s5;
	s9 =	simm.s32 @!p0 $0x0  }
0xa: {  	s8 =	sadd.s32 $0x87400, s8;
	[sflag:s10] =	ssyncpa.u1 $0x0;
	s7 =	sadd.s32 s9, s7  }
0xb: {  	vm0 =	vmmov $0xffff;
	s10 =	simm.s32 $0x0;
	s11 =	smov.u32 s5;
	s9 =	sadd.s32 $0x1, s7  }
.LBB2_4:
0xc: {  	v2 =	vnsel vm1, $0x0, v2  }
0xd: {  	vm1 =	vgt.s32 v0, $0x0;
	v2 =	vmin.u32 v2, $0x4E1FF  }
0xe: {  	v0 =	vnsel vm1, $0x0, v0  }
0xf: {  	v0 =	vmin.u32 v0, $0x4E1FF  }
0x10: {  	[tilespmem:s18], [sflag:$0x1] =	stream.indirect_vreg.gather [hbm4b:s2+s10], $0x1, v1, vm0, $0x4038;
	[tilespmem:$0x7D00] =	vst v63  }
0x11: {  	(ifvalue) =	ssetifvalue $0x7FFFFFFF  }
0x12: {  	[tilespmem:s15], [sflag:$0x1] =	stream.indirect_vreg.gather [hbm4b:s2+s10], $0x1, v2, vm0, $0x4038;
	[tilespmem:$0x7D00] =	vst v63  }
0x13: {  	s29 =	sadd.s32 $0x10, s15;
	(ifvalue) =	ssetifvalue $0x7FFFFFFF  }
0x14: {  	[tilespmem:s29], [sflag:$0x1] =	stream.indirect_vreg.gather [hbm4b:s2+s10], $0x1, v0, vm0, $0x4038;
	[tilespmem:$0x7D00] =	vst v63  }
0x15: {  	_ =	swait.ge [sflag:s4], $0x1F40  }
0x16: {  	s30 =	sshrl.u32 s13, $0x3;
	[sflag:s4] =	ssyncset.done $0x0  }
0x17: {  	s31 =	sand.u32 $0x7, s13;
	s15 =	sadd.s32 s8, s30;
	[sflag:s4] =	ssyncadd.s32 $0xFFFFE0C0  }
0x18: {  	[hbm4b:s15+s31] =	stream.linear.scatter [tilespmem:s14], [sflag:$0x3], $0x1F40, $0x38;
	[tilespmem:$0x7D00] =	vst v63  }
.LBB2_5:
0x19: {  	s15 =	sadd.s32 $0x3E800, s11  }
0x1a: {  	p1 =	sgt.s32 s15, $0x4E1FF  }
0x1b: {  	s15 =	smov.u32 @p1 s5;
	p1 =	sne.s32 s12, s9  }
.Ltmp1:
0x1c: {  	p0 =	slt.u32 s12, $0x2;
	(pc) =	sbr.rel @!p1 .LBB2_6-.Ltmp1, $4  }
0x1d: {  	s14 =	simm.s32 @!p0 $0x3  }
0x1e: {  	_ =	swait.ge @!p0 [sflag:s14], $0x1F40  }
0x1f: {  	s16 =	sadd.s32 $0x1, s12;
	s13 =	smov.u32 s11;
	[sflag:s14] =	ssyncset.done @!p0 $0x0  }
0x20: {  	s12 =	smov.u32 s16;
	s11 =	smov.u32 s15;
	[sflag:s14] =	ssyncadd.s32 @!p0 $0xFFFFE0C0  }
.LBB2_1:
0x21: {  	p0 =	sge.u32 s12, s7  }
0x22: {  	s14 =	sxor.u32 @!p0 $0x1, s12  }
0x23: {  	s14 =	smul.u32 @!p0 $0x7D00, s14  }
0x24: {  	s31 =	sadd.s32 $0xFFFFFFFF, s12;
	s15 =	sshrl.u32 @!p0 s11, $0x3  }
0x25: {  	s16 =	sand.u32 @!p0 $0x7, s11;
	s15 =	sadd.s32 @!p0 s3, s15;
	s14 =	sshra.s32 @!p0 s14, $0x2  }
0x26: {  	[tilespmem:s14], [sflag:$0x2] =	stream.linear.gather @!p0 [hbm4b:s15+s16], $0x1F40, $0x38;
	[tilespmem:$0x7D00] =	vst v63  }
0x27: {  	p0 =	sge.u32 s31, s7  }
.Ltmp2:
0x28: {  	_ = 	snop;
	(pc) =	sbr.rel @p0 .LBB2_5-.Ltmp2, $1  }
0x29: {  	_ =	sdelay $0x3  }
0x2a: {  	s14 =	sand.u32 $0x1, s12  }
0x2b: {  	_ =	swait.ge [sflag:s6], $0x1F40;
	p0 =	seq.s32 s14, $0x1;
	s14 =	simm.s32 $0x1F40  }
0x2c: {  	[sflag:s6] =	ssyncset.done $0x0;
	s14 =	simm.s32 @!p0 $0x0  }
0x2d: {  	[sflag:s6] =	ssyncadd.s32 $0xFFFFE0C0;
	(ifvalue) =	ssetifvalue $0x7FFFFFFF;
	v0 =	vld.msk [tilespmem:s14+$0x0 ss:$0x1], $0xffff;
	_ =	sdelay $0x4  }
0x2e: {  	s15 =	sadd.s32 $0x10, s14;
	vm1 =	vgt.s32 v0, $0x0  }
0x2f: {  	v2 =	vld.msk [tilespmem:s15+$0x0 ss:$0x1], $0xffff;
	v1 =	vnsel vm1, $0x0, v0  }
0x30: {  	v1 =	vmin.u32 v1, $0x4E1FF;
	_ =	sdelay $0x2  }
0x31: {  	s17 =	simm.s32 $0x20;
	s14 =	sadd.s32 $0x3E80, s14;
	s16 =	sadd.s32 $0x10, s15  }
0x32: {  	s15 =	sadd.s32 $0x10, s14;
	s18 =	smov.u32 s14;
	v0 =	vld.msk [tilespmem:s16+$0x0 ss:$0x1], $0xffff;
	vm1 =	vgt.s32 v2, $0x0;
	(ifvalue) =	ssetifvalue $0x7FFFFFFF  }
.LBB2_3:
0x33: {  	[tilespmem:s18], [sflag:$0x1] =	stream.indirect_vreg.gather [hbm4b:s2+s10], $0x1, v1, vm0, $0x4038;
	[tilespmem:$0x7D00] =	vst v63  }
0x34: {  	s17 =	sadd.s32 $0x10, s17  }
0x35: {  	v2 =	vnsel vm1, $0x0, v2;
	p0 =	slt.u32 s17, $0x1F30  }
.Ltmp3:
0x36: {  	s18 =	smov.u32 s15;
	v1 =	vmin.u32 v2, $0x4E1FF;
	(pc) =	sbr.rel @p0 .LBB2_3-.Ltmp3, $3  }
0x37: {  	_ =	sdelay $0x1  }
0x38: {  	s16 =	sadd.s32 $0x10, s16  }
0x39: {  	vm1 =	vgt.s32 v0, $0x0;
	s15 =	sadd.s32 $0x10, s15;
	v2 =	vmov v0;
	(ifvalue) =	ssetifvalue $0x7FFFFFFF;
	v0 =	vld.msk [tilespmem:s16+$0x0 ss:$0x1], $0xffff  }
.Ltmp4:
0x3a: {  	_ = 	snop;
	(pc) =	sbr.rel .LBB2_4-.Ltmp4, $1  }
0x3b: {  	_ =	sdelay $0x3  }
.LBB2_6:
0x3c: {  	_ =	sfence.sel $0x180000  }
0x3d: {  	s2 =	simm.s32 $0x2;
	[bflag:$0x0] =	sbarrier.arrive $0xFFFF  }
0x3e: {  	s30 =	simm.s32 $0x3;
	[sflag:s2] =	ssyncpa.u1 $0x1  }
0x3f: {  	s31 =	simm.s32 $0x1;
	[sflag:s30] =	ssyncpa.u1 $0x1  }
0x40: {  	[sflag:s31] =	ssyncpa.u1 $0x1  }
0x41: {  	p0 =	sne.s32 s1, $0x0;
	_ =	strace $0x90000047  }
0x42: {  	s0 =	sadd.s32 @!p0 $0x100000, s0;
	[bflag:$0x2] =	sbarrier.arrive $0xFFFF  }
0x43: {  	[sflag:s0] =	ssyncadd.tile.s32 @!p0 $0x1;
	_ =	shalt  }
.Lfunc_end2:
_tile_overlayer_lowered:
.L_overlay_start_2:
0x44: {  	(tag) =	ssettag $0x2  }
0x45: {  	s0 =	rddreg [dreg:$0x0];
	s2 =	stileid.u32  }
0x46: {  	s1 =	rddreg [dreg:$0x1];
	p0 =	sne.s32 s2, $0x0  }
0x47: {  	s3 =	rddreg [dreg:$0x2];
	[bflag:$0x3] =	sbarrier.arrive $0xFFFF;
	s2 =	simm.s32 @!p0 $0x1C01  }
0x48: {  	[timem:s3], [sflag:s2] =	dma.local @!p0 [hbm:s0], s1  }
0x49: {  	s0 =	simm.s32 @!p0 $0x1  }
0x4a: {  	_ =	swait.ge @!p0 [sflag:s0], s1  }
0x4b: {  	s1 =	ssub.s32 @!p0 $0x0, s1;
	[sflag:s0] =	ssyncset.done @!p0 $0x0  }
0x4c: {  	[sflag:s0] =	ssyncadd.s32 @!p0 s1  }
0x4d: {  	[bflag:$0x3] =	sbarrier.arrive $0xFFFF  }
0x4e: {  	_ =	shalt  }

// kernel: gather_offload_async_start.2
scs
__scs_entry_jumppad:
0x0: {  	(pc) =	sbr.rel $0x88, $3  }
0x1: {  	(tag) =	ssettag $0x0;
	lr =	simm.s32 $0x1  }
0x2: {  	[smem:$0x3F9A] =	sst lr;
	_ =	strace $0xD0000000  }
0x3: {  	_ = 	snop  }
0x4: {  	_ = 	snop  }
0x5: {  	_ = 	snop  }
0x6: {  	_ = 	snop  }
0x7: {  	_ = 	snop  }
__scs_overlays_trampoline_lowered:
0x8: {  	[smem:$0x3FA9] =	sst s0  }
0x9: {  	[smem:$0x3FAA] =	sst s1  }
0xa: {  	[smem:$0x3FAB] =	sst s2  }
0xb: {  	[smem:$0x3FAC] =	sst s3  }
0xc: {  	[smem:$0x3FAD] =	sst s4  }
0xd: {  	[smem:$0x3FAE] =	sst s5  }
0xe: {  	[smem:$0x3FAF] =	sst s6  }
0xf: {  	[smem:$0x3FB0] =	sst s7  }
0x10: {  	[smem:$0x3FB1] =	sst s8  }
0x11: {  	[smem:$0x3FB2] =	sst s9;
	s0 =	simm.s32 @!p0 $0x0  }
0x12: {  	s1 =	sld [smem:$0x3F98];
	s0 =	simm.s32 @p0 $0x1  }
0x13: {  	[smem:$0x3FB3] =	sst s0;
	s0 =	simm.s32 @!p1 $0x0  }
0x14: {  	s2 =	sld [smem:$0x3F97];
	s0 =	simm.s32 @p1 $0x1  }
0x15: {  	[smem:$0x3FB4] =	sst s0;
	s0 =	simm.s32 @!p2 $0x0  }
0x16: {  	s3 =	sld [smem:$0x3FDB];
	s0 =	simm.s32 @p2 $0x1  }
0x17: {  	s4 =	simm.s32 $0x1BF5;
	[smem:$0x3FB6] =	sst s0  }
0x18: {  	s0 =	sld [smem:$0x3F99];
	_ =	swait.ge [sflag:s4], $0x0  }
0x19: {  	s7 =	sld [smem:$0x3F9A]  }
0x1a: {  	s8 =	sadd.s32 $0xFFFFE003, lr  }
0x1b: {  	s9 =	sadd.s32 $0xFFFFFEF7, lr;
	s5 =	simm.s32 $0xFFFFFFFF;
	p2 =	slt.u32 s8, $0xFFFFF086  }
0x1c: {  	p1 =	slt.u32 s9, $0xF7A;
	s5 =	simm.s32 @!p2 $0x0  }
0x1d: {  	s5 =	simm.s32 @p1 $0x1;
	p0 =	seq.s32 s7, s2  }
0x1e: {  	s7 =	smul.u32 @!p0 $0xF7A, s2;
	p2 =	seq.s32 @!p0 s5, $0x0  }
0x1f: {  	s9 =	smul.u32 $0xF7A, s1;
	s8 =	simm.s32 @!p0 $0x1BF5;
	p2 =	por !p2, p0  }
0x20: {  	[sflag:s8] =	ssyncset.s32 @!p0 $0xFFFFF086;
	s6 =	sadd.s32 @!p0 s3, s7;
	s7 =	simm.s32 @!p0 $0x108  }
0x21: {  	s3 =	sadd.s32 s3, s9;
	s6 =	sadd.s32 @!p0 $0x88, s6;
	s7 =	simm.s32 @p2 $0x1082  }
0x22: {  	[simem:s7], [sflag:s8] =	dma.local @!p0 [hbm:s6], $0xF7A  }
0x23: {  	s9 =	sor.u32 $0xD0000000, s2;
	s6 =	simm.s32 $0x108;
	_ =	swait.ge @!p0 [sflag:s8], $0x0  }
0x24: {  	s3 =	sadd.s32 $0x88, s3;
	s6 =	simm.s32 @!p1 $0x1082;
	[sflag:s4] =	ssyncset.s32 $0xFFFFF086  }
0x25: {  	[simem:s6], [sflag:s4] =	dma.local [hbm:s3], $0xF7A  }
0x26: {  	[smem:$0x3F9A] =	sst s1;
	(tag) =	ssettag s2;
	_ =	strace s9  }
0x27: {  	s1 =	sld [smem:$0x3FAA]  }
0x28: {  	s2 =	sld [smem:$0x3FAB]  }
0x29: {  	s4 =	sld [smem:$0x3FAD]  }
0x2a: {  	p0 =	seq.s32 s5, $0x0;
	s5 =	sld [smem:$0x3FAE]  }
0x2b: {  	s6 =	sld [smem:$0x3FAF]  }
0x2c: {  	s7 =	sld [smem:$0x3FB0]  }
0x2d: {  	s3 =	simm.s32 $0x108;
	s8 =	sld [smem:$0x3FB1]  }
0x2e: {  	s3 =	simm.s32 @!p0 $0x1082;
	s9 =	sld [smem:$0x3FB2]  }
0x2f: {  	lr =	sadd.s32 s0, s3;
	s0 =	sld [smem:$0x3FA9]  }
0x30: {  	s3 =	sld [smem:$0x3FAC]  }
0x31: {  	[smem:$0x3FB5] =	sst s10  }
0x32: {  	s10 =	sld [smem:$0x3FB3];
	_ =	sdelay $0x3  }
0x33: {  	p0 =	seq.s32 s10, $0x1;
	s10 =	sld [smem:$0x3FB5];
	_ =	sdelay $0x3  }
0x34: {  	[smem:$0x3FB5] =	sst s10  }
0x35: {  	s10 =	sld [smem:$0x3FB4];
	_ =	sdelay $0x3  }
0x36: {  	p1 =	seq.s32 s10, $0x1;
	s10 =	sld [smem:$0x3FB5];
	_ =	sdelay $0x3  }
0x37: {  	[smem:$0x3FB5] =	sst s10  }
0x38: {  	s10 =	sld [smem:$0x3FB6]  }
0x39: {  	_ = 	snop;
	(pc) =	sbr.ind lr, $3  }
0x3a: {  	_ = 	snop  }
0x3b: {  	_ = 	snop  }
0x3c: {  	p2 =	seq.s32 s10, $0x1;
	s10 =	sld [smem:$0x3FB5]  }
0x3d: {  	_ =	shalt  }
0x3e: {  	_ =	shalt  }
0x3f: {  	_ =	shalt  }
0x40: {  	_ =	shalt  }
0x41: {  	_ =	shalt  }
0x42: {  	_ =	shalt  }
0x43: {  	_ =	shalt  }
0x44: {  	_ =	shalt  }
0x45: {  	_ =	shalt  }
0x46: {  	_ =	shalt  }
0x47: {  	_ =	shalt  }
0x48: {  	_ =	shalt  }
0x49: {  	_ =	shalt  }
0x4a: {  	_ =	shalt  }
0x4b: {  	_ =	shalt  }
0x4c: {  	_ =	shalt  }
0x4d: {  	_ =	shalt  }
0x4e: {  	_ =	shalt  }
0x4f: {  	_ =	shalt  }
0x50: {  	_ =	shalt  }
0x51: {  	_ =	shalt  }
0x52: {  	_ =	shalt  }
0x53: {  	_ =	shalt  }
0x54: {  	_ =	shalt  }
0x55: {  	_ =	shalt  }
0x56: {  	_ =	shalt  }
0x57: {  	_ =	shalt  }
0x58: {  	_ =	shalt  }
0x59: {  	_ =	shalt  }
0x5a: {  	_ =	shalt  }
0x5b: {  	_ =	shalt  }
0x5c: {  	_ =	shalt  }
0x5d: {  	_ =	shalt  }
0x5e: {  	_ =	shalt  }
0x5f: {  	_ =	shalt  }
0x60: {  	_ =	shalt  }
0x61: {  	_ =	shalt  }
0x62: {  	_ =	shalt  }
0x63: {  	_ =	shalt  }
0x64: {  	_ =	shalt  }
0x65: {  	_ =	shalt  }
0x66: {  	_ =	shalt  }
0x67: {  	_ =	shalt  }
0x68: {  	_ =	shalt  }
0x69: {  	_ =	shalt  }
0x6a: {  	_ =	shalt  }
0x6b: {  	_ =	shalt  }
0x6c: {  	_ =	shalt  }
0x6d: {  	_ =	shalt  }
0x6e: {  	_ =	shalt  }
0x6f: {  	_ =	shalt  }
0x70: {  	_ =	shalt  }
0x71: {  	_ =	shalt  }
0x72: {  	_ =	shalt  }
0x73: {  	_ =	shalt  }
0x74: {  	_ =	shalt  }
0x75: {  	_ =	shalt  }
0x76: {  	_ =	shalt  }
0x77: {  	_ =	shalt  }
0x78: {  	_ =	shalt  }
0x79: {  	_ =	shalt  }
0x7a: {  	_ =	shalt  }
0x7b: {  	_ =	shalt  }
0x7c: {  	_ =	shalt  }
0x7d: {  	_ =	shalt  }
0x7e: {  	_ =	shalt  }
0x7f: {  	_ =	shalt  }
0x80: {  	_ =	shalt  }
0x81: {  	_ =	shalt  }
0x82: {  	_ =	shalt  }
0x83: {  	_ =	shalt  }
0x84: {  	_ =	shalt  }
0x85: {  	_ =	shalt  }
0x86: {  	_ =	shalt  }
0x87: {  	_ =	shalt  }
.Lfunc_end0:
.L_simem_size_0:
called_computation.2_lowered:
.L_overlay_start_0:
0x88: {  	s2 =	sld [smem:$0x3FD9]  }
0x89: {  	s3 =	sld [smem:$0x3FFE];
	_ =	sdelay $0x1  }
0x8a: {  	s1 =	srdreg.scid  }
0x8b: {  	s0 =	sand.u32 $0x1, s1  }
0x8c: {  	s17 =	sshll.u32 s0, $0xA;
	s2 =	sadd.s32 s3, s2  }
0x8d: {  	s2 =	sadd.s32 s2, s17  }
0x8e: {  	[smem:$0x3FC1] =	sst s2  }
0x8f: {  	_ = 	snop  }
0x90: {  	s18 =	sld [smem:$0x3FC7];
	(tm) =	ssettm $0x1  }
0x91: {  	s19 =	sld [smem:$0x3FFB];
	_ =	sdelay $0x3  }
0x92: {  	_ =	strace s19  }
0x93: {  	s2 =	sld [smem:$0x3FFC];
	_ =	sdelay $0x3  }
0x94: {  	_ =	strace s2  }
0x95: {  	s2 =	sld [smem:$0x3FFD];
	_ =	sdelay $0x3  }
0x96: {  	_ =	strace s2  }
0x97: {  	_ =	strace $0x8FFFFFFF  }
0x98: {  	s20 =	sld [smem:$0x3FDB];
	_ =	sdelay $0x1  }
0x99: {  	s4 =	simm.s32 $_scs_section_size  }
0x9a: {  	s5 =	simm.s32 $_size__tile_overlayer_lowered;
	s6 =	simm.s32 $_tile_overlayer_lowered  }
0x9b: {  	s7 =	simm.s32 $0x1BFF;
	s21 =	sshll.u32 s6, $0x1;
	s4 =	sadd.s32 s4, s20  }
0x9c: {  	s22 =	simm.s32 $0x0;
	s5 =	sshll.u32 s5, $0x1;
	s6 =	sadd.s32 s21, s4  }
0x9d: {  	[timem:s22], [sflag:s7] =	dma.local [hbm:s6], s5  }
0x9e: {  	_ =	swait.ge [sflag:s7], s5  }
0x9f: {  	s5 =	ssub.s32 $0x0, s5;
	[sflag:s7] =	ssyncset.done $0x0  }
0xa0: {  	[sflag:s7] =	ssyncadd.s32 s5;
	_ =	sdelay $0x1  }
0xa1: {  	s23 =	simm.s32 $0x1B8B  }
0xa2: {  	_ =	swait.ge [sflag:s23], $0x1  }
0xa3: {  	[sflag:s23] =	ssyncset.done $0x0  }
0xa4: {  	[sflag:s23] =	ssyncadd.s32 $0xFFFFFFFF  }
0xa5: {  	s5 =	sld [smem:$0x0]  }
0xa6: {  	s6 =	sand.u32 $0xFFFFFFFE, s1  }
0xa7: {  	p0 =	sne.s32 s1, s6  }
0xa8: {  	s6 =	sshll.u32 @p0 s6, $0xE  }
0xa9: {  	s6 =	sadd.s32 @p0 $0x11B8D, s6;
	s7 =	sshll.u32 @p0 s5, $0x11  }
0xaa: {  	s6 =	sor.u32 @p0 s7, s6  }
0xab: {  	[sflag:s6] =	ssyncadd.remote.s32 @p0 $0x1;
	_ =	sdelay $0x1  }
0xac: {  	s6 =	simm.s32 @p0 $0x1B8D  }
0xad: {  	_ =	swait.eq @p0 [sflag:s6], $0x1  }
0xae: {  	[sflag:s6] =	ssyncadd.s32 @p0 $0xFFFFFFFF  }
0xaf: {  	s7 =	sshll.u32 @!p0 s1, $0xE  }
0xb0: {  	s7 =	sor.u32 @!p0 $0x4000, s7;
	s6 =	simm.s32 @!p0 $0x1B8D  }
0xb1: {  	s5 =	sshll.u32 @!p0 s5, $0x11;
	s7 =	sadd.s32 @!p0 $0x11B8D, s7;
	_ =	swait.eq @!p0 [sflag:s6], $0x1  }
0xb2: {  	s5 =	sor.u32 @!p0 s5, s7;
	[sflag:s6] =	ssyncadd.s32 @!p0 $0xFFFFFFFF  }
0xb3: {  	s25 =	simm.s32 $0x1B8E;
	s24 =	sld [smem:$0x3FFE];
	[sflag:s5] =	ssyncadd.remote.s32 @!p0 $0x1  }
0xb4: {  	s26 =	simm.s32 $execute0_lowered;
	[smem:$0x3FD2] =	sst s25  }
0xb5: {  	s6 =	sshll.u32 s26, $0x1;
	_ =	strace $0x80000049;
	[dreg:$0x1] =	wrdreg $0xFFFFFFFF  }
0xb6: {  	s28 =	simm.s32 $_size_execute0_lowered;
	s4 =	sadd.s32 s4, s6;
	[dreg:$0x0] =	wrdreg $0x0  }
0xb7: {  	s6 =	sshll.u32 s28, $0x1;
	[dreg:$0x2] =	wrdreg s4  }
0xb8: {  	[dreg:$0x3] =	wrdreg s6  }
0xb9: {  	[dreg:$0x4] =	wrdreg $0xC0  }
0xba: {  	_ =	task [dreg:s22], $0x5FFFF  }
0xbb: {  	[dreg:$0x1] =	wrdreg $0xFFFFFFFF  }
0xbc: {  	[dreg:$0x0] =	wrdreg $0x60  }
0xbd: {  	[dreg:$0x2] =	wrdreg s18  }
0xbe: {  	[dreg:$0x3] =	wrdreg s24  }
0xbf: {  	[dreg:$0x4] =	wrdreg $0xA  }
0xc0: {  	_ =	task.clear_ibuf [dreg:s22], $0x5FFFF;
	_ =	strace $0x90000049  }
0xc1: {  	s29 =	simm.s32 $0xA;
	_ =	strace $0x8000004B  }
0xc2: {  	_ =	swait.ge [sflag:s29], $0x1  }
0xc3: {  	[sflag:s29] =	ssyncadd.s32 $0xFFFFFFFF  }
0xc4: {  	_ =	strace $0x9000004B  }
0xc5: {  	_ =	sfence  }
0xc6: {  	s30 =	sld [smem:$0x0];
	_ =	sdelay $0x2  }
0xc7: {  	s31 =	sshll.u32 s1, $0xD;
	s1 =	sshrl.u32 s1, $0x2  }
0xc8: {  	s4 =	sand.u32 $0x4000, s31;
	s1 =	sadd.s32 s1, s30  }
0xc9: {  	s0 =	sor.u32 s4, s0;
	s1 =	sshll.u32 s1, $0x11  }
0xca: {  	s0 =	sor.u32 s1, s0  }
0xcb: {  	s0 =	sadd.s32 $0x8F2B, s0  }
0xcc: {  	[sflag:s0] =	ssyncadd.remote.s32 $0x1  }
0xcd: {  	_ =	sfence.sel $0xFFFF  }
0xce: {  	[dreg:$0x0] =	wrdreg $0xFFFFFFFF;
	(pc) =	sbr.abs _section_cstart, $3  }
0xcf: {  	[dreg:$0x1] =	wrdreg $0xFFFFFFFF  }
0xd0: {  	_ =	task.clear_ibuf [dreg:s22], $0x2FFFF;
	_ =	strace $0x9FFFFFFF  }
0xd1: {  	(tm) =	ssettm $0x7FFFFFFF  }
tec
execute0_lowered:
.L_overlay_start_1:
0x0: {  	(tag) =	ssettag $0x1  }
0x1: {  	s2 =	rddreg [dreg:$0x0]  }
0x2: {  	s8 =	rddreg [dreg:$0x1]  }
0x3: {  	s0 =	rddreg [dreg:$0x2];
	s1 =	stileid.u32  }
0x4: {  	s3 =	srdreg.scid;
	_ =	strace $0x8000004A;
	s4 =	simm.s32 $0x1  }
0x5: {  	s7 =	simm.s32 $0x1;
	s9 =	simm.s32 $0x1;
	s10 =	simm.s32 $0x3  }
0x6: {  	s13 =	simm.s32 $0x0;
	s5 =	sand.u32 $0x1, s3;
	s6 =	sshll.u32 s1, $0x1  }
0x7: {  	s12 =	simm.s32 $0x0;
	s3 =	sadd.s32 $0x1AA00, s8;
	s5 =	sor.u32 s6, s5  }
.Ltmp0:
0x8: {  	[sflag:s4] =	ssyncpa.u1 $0x0;
	p0 =	slt.u32 s5, $0x9;
	(pc) =	sbr.rel .LBB2_1-.Ltmp0, $4  }
0x9: {  	s6 =	simm.s32 $0x2;
	s7 =	simm.s32 @!p0 $0x0;
	p0 =	sne.s32 s5, $0x8  }
0xa: {  	[sflag:s6] =	ssyncpa.u1 $0x0;
	s5 =	smul.u32 $0x1F40, s5;
	s9 =	simm.s32 @!p0 $0x0  }
0xb: {  	s8 =	sadd.s32 $0x91200, s8;
	[sflag:s10] =	ssyncpa.u1 $0x0;
	s7 =	sadd.s32 s9, s7  }
0xc: {  	vm0 =	vmmov $0xffff;
	s10 =	simm.s32 $0x0;
	s11 =	smov.u32 s5;
	s9 =	sadd.s32 $0x1, s7  }
.LBB2_4:
0xd: {  	v2 =	vnsel vm1, $0x0, v2  }
0xe: {  	vm1 =	vgt.s32 v0, $0x0;
	v2 =	vmin.u32 v2, $0x4E1FF  }
0xf: {  	v0 =	vnsel vm1, $0x0, v0  }
0x10: {  	v0 =	vmin.u32 v0, $0x4E1FF  }
0x11: {  	[tilespmem:s18], [sflag:$0x1] =	stream.indirect_vreg.gather [hbm4b:s2+s10], $0x1, v1, vm0, $0x4038;
	[tilespmem:$0x7D00] =	vst v63  }
0x12: {  	(ifvalue) =	ssetifvalue $0x7FFFFFFF  }
0x13: {  	[tilespmem:s15], [sflag:$0x1] =	stream.indirect_vreg.gather [hbm4b:s2+s10], $0x1, v2, vm0, $0x4038;
	[tilespmem:$0x7D00] =	vst v63  }
0x14: {  	s29 =	sadd.s32 $0x10, s15;
	(ifvalue) =	ssetifvalue $0x7FFFFFFF  }
0x15: {  	[tilespmem:s29], [sflag:$0x1] =	stream.indirect_vreg.gather [hbm4b:s2+s10], $0x1, v0, vm0, $0x4038;
	[tilespmem:$0x7D00] =	vst v63  }
0x16: {  	_ =	swait.ge [sflag:s4], $0x1F40  }
0x17: {  	s30 =	sshrl.u32 s13, $0x3;
	[sflag:s4] =	ssyncset.done $0x0  }
0x18: {  	s31 =	sand.u32 $0x7, s13;
	s15 =	sadd.s32 s8, s30;
	[sflag:s4] =	ssyncadd.s32 $0xFFFFE0C0  }
0x19: {  	[hbm4b:s15+s31] =	stream.linear.scatter [tilespmem:s14], [sflag:$0x3], $0x1F40, $0x38;
	[tilespmem:$0x7D00] =	vst v63  }
.LBB2_5:
0x1a: {  	s15 =	sadd.s32 $0x3E800, s11  }
0x1b: {  	p1 =	sgt.s32 s15, $0x4E1FF  }
0x1c: {  	s15 =	smov.u32 @p1 s5;
	p1 =	sne.s32 s12, s9  }
.Ltmp1:
0x1d: {  	p0 =	slt.u32 s12, $0x2;
	(pc) =	sbr.rel @!p1 .LBB2_6-.Ltmp1, $4  }
0x1e: {  	s14 =	simm.s32 @!p0 $0x3  }
0x1f: {  	_ =	swait.ge @!p0 [sflag:s14], $0x1F40  }
0x20: {  	s16 =	sadd.s32 $0x1, s12;
	s13 =	smov.u32 s11;
	[sflag:s14] =	ssyncset.done @!p0 $0x0  }
0x21: {  	s12 =	smov.u32 s16;
	s11 =	smov.u32 s15;
	[sflag:s14] =	ssyncadd.s32 @!p0 $0xFFFFE0C0  }
.LBB2_1:
0x22: {  	p0 =	sge.u32 s12, s7  }
0x23: {  	s14 =	sxor.u32 @!p0 $0x1, s12  }
0x24: {  	s14 =	smul.u32 @!p0 $0x7D00, s14  }
0x25: {  	s31 =	sadd.s32 $0xFFFFFFFF, s12;
	s15 =	sshrl.u32 @!p0 s11, $0x3  }
0x26: {  	s16 =	sand.u32 @!p0 $0x7, s11;
	s15 =	sadd.s32 @!p0 s3, s15;
	s14 =	sshra.s32 @!p0 s14, $0x2  }
0x27: {  	[tilespmem:s14], [sflag:$0x2] =	stream.linear.gather @!p0 [hbm4b:s15+s16], $0x1F40, $0x38;
	[tilespmem:$0x7D00] =	vst v63  }
0x28: {  	p0 =	sge.u32 s31, s7  }
.Ltmp2:
0x29: {  	_ = 	snop;
	(pc) =	sbr.rel @p0 .LBB2_5-.Ltmp2, $1  }
0x2a: {  	_ =	sdelay $0x3  }
0x2b: {  	s14 =	sand.u32 $0x1, s12  }
0x2c: {  	_ =	swait.ge [sflag:s6], $0x1F40;
	p0 =	seq.s32 s14, $0x1;
	s14 =	simm.s32 $0x1F40  }
0x2d: {  	[sflag:s6] =	ssyncset.done $0x0;
	s14 =	simm.s32 @!p0 $0x0  }
0x2e: {  	[sflag:s6] =	ssyncadd.s32 $0xFFFFE0C0;
	(ifvalue) =	ssetifvalue $0x7FFFFFFF;
	v0 =	vld.msk [tilespmem:s14+$0x0 ss:$0x1], $0xffff;
	_ =	sdelay $0x4  }
0x2f: {  	s15 =	sadd.s32 $0x10, s14;
	vm1 =	vgt.s32 v0, $0x0  }
0x30: {  	v2 =	vld.msk [tilespmem:s15+$0x0 ss:$0x1], $0xffff;
	v1 =	vnsel vm1, $0x0, v0  }
0x31: {  	v1 =	vmin.u32 v1, $0x4E1FF;
	_ =	sdelay $0x2  }
0x32: {  	s17 =	simm.s32 $0x20;
	s14 =	sadd.s32 $0x3E80, s14;
	s16 =	sadd.s32 $0x10, s15  }
0x33: {  	s15 =	sadd.s32 $0x10, s14;
	s18 =	smov.u32 s14;
	v0 =	vld.msk [tilespmem:s16+$0x0 ss:$0x1], $0xffff;
	vm1 =	vgt.s32 v2, $0x0;
	(ifvalue) =	ssetifvalue $0x7FFFFFFF  }
.LBB2_3:
0x34: {  	[tilespmem:s18], [sflag:$0x1] =	stream.indirect_vreg.gather [hbm4b:s2+s10], $0x1, v1, vm0, $0x4038;
	[tilespmem:$0x7D00] =	vst v63  }
0x35: {  	s17 =	sadd.s32 $0x10, s17  }
0x36: {  	v2 =	vnsel vm1, $0x0, v2;
	p0 =	slt.u32 s17, $0x1F30  }
.Ltmp3:
0x37: {  	s18 =	smov.u32 s15;
	v1 =	vmin.u32 v2, $0x4E1FF;
	(pc) =	sbr.rel @p0 .LBB2_3-.Ltmp3, $3  }
0x38: {  	_ =	sdelay $0x1  }
0x39: {  	s16 =	sadd.s32 $0x10, s16  }
0x3a: {  	vm1 =	vgt.s32 v0, $0x0;
	s15 =	sadd.s32 $0x10, s15;
	v2 =	vmov v0;
	(ifvalue) =	ssetifvalue $0x7FFFFFFF;
	v0 =	vld.msk [tilespmem:s16+$0x0 ss:$0x1], $0xffff  }
.Ltmp4:
0x3b: {  	_ = 	snop;
	(pc) =	sbr.rel .LBB2_4-.Ltmp4, $1  }
0x3c: {  	_ =	sdelay $0x3  }
.LBB2_6:
0x3d: {  	_ =	sfence.sel $0x180000  }
0x3e: {  	s2 =	simm.s32 $0x2;
	[bflag:$0x0] =	sbarrier.arrive $0xFFFF  }
0x3f: {  	s30 =	simm.s32 $0x3;
	[sflag:s2] =	ssyncpa.u1 $0x1  }
0x40: {  	s31 =	simm.s32 $0x1;
	[sflag:s30] =	ssyncpa.u1 $0x1  }
0x41: {  	[sflag:s31] =	ssyncpa.u1 $0x1  }
0x42: {  	p0 =	sne.s32 s1, $0x0;
	_ =	strace $0x9000004A  }
0x43: {  	s0 =	sadd.s32 @!p0 $0x100000, s0;
	[bflag:$0x2] =	sbarrier.arrive $0xFFFF  }
0x44: {  	[sflag:s0] =	ssyncadd.tile.s32 @!p0 $0x1;
	_ =	shalt  }
.Lfunc_end2:
_tile_overlayer_lowered:
.L_overlay_start_2:
0x45: {  	(tag) =	ssettag $0x2  }
0x46: {  	s0 =	rddreg [dreg:$0x0];
	s2 =	stileid.u32  }
0x47: {  	s1 =	rddreg [dreg:$0x1];
	p0 =	sne.s32 s2, $0x0  }
0x48: {  	s3 =	rddreg [dreg:$0x2];
	[bflag:$0x3] =	sbarrier.arrive $0xFFFF;
	s2 =	simm.s32 @!p0 $0x1C01  }
0x49: {  	[timem:s3], [sflag:s2] =	dma.local @!p0 [hbm:s0], s1  }
0x4a: {  	s0 =	simm.s32 @!p0 $0x1  }
0x4b: {  	_ =	swait.ge @!p0 [sflag:s0], s1  }
0x4c: {  	s1 =	ssub.s32 @!p0 $0x0, s1;
	[sflag:s0] =	ssyncset.done @!p0 $0x0  }
0x4d: {  	[sflag:s0] =	ssyncadd.s32 @!p0 s1  }
0x4e: {  	[bflag:$0x3] =	sbarrier.arrive $0xFFFF  }
0x4f: {  	_ =	shalt  }

// kernel: gather_offload_async_start
scs
__scs_entry_jumppad:
0x0: {  	(pc) =	sbr.rel $0x88, $3  }
0x1: {  	(tag) =	ssettag $0x0;
	lr =	simm.s32 $0x1  }
0x2: {  	[smem:$0x3F9A] =	sst lr;
	_ =	strace $0xD0000000  }
0x3: {  	_ = 	snop  }
0x4: {  	_ = 	snop  }
0x5: {  	_ = 	snop  }
0x6: {  	_ = 	snop  }
0x7: {  	_ = 	snop  }
__scs_overlays_trampoline_lowered:
0x8: {  	[smem:$0x3FA9] =	sst s0  }
0x9: {  	[smem:$0x3FAA] =	sst s1  }
0xa: {  	[smem:$0x3FAB] =	sst s2  }
0xb: {  	[smem:$0x3FAC] =	sst s3  }
0xc: {  	[smem:$0x3FAD] =	sst s4  }
0xd: {  	[smem:$0x3FAE] =	sst s5  }
0xe: {  	[smem:$0x3FAF] =	sst s6  }
0xf: {  	[smem:$0x3FB0] =	sst s7  }
0x10: {  	[smem:$0x3FB1] =	sst s8  }
0x11: {  	[smem:$0x3FB2] =	sst s9;
	s0 =	simm.s32 @!p0 $0x0  }
0x12: {  	s1 =	sld [smem:$0x3F98];
	s0 =	simm.s32 @p0 $0x1  }
0x13: {  	[smem:$0x3FB3] =	sst s0;
	s0 =	simm.s32 @!p1 $0x0  }
0x14: {  	s2 =	sld [smem:$0x3F97];
	s0 =	simm.s32 @p1 $0x1  }
0x15: {  	[smem:$0x3FB4] =	sst s0;
	s0 =	simm.s32 @!p2 $0x0  }
0x16: {  	s3 =	sld [smem:$0x3FDB];
	s0 =	simm.s32 @p2 $0x1  }
0x17: {  	s4 =	simm.s32 $0x1BF5;
	[smem:$0x3FB6] =	sst s0  }
0x18: {  	s0 =	sld [smem:$0x3F99];
	_ =	swait.ge [sflag:s4], $0x0  }
0x19: {  	s7 =	sld [smem:$0x3F9A]  }
0x1a: {  	s8 =	sadd.s32 $0xFFFFE003, lr  }
0x1b: {  	s9 =	sadd.s32 $0xFFFFFEF7, lr;
	s5 =	simm.s32 $0xFFFFFFFF;
	p2 =	slt.u32 s8, $0xFFFFF086  }
0x1c: {  	p1 =	slt.u32 s9, $0xF7A;
	s5 =	simm.s32 @!p2 $0x0  }
0x1d: {  	s5 =	simm.s32 @p1 $0x1;
	p0 =	seq.s32 s7, s2  }
0x1e: {  	s7 =	smul.u32 @!p0 $0xF7A, s2;
	p2 =	seq.s32 @!p0 s5, $0x0  }
0x1f: {  	s9 =	smul.u32 $0xF7A, s1;
	s8 =	simm.s32 @!p0 $0x1BF5;
	p2 =	por !p2, p0  }
0x20: {  	[sflag:s8] =	ssyncset.s32 @!p0 $0xFFFFF086;
	s6 =	sadd.s32 @!p0 s3, s7;
	s7 =	simm.s32 @!p0 $0x108  }
0x21: {  	s3 =	sadd.s32 s3, s9;
	s6 =	sadd.s32 @!p0 $0x88, s6;
	s7 =	simm.s32 @p2 $0x1082  }
0x22: {  	[simem:s7], [sflag:s8] =	dma.local @!p0 [hbm:s6], $0xF7A  }
0x23: {  	s9 =	sor.u32 $0xD0000000, s2;
	s6 =	simm.s32 $0x108;
	_ =	swait.ge @!p0 [sflag:s8], $0x0  }
0x24: {  	s3 =	sadd.s32 $0x88, s3;
	s6 =	simm.s32 @!p1 $0x1082;
	[sflag:s4] =	ssyncset.s32 $0xFFFFF086  }
0x25: {  	[simem:s6], [sflag:s4] =	dma.local [hbm:s3], $0xF7A  }
0x26: {  	[smem:$0x3F9A] =	sst s1;
	(tag) =	ssettag s2;
	_ =	strace s9  }
0x27: {  	s1 =	sld [smem:$0x3FAA]  }
0x28: {  	s2 =	sld [smem:$0x3FAB]  }
0x29: {  	s4 =	sld [smem:$0x3FAD]  }
0x2a: {  	p0 =	seq.s32 s5, $0x0;
	s5 =	sld [smem:$0x3FAE]  }
0x2b: {  	s6 =	sld [smem:$0x3FAF]  }
0x2c: {  	s7 =	sld [smem:$0x3FB0]  }
0x2d: {  	s3 =	simm.s32 $0x108;
	s8 =	sld [smem:$0x3FB1]  }
0x2e: {  	s3 =	simm.s32 @!p0 $0x1082;
	s9 =	sld [smem:$0x3FB2]  }
0x2f: {  	lr =	sadd.s32 s0, s3;
	s0 =	sld [smem:$0x3FA9]  }
0x30: {  	s3 =	sld [smem:$0x3FAC]  }
0x31: {  	[smem:$0x3FB5] =	sst s10  }
0x32: {  	s10 =	sld [smem:$0x3FB3];
	_ =	sdelay $0x3  }
0x33: {  	p0 =	seq.s32 s10, $0x1;
	s10 =	sld [smem:$0x3FB5];
	_ =	sdelay $0x3  }
0x34: {  	[smem:$0x3FB5] =	sst s10  }
0x35: {  	s10 =	sld [smem:$0x3FB4];
	_ =	sdelay $0x3  }
0x36: {  	p1 =	seq.s32 s10, $0x1;
	s10 =	sld [smem:$0x3FB5];
	_ =	sdelay $0x3  }
0x37: {  	[smem:$0x3FB5] =	sst s10  }
0x38: {  	s10 =	sld [smem:$0x3FB6]  }
0x39: {  	_ = 	snop;
	(pc) =	sbr.ind lr, $3  }
0x3a: {  	_ = 	snop  }
0x3b: {  	_ = 	snop  }
0x3c: {  	p2 =	seq.s32 s10, $0x1;
	s10 =	sld [smem:$0x3FB5]  }
0x3d: {  	_ =	shalt  }
0x3e: {  	_ =	shalt  }
0x3f: {  	_ =	shalt  }
0x40: {  	_ =	shalt  }
0x41: {  	_ =	shalt  }
0x42: {  	_ =	shalt  }
0x43: {  	_ =	shalt  }
0x44: {  	_ =	shalt  }
0x45: {  	_ =	shalt  }
0x46: {  	_ =	shalt  }
0x47: {  	_ =	shalt  }
0x48: {  	_ =	shalt  }
0x49: {  	_ =	shalt  }
0x4a: {  	_ =	shalt  }
0x4b: {  	_ =	shalt  }
0x4c: {  	_ =	shalt  }
0x4d: {  	_ =	shalt  }
0x4e: {  	_ =	shalt  }
0x4f: {  	_ =	shalt  }
0x50: {  	_ =	shalt  }
0x51: {  	_ =	shalt  }
0x52: {  	_ =	shalt  }
0x53: {  	_ =	shalt  }
0x54: {  	_ =	shalt  }
0x55: {  	_ =	shalt  }
0x56: {  	_ =	shalt  }
0x57: {  	_ =	shalt  }
0x58: {  	_ =	shalt  }
0x59: {  	_ =	shalt  }
0x5a: {  	_ =	shalt  }
0x5b: {  	_ =	shalt  }
0x5c: {  	_ =	shalt  }
0x5d: {  	_ =	shalt  }
0x5e: {  	_ =	shalt  }
0x5f: {  	_ =	shalt  }
0x60: {  	_ =	shalt  }
0x61: {  	_ =	shalt  }
0x62: {  	_ =	shalt  }
0x63: {  	_ =	shalt  }
0x64: {  	_ =	shalt  }
0x65: {  	_ =	shalt  }
0x66: {  	_ =	shalt  }
0x67: {  	_ =	shalt  }
0x68: {  	_ =	shalt  }
0x69: {  	_ =	shalt  }
0x6a: {  	_ =	shalt  }
0x6b: {  	_ =	shalt  }
0x6c: {  	_ =	shalt  }
0x6d: {  	_ =	shalt  }
0x6e: {  	_ =	shalt  }
0x6f: {  	_ =	shalt  }
0x70: {  	_ =	shalt  }
0x71: {  	_ =	shalt  }
0x72: {  	_ =	shalt  }
0x73: {  	_ =	shalt  }
0x74: {  	_ =	shalt  }
0x75: {  	_ =	shalt  }
0x76: {  	_ =	shalt  }
0x77: {  	_ =	shalt  }
0x78: {  	_ =	shalt  }
0x79: {  	_ =	shalt  }
0x7a: {  	_ =	shalt  }
0x7b: {  	_ =	shalt  }
0x7c: {  	_ =	shalt  }
0x7d: {  	_ =	shalt  }
0x7e: {  	_ =	shalt  }
0x7f: {  	_ =	shalt  }
0x80: {  	_ =	shalt  }
0x81: {  	_ =	shalt  }
0x82: {  	_ =	shalt  }
0x83: {  	_ =	shalt  }
0x84: {  	_ =	shalt  }
0x85: {  	_ =	shalt  }
0x86: {  	_ =	shalt  }
0x87: {  	_ =	shalt  }
.Lfunc_end0:
.L_simem_size_0:
called_computation_lowered:
.L_overlay_start_0:
0x88: {  	s2 =	sld [smem:$0x3FD9]  }
0x89: {  	s3 =	sld [smem:$0x3FFE];
	_ =	sdelay $0x1  }
0x8a: {  	s1 =	srdreg.scid  }
0x8b: {  	s0 =	sand.u32 $0x1, s1  }
0x8c: {  	s16 =	sshll.u32 s0, $0xA;
	s2 =	sadd.s32 s3, s2  }
0x8d: {  	s2 =	sadd.s32 s2, s16  }
0x8e: {  	[smem:$0x3FC1] =	sst s2  }
0x8f: {  	_ = 	snop  }
0x90: {  	(tm) =	ssettm $0x1  }
0x91: {  	s17 =	sld [smem:$0x3FFB];
	_ =	sdelay $0x3  }
0x92: {  	_ =	strace s17  }
0x93: {  	s2 =	sld [smem:$0x3FFC];
	_ =	sdelay $0x3  }
0x94: {  	_ =	strace s2  }
0x95: {  	s2 =	sld [smem:$0x3FFD];
	_ =	sdelay $0x3  }
0x96: {  	_ =	strace s2  }
0x97: {  	_ =	strace $0x8FFFFFFF  }
0x98: {  	s18 =	sld [smem:$0x3FDB];
	_ =	sdelay $0x1  }
0x99: {  	s19 =	simm.s32 $_scs_section_size  }
0x9a: {  	s4 =	simm.s32 $_size__tile_overlayer_lowered;
	s5 =	simm.s32 $_tile_overlayer_lowered  }
0x9b: {  	s22 =	simm.s32 $0x1BFF;
	s21 =	sshll.u32 s5, $0x1;
	s2 =	sadd.s32 s19, s18  }
0x9c: {  	s6 =	simm.s32 $0x0;
	s20 =	sshll.u32 s4, $0x1;
	s4 =	sadd.s32 s21, s2  }
0x9d: {  	[timem:s6], [sflag:s22] =	dma.local [hbm:s4], s20  }
0x9e: {  	_ =	swait.ge [sflag:s22], s20  }
0x9f: {  	s3 =	ssub.s32 $0x0, s20;
	[sflag:s22] =	ssyncset.done $0x0  }
0xa0: {  	[sflag:s22] =	ssyncadd.s32 s3;
	_ =	sdelay $0x1  }
0xa1: {  	s23 =	simm.s32 $0x1B8B  }
0xa2: {  	_ =	swait.ge [sflag:s23], $0x1  }
0xa3: {  	[sflag:s23] =	ssyncset.done $0x0  }
0xa4: {  	s25 =	simm.s32 $0x1B8E;
	s24 =	sld [smem:$0x3FFE];
	[sflag:s23] =	ssyncadd.s32 $0xFFFFFFFF  }
0xa5: {  	s26 =	simm.s32 $execute0_lowered;
	[smem:$0x3FD2] =	sst s25  }
0xa6: {  	s4 =	sshll.u32 s26, $0x1;
	_ =	strace $0x8000004C;
	[dreg:$0x1] =	wrdreg $0xFFFFFFFF  }
0xa7: {  	s28 =	simm.s32 $_size_execute0_lowered;
	s2 =	sadd.s32 s2, s4;
	[dreg:$0x0] =	wrdreg $0x0  }
0xa8: {  	s4 =	sshll.u32 s28, $0x1;
	[dreg:$0x2] =	wrdreg s2  }
0xa9: {  	[dreg:$0x3] =	wrdreg s4  }
0xaa: {  	[dreg:$0x4] =	wrdreg $0xC0  }
0xab: {  	_ =	task [dreg:s6], $0x5FFFF  }
0xac: {  	[dreg:$0x1] =	wrdreg $0xFFFFFFFF  }
0xad: {  	[dreg:$0x0] =	wrdreg $0x60  }
0xae: {  	[dreg:$0x2] =	wrdreg s24  }
0xaf: {  	[dreg:$0x3] =	wrdreg $0x9  }
0xb0: {  	_ =	task.clear_ibuf [dreg:s6], $0x4FFFF;
	_ =	strace $0x9000004C  }
0xb1: {  	s29 =	simm.s32 $0x9;
	_ =	strace $0x8000004E  }
0xb2: {  	_ =	swait.ge [sflag:s29], $0x1  }
0xb3: {  	[sflag:s29] =	ssyncadd.s32 $0xFFFFFFFF  }
0xb4: {  	_ =	strace $0x9000004E  }
0xb5: {  	_ =	sfence  }
0xb6: {  	s30 =	sld [smem:$0x0];
	_ =	sdelay $0x2  }
0xb7: {  	s31 =	sshll.u32 s1, $0xD;
	s1 =	sshrl.u32 s1, $0x2  }
0xb8: {  	s3 =	sand.u32 $0x4000, s31;
	s1 =	sadd.s32 s1, s30  }
0xb9: {  	s0 =	sor.u32 s3, s0;
	s1 =	sshll.u32 s1, $0x11  }
0xba: {  	s0 =	sor.u32 s1, s0  }
0xbb: {  	s0 =	sadd.s32 $0x8F2B, s0  }
0xbc: {  	[sflag:s0] =	ssyncadd.remote.s32 $0x1  }
0xbd: {  	_ =	sfence.sel $0xFFFF  }
0xbe: {  	[dreg:$0x0] =	wrdreg $0xFFFFFFFF;
	(pc) =	sbr.abs _section_cstart, $3  }
0xbf: {  	[dreg:$0x1] =	wrdreg $0xFFFFFFFF  }
0xc0: {  	_ =	task.clear_ibuf [dreg:s6], $0x2FFFF;
	_ =	strace $0x9FFFFFFF  }
0xc1: {  	(tm) =	ssettm $0x7FFFFFFF  }
tec
execute0_lowered:
.L_overlay_start_1:
0x0: {  	(tag) =	ssettag $0x1  }
0x1: {  	s8 =	rddreg [dreg:$0x0]  }
0x2: {  	s0 =	rddreg [dreg:$0x1];
	_ =	strace $0x8000004D;
	s1 =	stileid.u32  }
0x3: {  	s3 =	srdreg.scid;
	s4 =	simm.s32 $0x1;
	s7 =	simm.s32 $0x1  }
0x4: {  	s9 =	simm.s32 $0x1;
	s10 =	simm.s32 $0x3;
	s13 =	simm.s32 $0x0  }
0x5: {  	s12 =	simm.s32 $0x0;
	s5 =	sand.u32 $0x1, s3;
	s6 =	sshll.u32 s1, $0x1  }
0x6: {  	s2 =	sadd.s32 $0x10C00, s8;
	s3 =	sadd.s32 $0x1AA00, s8;
	s5 =	sor.u32 s6, s5  }
.Ltmp0:
0x7: {  	[sflag:s4] =	ssyncpa.u1 $0x0;
	p0 =	slt.u32 s5, $0x9;
	(pc) =	sbr.rel .LBB2_1-.Ltmp0, $4  }
0x8: {  	s6 =	simm.s32 $0x2;
	s7 =	simm.s32 @!p0 $0x0;
	p0 =	sne.s32 s5, $0x8  }
0x9: {  	[sflag:s6] =	ssyncpa.u1 $0x0;
	s5 =	smul.u32 $0x1F40, s5;
	s9 =	simm.s32 @!p0 $0x0  }
0xa: {  	s8 =	sadd.s32 $0x87400, s8;
	[sflag:s10] =	ssyncpa.u1 $0x0;
	s7 =	sadd.s32 s9, s7  }
0xb: {  	vm0 =	vmmov $0xffff;
	s10 =	simm.s32 $0x0;
	s11 =	smov.u32 s5;
	s9 =	sadd.s32 $0x1, s7  }
.LBB2_4:
0xc: {  	v2 =	vnsel vm1, $0x0, v2  }
0xd: {  	vm1 =	vgt.s32 v0, $0x0;
	v2 =	vmin.u32 v2, $0x4E1FF  }
0xe: {  	v0 =	vnsel vm1, $0x0, v0  }
0xf: {  	v0 =	vmin.u32 v0, $0x4E1FF  }
0x10: {  	[tilespmem:s18], [sflag:$0x1] =	stream.indirect_vreg.gather [hbm4b:s2+s10], $0x1, v1, vm0, $0x4038;
	[tilespmem:$0x7D00] =	vst v63  }
0x11: {  	(ifvalue) =	ssetifvalue $0x7FFFFFFF  }
0x12: {  	[tilespmem:s15], [sflag:$0x1] =	stream.indirect_vreg.gather [hbm4b:s2+s10], $0x1, v2, vm0, $0x4038;
	[tilespmem:$0x7D00] =	vst v63  }
0x13: {  	s29 =	sadd.s32 $0x10, s15;
	(ifvalue) =	ssetifvalue $0x7FFFFFFF  }
0x14: {  	[tilespmem:s29], [sflag:$0x1] =	stream.indirect_vreg.gather [hbm4b:s2+s10], $0x1, v0, vm0, $0x4038;
	[tilespmem:$0x7D00] =	vst v63  }
0x15: {  	_ =	swait.ge [sflag:s4], $0x1F40  }
0x16: {  	s30 =	sshrl.u32 s13, $0x3;
	[sflag:s4] =	ssyncset.done $0x0  }
0x17: {  	s31 =	sand.u32 $0x7, s13;
	s15 =	sadd.s32 s8, s30;
	[sflag:s4] =	ssyncadd.s32 $0xFFFFE0C0  }
0x18: {  	[hbm4b:s15+s31] =	stream.linear.scatter [tilespmem:s14], [sflag:$0x3], $0x1F40, $0x38;
	[tilespmem:$0x7D00] =	vst v63  }
.LBB2_5:
0x19: {  	s15 =	sadd.s32 $0x3E800, s11  }
0x1a: {  	p1 =	sgt.s32 s15, $0x4E1FF  }
0x1b: {  	s15 =	smov.u32 @p1 s5;
	p1 =	sne.s32 s12, s9  }
.Ltmp1:
0x1c: {  	p0 =	slt.u32 s12, $0x2;
	(pc) =	sbr.rel @!p1 .LBB2_6-.Ltmp1, $4  }
0x1d: {  	s14 =	simm.s32 @!p0 $0x3  }
0x1e: {  	_ =	swait.ge @!p0 [sflag:s14], $0x1F40  }
0x1f: {  	s16 =	sadd.s32 $0x1, s12;
	s13 =	smov.u32 s11;
	[sflag:s14] =	ssyncset.done @!p0 $0x0  }
0x20: {  	s12 =	smov.u32 s16;
	s11 =	smov.u32 s15;
	[sflag:s14] =	ssyncadd.s32 @!p0 $0xFFFFE0C0  }
.LBB2_1:
0x21: {  	p0 =	sge.u32 s12, s7  }
0x22: {  	s14 =	sxor.u32 @!p0 $0x1, s12  }
0x23: {  	s14 =	smul.u32 @!p0 $0x7D00, s14  }
0x24: {  	s31 =	sadd.s32 $0xFFFFFFFF, s12;
	s15 =	sshrl.u32 @!p0 s11, $0x3  }
0x25: {  	s16 =	sand.u32 @!p0 $0x7, s11;
	s15 =	sadd.s32 @!p0 s3, s15;
	s14 =	sshra.s32 @!p0 s14, $0x2  }
0x26: {  	[tilespmem:s14], [sflag:$0x2] =	stream.linear.gather @!p0 [hbm4b:s15+s16], $0x1F40, $0x38;
	[tilespmem:$0x7D00] =	vst v63  }
0x27: {  	p0 =	sge.u32 s31, s7  }
.Ltmp2:
0x28: {  	_ = 	snop;
	(pc) =	sbr.rel @p0 .LBB2_5-.Ltmp2, $1  }
0x29: {  	_ =	sdelay $0x3  }
0x2a: {  	s14 =	sand.u32 $0x1, s12  }
0x2b: {  	_ =	swait.ge [sflag:s6], $0x1F40;
	p0 =	seq.s32 s14, $0x1;
	s14 =	simm.s32 $0x1F40  }
0x2c: {  	[sflag:s6] =	ssyncset.done $0x0;
	s14 =	simm.s32 @!p0 $0x0  }
0x2d: {  	[sflag:s6] =	ssyncadd.s32 $0xFFFFE0C0;
	(ifvalue) =	ssetifvalue $0x7FFFFFFF;
	v0 =	vld.msk [tilespmem:s14+$0x0 ss:$0x1], $0xffff;
	_ =	sdelay $0x4  }
0x2e: {  	s15 =	sadd.s32 $0x10, s14;
	vm1 =	vgt.s32 v0, $0x0  }
0x2f: {  	v2 =	vld.msk [tilespmem:s15+$0x0 ss:$0x1], $0xffff;
	v1 =	vnsel vm1, $0x0, v0  }
0x30: {  	v1 =	vmin.u32 v1, $0x4E1FF;
	_ =	sdelay $0x2  }
0x31: {  	s17 =	simm.s32 $0x20;
	s14 =	sadd.s32 $0x3E80, s14;
	s16 =	sadd.s32 $0x10, s15  }
0x32: {  	s15 =	sadd.s32 $0x10, s14;
	s18 =	smov.u32 s14;
	v0 =	vld.msk [tilespmem:s16+$0x0 ss:$0x1], $0xffff;
	vm1 =	vgt.s32 v2, $0x0;
	(ifvalue) =	ssetifvalue $0x7FFFFFFF  }
.LBB2_3:
0x33: {  	[tilespmem:s18], [sflag:$0x1] =	stream.indirect_vreg.gather [hbm4b:s2+s10], $0x1, v1, vm0, $0x4038;
	[tilespmem:$0x7D00] =	vst v63  }
0x34: {  	s17 =	sadd.s32 $0x10, s17  }
0x35: {  	v2 =	vnsel vm1, $0x0, v2;
	p0 =	slt.u32 s17, $0x1F30  }
.Ltmp3:
0x36: {  	s18 =	smov.u32 s15;
	v1 =	vmin.u32 v2, $0x4E1FF;
	(pc) =	sbr.rel @p0 .LBB2_3-.Ltmp3, $3  }
0x37: {  	_ =	sdelay $0x1  }
0x38: {  	s16 =	sadd.s32 $0x10, s16  }
0x39: {  	vm1 =	vgt.s32 v0, $0x0;
	s15 =	sadd.s32 $0x10, s15;
	v2 =	vmov v0;
	(ifvalue) =	ssetifvalue $0x7FFFFFFF;
	v0 =	vld.msk [tilespmem:s16+$0x0 ss:$0x1], $0xffff  }
.Ltmp4:
0x3a: {  	_ = 	snop;
	(pc) =	sbr.rel .LBB2_4-.Ltmp4, $1  }
0x3b: {  	_ =	sdelay $0x3  }
.LBB2_6:
0x3c: {  	_ =	sfence.sel $0x180000  }
0x3d: {  	s2 =	simm.s32 $0x2;
	[bflag:$0x0] =	sbarrier.arrive $0xFFFF  }
0x3e: {  	s30 =	simm.s32 $0x3;
	[sflag:s2] =	ssyncpa.u1 $0x1  }
0x3f: {  	s31 =	simm.s32 $0x1;
	[sflag:s30] =	ssyncpa.u1 $0x1  }
0x40: {  	[sflag:s31] =	ssyncpa.u1 $0x1  }
0x41: {  	p0 =	sne.s32 s1, $0x0;
	_ =	strace $0x9000004D  }
0x42: {  	s0 =	sadd.s32 @!p0 $0x100000, s0;
	[bflag:$0x2] =	sbarrier.arrive $0xFFFF  }
0x43: {  	[sflag:s0] =	ssyncadd.tile.s32 @!p0 $0x1;
	_ =	shalt  }
.Lfunc_end2:
_tile_overlayer_lowered:
.L_overlay_start_2:
0x44: {  	(tag) =	ssettag $0x2  }
0x45: {  	s0 =	rddreg [dreg:$0x0];
	s2 =	stileid.u32  }
0x46: {  	s1 =	rddreg [dreg:$0x1];
	p0 =	sne.s32 s2, $0x0  }
0x47: {  	s3 =	rddreg [dreg:$0x2];
	[bflag:$0x3] =	sbarrier.arrive $0xFFFF;
	s2 =	simm.s32 @!p0 $0x1C01  }
0x48: {  	[timem:s3], [sflag:s2] =	dma.local @!p0 [hbm:s0], s1  }
0x49: {  	s0 =	simm.s32 @!p0 $0x1  }
0x4a: {  	_ =	swait.ge @!p0 [sflag:s0], s1  }
0x4b: {  	s1 =	ssub.s32 @!p0 $0x0, s1;
	[sflag:s0] =	ssyncset.done @!p0 $0x0  }
0x4c: {  	[sflag:s0] =	ssyncadd.s32 @!p0 s1  }
0x4d: {  	[bflag:$0x3] =	sbarrier.arrive $0xFFFF  }
0x4e: {  	_ =	shalt  }

// kernel: kernel.11.cloned.1.call-start
scs
__scs_entry_jumppad:
0x0: {  	(pc) =	sbr.rel $0x88, $3  }
0x1: {  	(tag) =	ssettag $0x0;
	lr =	simm.s32 $0x1  }
0x2: {  	[smem:$0x3F9A] =	sst lr;
	_ =	strace $0xD0000000  }
0x3: {  	_ = 	snop  }
0x4: {  	_ = 	snop  }
0x5: {  	_ = 	snop  }
0x6: {  	_ = 	snop  }
0x7: {  	_ = 	snop  }
__scs_overlays_trampoline_lowered:
0x8: {  	[smem:$0x3FA9] =	sst s0  }
0x9: {  	[smem:$0x3FAA] =	sst s1  }
0xa: {  	[smem:$0x3FAB] =	sst s2  }
0xb: {  	[smem:$0x3FAC] =	sst s3  }
0xc: {  	[smem:$0x3FAD] =	sst s4  }
0xd: {  	[smem:$0x3FAE] =	sst s5  }
0xe: {  	[smem:$0x3FAF] =	sst s6  }
0xf: {  	[smem:$0x3FB0] =	sst s7  }
0x10: {  	[smem:$0x3FB1] =	sst s8  }
0x11: {  	[smem:$0x3FB2] =	sst s9;
	s0 =	simm.s32 @!p0 $0x0  }
0x12: {  	s1 =	sld [smem:$0x3F98];
	s0 =	simm.s32 @p0 $0x1  }
0x13: {  	[smem:$0x3FB3] =	sst s0;
	s0 =	simm.s32 @!p1 $0x0  }
0x14: {  	s2 =	sld [smem:$0x3F97];
	s0 =	simm.s32 @p1 $0x1  }
0x15: {  	[smem:$0x3FB4] =	sst s0;
	s0 =	simm.s32 @!p2 $0x0  }
0x16: {  	s3 =	sld [smem:$0x3FDB];
	s0 =	simm.s32 @p2 $0x1  }
0x17: {  	s4 =	simm.s32 $0x1BF5;
	[smem:$0x3FB6] =	sst s0  }
0x18: {  	s0 =	sld [smem:$0x3F99];
	_ =	swait.ge [sflag:s4], $0x0  }
0x19: {  	s7 =	sld [smem:$0x3F9A]  }
0x1a: {  	s8 =	sadd.s32 $0xFFFFE003, lr  }
0x1b: {  	s9 =	sadd.s32 $0xFFFFFEF7, lr;
	s5 =	simm.s32 $0xFFFFFFFF;
	p2 =	slt.u32 s8, $0xFFFFF086  }
0x1c: {  	p1 =	slt.u32 s9, $0xF7A;
	s5 =	simm.s32 @!p2 $0x0  }
0x1d: {  	s5 =	simm.s32 @p1 $0x1;
	p0 =	seq.s32 s7, s2  }
0x1e: {  	s7 =	smul.u32 @!p0 $0xF7A, s2;
	p2 =	seq.s32 @!p0 s5, $0x0  }
0x1f: {  	s9 =	smul.u32 $0xF7A, s1;
	s8 =	simm.s32 @!p0 $0x1BF5;
	p2 =	por !p2, p0  }
0x20: {  	[sflag:s8] =	ssyncset.s32 @!p0 $0xFFFFF086;
	s6 =	sadd.s32 @!p0 s3, s7;
	s7 =	simm.s32 @!p0 $0x108  }
0x21: {  	s3 =	sadd.s32 s3, s9;
	s6 =	sadd.s32 @!p0 $0x88, s6;
	s7 =	simm.s32 @p2 $0x1082  }
0x22: {  	[simem:s7], [sflag:s8] =	dma.local @!p0 [hbm:s6], $0xF7A  }
0x23: {  	s9 =	sor.u32 $0xD0000000, s2;
	s6 =	simm.s32 $0x108;
	_ =	swait.ge @!p0 [sflag:s8], $0x0  }
0x24: {  	s3 =	sadd.s32 $0x88, s3;
	s6 =	simm.s32 @!p1 $0x1082;
	[sflag:s4] =	ssyncset.s32 $0xFFFFF086  }
0x25: {  	[simem:s6], [sflag:s4] =	dma.local [hbm:s3], $0xF7A  }
0x26: {  	[smem:$0x3F9A] =	sst s1;
	(tag) =	ssettag s2;
	_ =	strace s9  }
0x27: {  	s1 =	sld [smem:$0x3FAA]  }
0x28: {  	s2 =	sld [smem:$0x3FAB]  }
0x29: {  	s4 =	sld [smem:$0x3FAD]  }
0x2a: {  	p0 =	seq.s32 s5, $0x0;
	s5 =	sld [smem:$0x3FAE]  }
0x2b: {  	s6 =	sld [smem:$0x3FAF]  }
0x2c: {  	s7 =	sld [smem:$0x3FB0]  }
0x2d: {  	s3 =	simm.s32 $0x108;
	s8 =	sld [smem:$0x3FB1]  }
0x2e: {  	s3 =	simm.s32 @!p0 $0x1082;
	s9 =	sld [smem:$0x3FB2]  }
0x2f: {  	lr =	sadd.s32 s0, s3;
	s0 =	sld [smem:$0x3FA9]  }
0x30: {  	s3 =	sld [smem:$0x3FAC]  }
0x31: {  	[smem:$0x3FB5] =	sst s10  }
0x32: {  	s10 =	sld [smem:$0x3FB3];
	_ =	sdelay $0x3  }
0x33: {  	p0 =	seq.s32 s10, $0x1;
	s10 =	sld [smem:$0x3FB5];
	_ =	sdelay $0x3  }
0x34: {  	[smem:$0x3FB5] =	sst s10  }
0x35: {  	s10 =	sld [smem:$0x3FB4];
	_ =	sdelay $0x3  }
0x36: {  	p1 =	seq.s32 s10, $0x1;
	s10 =	sld [smem:$0x3FB5];
	_ =	sdelay $0x3  }
0x37: {  	[smem:$0x3FB5] =	sst s10  }
0x38: {  	s10 =	sld [smem:$0x3FB6]  }
0x39: {  	_ = 	snop;
	(pc) =	sbr.ind lr, $3  }
0x3a: {  	_ = 	snop  }
0x3b: {  	_ = 	snop  }
0x3c: {  	p2 =	seq.s32 s10, $0x1;
	s10 =	sld [smem:$0x3FB5]  }
0x3d: {  	_ =	shalt  }
0x3e: {  	_ =	shalt  }
0x3f: {  	_ =	shalt  }
0x40: {  	_ =	shalt  }
0x41: {  	_ =	shalt  }
0x42: {  	_ =	shalt  }
0x43: {  	_ =	shalt  }
0x44: {  	_ =	shalt  }
0x45: {  	_ =	shalt  }
0x46: {  	_ =	shalt  }
0x47: {  	_ =	shalt  }
0x48: {  	_ =	shalt  }
0x49: {  	_ =	shalt  }
0x4a: {  	_ =	shalt  }
0x4b: {  	_ =	shalt  }
0x4c: {  	_ =	shalt  }
0x4d: {  	_ =	shalt  }
0x4e: {  	_ =	shalt  }
0x4f: {  	_ =	shalt  }
0x50: {  	_ =	shalt  }
0x51: {  	_ =	shalt  }
0x52: {  	_ =	shalt  }
0x53: {  	_ =	shalt  }
0x54: {  	_ =	shalt  }
0x55: {  	_ =	shalt  }
0x56: {  	_ =	shalt  }
0x57: {  	_ =	shalt  }
0x58: {  	_ =	shalt  }
0x59: {  	_ =	shalt  }
0x5a: {  	_ =	shalt  }
0x5b: {  	_ =	shalt  }
0x5c: {  	_ =	shalt  }
0x5d: {  	_ =	shalt  }
0x5e: {  	_ =	shalt  }
0x5f: {  	_ =	shalt  }
0x60: {  	_ =	shalt  }
0x61: {  	_ =	shalt  }
0x62: {  	_ =	shalt  }
0x63: {  	_ =	shalt  }
0x64: {  	_ =	shalt  }
0x65: {  	_ =	shalt  }
0x66: {  	_ =	shalt  }
0x67: {  	_ =	shalt  }
0x68: {  	_ =	shalt  }
0x69: {  	_ =	shalt  }
0x6a: {  	_ =	shalt  }
0x6b: {  	_ =	shalt  }
0x6c: {  	_ =	shalt  }
0x6d: {  	_ =	shalt  }
0x6e: {  	_ =	shalt  }
0x6f: {  	_ =	shalt  }
0x70: {  	_ =	shalt  }
0x71: {  	_ =	shalt  }
0x72: {  	_ =	shalt  }
0x73: {  	_ =	shalt  }
0x74: {  	_ =	shalt  }
0x75: {  	_ =	shalt  }
0x76: {  	_ =	shalt  }
0x77: {  	_ =	shalt  }
0x78: {  	_ =	shalt  }
0x79: {  	_ =	shalt  }
0x7a: {  	_ =	shalt  }
0x7b: {  	_ =	shalt  }
0x7c: {  	_ =	shalt  }
0x7d: {  	_ =	shalt  }
0x7e: {  	_ =	shalt  }
0x7f: {  	_ =	shalt  }
0x80: {  	_ =	shalt  }
0x81: {  	_ =	shalt  }
0x82: {  	_ =	shalt  }
0x83: {  	_ =	shalt  }
0x84: {  	_ =	shalt  }
0x85: {  	_ =	shalt  }
0x86: {  	_ =	shalt  }
0x87: {  	_ =	shalt  }
.Lfunc_end0:
.L_simem_size_0:
called_computation.3_lowered:
.L_overlay_start_0:
0x88: {  	s2 =	sld [smem:$0x3FD9]  }
0x89: {  	s3 =	sld [smem:$0x3FFE];
	_ =	sdelay $0x1  }
0x8a: {  	s1 =	srdreg.scid  }
0x8b: {  	s0 =	sand.u32 $0x1, s1  }
0x8c: {  	s17 =	sshll.u32 s0, $0xA;
	s2 =	sadd.s32 s3, s2  }
0x8d: {  	s2 =	sadd.s32 s2, s17  }
0x8e: {  	[smem:$0x3FC1] =	sst s2  }
0x8f: {  	_ = 	snop  }
0x90: {  	(tm) =	ssettm $0x1  }
0x91: {  	s18 =	sld [smem:$0x3FFB];
	_ =	sdelay $0x3  }
0x92: {  	_ =	strace s18  }
0x93: {  	s2 =	sld [smem:$0x3FFC];
	_ =	sdelay $0x3  }
0x94: {  	_ =	strace s2  }
0x95: {  	s2 =	sld [smem:$0x3FFD];
	_ =	sdelay $0x3  }
0x96: {  	_ =	strace s2  }
0x97: {  	_ =	strace $0x8FFFFFFF  }
0x98: {  	s19 =	sld [smem:$0x3FDB];
	_ =	sdelay $0x1  }
0x99: {  	s20 =	simm.s32 $_scs_section_size  }
0x9a: {  	s4 =	simm.s32 $_size__tile_overlayer_lowered;
	s5 =	simm.s32 $_tile_overlayer_lowered  }
0x9b: {  	s6 =	simm.s32 $0x1BFF;
	s21 =	sshll.u32 s5, $0x1;
	s3 =	sadd.s32 s20, s19  }
0x9c: {  	s22 =	simm.s32 $0x0;
	s4 =	sshll.u32 s4, $0x1;
	s5 =	sadd.s32 s21, s3  }
0x9d: {  	[timem:s22], [sflag:s6] =	dma.local [hbm:s5], s4  }
0x9e: {  	_ =	swait.ge [sflag:s6], s4  }
0x9f: {  	s4 =	ssub.s32 $0x0, s4;
	[sflag:s6] =	ssyncset.done $0x0  }
0xa0: {  	[sflag:s6] =	ssyncadd.s32 s4;
	_ =	sdelay $0x1  }
0xa1: {  	s23 =	simm.s32 $0x1B8B  }
0xa2: {  	_ =	swait.ge [sflag:s23], $0x1  }
0xa3: {  	[sflag:s23] =	ssyncset.done $0x0  }
0xa4: {  	[sflag:s23] =	ssyncadd.s32 $0xFFFFFFFF  }
0xa5: {  	s4 =	sld [smem:$0x0]  }
0xa6: {  	s5 =	sand.u32 $0xFFFFFFFE, s1  }
0xa7: {  	p0 =	sne.s32 s1, s5  }
0xa8: {  	s5 =	sshll.u32 @p0 s5, $0xE  }
0xa9: {  	s5 =	sadd.s32 @p0 $0x11B8D, s5;
	s6 =	sshll.u32 @p0 s4, $0x11  }
0xaa: {  	s5 =	sor.u32 @p0 s6, s5  }
0xab: {  	[sflag:s5] =	ssyncadd.remote.s32 @p0 $0x1;
	_ =	sdelay $0x1  }
0xac: {  	s5 =	simm.s32 @p0 $0x1B8D  }
0xad: {  	_ =	swait.eq @p0 [sflag:s5], $0x1  }
0xae: {  	[sflag:s5] =	ssyncadd.s32 @p0 $0xFFFFFFFF  }
0xaf: {  	s6 =	sshll.u32 @!p0 s1, $0xE  }
0xb0: {  	s6 =	sor.u32 @!p0 $0x4000, s6;
	s5 =	simm.s32 @!p0 $0x1B8D  }
0xb1: {  	s4 =	sshll.u32 @!p0 s4, $0x11;
	s6 =	sadd.s32 @!p0 $0x11B8D, s6;
	_ =	swait.eq @!p0 [sflag:s5], $0x1  }
0xb2: {  	s4 =	sor.u32 @!p0 s4, s6;
	[sflag:s5] =	ssyncadd.s32 @!p0 $0xFFFFFFFF  }
0xb3: {  	s25 =	simm.s32 $0x1B8E;
	s24 =	sld [smem:$0x3FFE];
	[sflag:s4] =	ssyncadd.remote.s32 @!p0 $0x1  }
0xb4: {  	s26 =	simm.s32 $execute0_lowered;
	[smem:$0x3FD2] =	sst s25  }
0xb5: {  	s5 =	sshll.u32 s26, $0x1;
	_ =	strace $0x80000052;
	[dreg:$0x1] =	wrdreg $0xFFFFFFFF  }
0xb6: {  	s28 =	simm.s32 $_size_execute0_lowered;
	s3 =	sadd.s32 s3, s5;
	[dreg:$0x0] =	wrdreg $0x0  }
0xb7: {  	s5 =	sshll.u32 s28, $0x1;
	[dreg:$0x2] =	wrdreg s3  }
0xb8: {  	[dreg:$0x3] =	wrdreg s5  }
0xb9: {  	[dreg:$0x4] =	wrdreg $0xC0  }
0xba: {  	_ =	task [dreg:s22], $0x5FFFF  }
0xbb: {  	[dreg:$0x1] =	wrdreg $0xFFFFFFFF  }
0xbc: {  	[dreg:$0x0] =	wrdreg $0x60  }
0xbd: {  	[dreg:$0x2] =	wrdreg s24  }
0xbe: {  	[dreg:$0x3] =	wrdreg $0x9000  }
0xbf: {  	[dreg:$0x4] =	wrdreg $0x9  }
0xc0: {  	_ =	task.clear_ibuf [dreg:s22], $0x5FFFF;
	_ =	strace $0x90000052  }
0xc1: {  	s29 =	simm.s32 $0x9;
	_ =	strace $0x80000054  }
0xc2: {  	_ =	swait.ge [sflag:s29], $0x1  }
0xc3: {  	[sflag:s29] =	ssyncadd.s32 $0xFFFFFFFF  }
0xc4: {  	_ =	strace $0x90000054  }
0xc5: {  	_ =	sfence  }
0xc6: {  	s30 =	sld [smem:$0x0];
	_ =	sdelay $0x2  }
0xc7: {  	s31 =	sshll.u32 s1, $0xD;
	s1 =	sshrl.u32 s1, $0x2  }
0xc8: {  	s4 =	sand.u32 $0x4000, s31;
	s1 =	sadd.s32 s1, s30  }
0xc9: {  	s0 =	sor.u32 s4, s0;
	s1 =	sshll.u32 s1, $0x11  }
0xca: {  	s0 =	sor.u32 s1, s0  }
0xcb: {  	s0 =	sadd.s32 $0x8F2B, s0  }
0xcc: {  	[sflag:s0] =	ssyncadd.remote.s32 $0x1  }
0xcd: {  	_ =	sfence.sel $0xFFFF  }
0xce: {  	[dreg:$0x0] =	wrdreg $0xFFFFFFFF;
	(pc) =	sbr.abs _section_cstart, $3  }
0xcf: {  	[dreg:$0x1] =	wrdreg $0xFFFFFFFF  }
0xd0: {  	_ =	task.clear_ibuf [dreg:s22], $0x2FFFF;
	_ =	strace $0x9FFFFFFF  }
0xd1: {  	(tm) =	ssettm $0x7FFFFFFF  }
tec
execute0_lowered:
.L_overlay_start_1:
0x0: {  	(tag) =	ssettag $0x1  }
0x1: {  	s1 =	srdreg.scid  }
0x2: {  	s1 =	sand.u32 $0x1, s1  }
0x3: {  	p0 =	seq.s32 s1, $0x1  }
.Ltmp0:
0x4: {  	_ = 	snop;
	(pc) =	sbr.rel @p0 .LBB2_4-.Ltmp0, $4  }
0x5: {  	s8 =	rddreg [dreg:$0x0]  }
0x6: {  	s2 =	rddreg [dreg:$0x1];
	s3 =	simm.s32 $0x0  }
0x7: {  	[smem:$0x7FF] =	sst s3  }
0x8: {  	s0 =	rddreg [dreg:$0x2];
	_ =	strace $0x80000053;
	s1 =	stileid.u32  }
0x9: {  	s10 =	smul.u32 $0x7680, s1;
	_ =	sdelay $0x1  }
0xa: {  	s4 =	sshll.u32 s1, $0x6;
	s5 =	sadd.s32 s10, s2  }
0xb: {  	s6 =	sadd.s32 $0x1E600, s8;
	s4 =	sor.u32 $0x1C01, s4;
	s5 =	sshrl.u32 s5, $0x3  }
0xc: {  	[spmem:s5], [sflag:s4] =	dma.local [hbm:s6], $0xED0  }
0xd: {  	s6 =	simm.s32 $0x1  }
0xe: {  	_ =	swait.ge [sflag:s6], $0xED0  }
0xf: {  	[sflag:s6] =	ssyncset.done $0x0  }
0x10: {  	s9 =	sadd.s32 $0x1F600, s8;
	s7 =	simm.s32 $0x100;
	[sflag:s6] =	ssyncadd.s32 $0xFFFFF130  }
0x11: {  	[tilespmem:s7], [sflag:$0x1] =	stream.linear.gather [hbm4b:s9+s3], $0x800, $0x38;
	[tilespmem:$0x7F80] =	vst v63  }
0x12: {  	s30 =	smul.u32 $0x13C0, s1;
	_ =	swait.ge [sflag:s6], $0x800  }
0x13: {  	s11 =	sadd.s32 $0x6E00, s8;
	[sflag:s6] =	ssyncset.done $0x0  }
0x14: {  	s9 =	sadd.s32 s30, s11;
	[sflag:s6] =	ssyncadd.s32 $0xFFFFF800  }
0x15: {  	s11 =	sadd.s32 $0x0, s9;
	[bflag:$0x0] =	sbarrier.arrive $0xFFFF  }
0x16: {  	[tilespmem:s3], [sflag:$0x1] =	stream.linear.gather [hbm4b:s11+s3], $0x100, $0x38;
	[tilespmem:$0x7F80] =	vst v63  }
0x17: {  	_ =	swait.ge [sflag:s6], $0x100  }
0x18: {  	s10 =	sshrl.u32 s10, $0x3;
	[sflag:s6] =	ssyncset.done $0x0  }
0x19: {  	s31 =	sadd.s32 s10, s8;
	s10 =	simm.s32 $0x80;
	[sflag:s6] =	ssyncadd.s32 $0xFFFFFF00  }
0x1a: {  	[spmem:s2] =	stream.indirect.scatter.add.f32 [tilespmem:s7], [sflag:$0x1], $0x10, s10, s10, $0xb8;
	[tilespmem:$0x7F80] =	vst v63  }
0x1b: {  	s12 =	simm.s32 $0x40;
	_ =	swait.ge [sflag:s6], $0x800  }
0x1c: {  	s8 =	sadd.s32 $0xFDC00, s31;
	s11 =	simm.s32 $0x20;
	[sflag:s6] =	ssyncset.done $0x0  }
.LBB2_2:
0x1d: {  	s13 =	sadd.s32 s11, s9  }
0x1e: {  	[sflag:s6] =	ssyncadd.s32 $0xFFFFF800;
	s11 =	smov.u32 s12;
	s14 =	sadd.s32 $0x20, s12  }
0x1f: {  	[tilespmem:s3], [sflag:$0x1] =	stream.linear.gather [hbm4b:s13+s3], $0x100, $0x38;
	[tilespmem:$0x7F80] =	vst v63  }
0x20: {  	p0 =	sne.s32 s12, $0x13A0;
	_ =	swait.ge [sflag:s6], $0x100  }
.Ltmp1:
0x21: {  	[sflag:s6] =	ssyncset.done $0x0;
	(pc) =	sbr.rel @p0 .LBB2_2-.Ltmp1, $4  }
0x22: {  	[sflag:s6] =	ssyncadd.s32 $0xFFFFFF00  }
0x23: {  	[spmem:s2] =	stream.indirect.scatter.add.f32 [tilespmem:s7], [sflag:$0x1], $0x10, s10, s10, $0xb8;
	[tilespmem:$0x7F80] =	vst v63  }
0x24: {  	_ =	swait.ge [sflag:s6], $0x800  }
0x25: {  	s12 =	smov.u32 s14;
	[sflag:s6] =	ssyncset.done $0x0  }
0x26: {  	s9 =	sadd.s32 s11, s9;
	[sflag:s6] =	ssyncadd.s32 $0xFFFFF800  }
0x27: {  	[tilespmem:s3], [sflag:$0x1] =	stream.linear.gather [hbm4b:s9+s3], $0x100, $0x38;
	[tilespmem:$0x7F80] =	vst v63  }
0x28: {  	_ =	swait.ge [sflag:s6], $0x100  }
0x29: {  	[sflag:s6] =	ssyncset.done $0x0  }
0x2a: {  	[sflag:s6] =	ssyncadd.s32 $0xFFFFFF00  }
0x2b: {  	[spmem:s2] =	stream.indirect.scatter.add.f32 [tilespmem:s7], [sflag:$0x1], $0x10, s10, s10, $0xb8;
	[tilespmem:$0x7F80] =	vst v63  }
0x2c: {  	_ =	swait.ge [sflag:s6], $0x800  }
0x2d: {  	[sflag:s6] =	ssyncset.done $0x0  }
0x2e: {  	[sflag:s6] =	ssyncadd.s32 $0xFFFFF800  }
0x2f: {  	s31 =	simm.s32 $0x1;
	[bflag:$0x0] =	sbarrier.arrive $0xFFFF  }
0x30: {  	[hbm:s8], [sflag:s4] =	dma.local [spmem:s5], $0xED0  }
0x31: {  	_ =	swait.ge [sflag:s31], $0xED0  }
0x32: {  	[sflag:s31] =	ssyncset.done $0x0  }
0x33: {  	[sflag:s31] =	ssyncadd.s32 $0xFFFFF130  }
.LBB2_4:
0x34: {  	_ =	sfence.sel $0x180000  }
0x35: {  	[bflag:$0x0] =	sbarrier.arrive $0xFFFF  }
0x36: {  	p0 =	sne.s32 s1, $0x0;
	_ =	strace $0x90000053  }
0x37: {  	s0 =	sadd.s32 @!p0 $0x100000, s0;
	[bflag:$0x2] =	sbarrier.arrive $0xFFFF  }
0x38: {  	[sflag:s0] =	ssyncadd.tile.s32 @!p0 $0x1;
	_ =	shalt  }
.Lfunc_end2:
_tile_overlayer_lowered:
.L_overlay_start_2:
0x39: {  	(tag) =	ssettag $0x2  }
0x3a: {  	s0 =	rddreg [dreg:$0x0];
	s2 =	stileid.u32  }
0x3b: {  	s1 =	rddreg [dreg:$0x1];
	p0 =	sne.s32 s2, $0x0  }
0x3c: {  	s3 =	rddreg [dreg:$0x2];
	[bflag:$0x3] =	sbarrier.arrive $0xFFFF;
	s2 =	simm.s32 @!p0 $0x1C01  }
0x3d: {  	[timem:s3], [sflag:s2] =	dma.local @!p0 [hbm:s0], s1  }
0x3e: {  	s0 =	simm.s32 @!p0 $0x1  }
0x3f: {  	_ =	swait.ge @!p0 [sflag:s0], s1  }
0x40: {  	s1 =	ssub.s32 @!p0 $0x0, s1;
	[sflag:s0] =	ssyncset.done @!p0 $0x0  }
0x41: {  	[sflag:s0] =	ssyncadd.s32 @!p0 s1  }
0x42: {  	[bflag:$0x3] =	sbarrier.arrive $0xFFFF  }
0x43: {  	_ =	shalt  }

// kernel: kernel.14.cloned.1.call-start
scs
__scs_entry_jumppad:
0x0: {  	(pc) =	sbr.rel $0x88, $3  }
0x1: {  	(tag) =	ssettag $0x0;
	lr =	simm.s32 $0x1  }
0x2: {  	[smem:$0x3F9A] =	sst lr;
	_ =	strace $0xD0000000  }
0x3: {  	_ = 	snop  }
0x4: {  	_ = 	snop  }
0x5: {  	_ = 	snop  }
0x6: {  	_ = 	snop  }
0x7: {  	_ = 	snop  }
__scs_overlays_trampoline_lowered:
0x8: {  	[smem:$0x3FA9] =	sst s0  }
0x9: {  	[smem:$0x3FAA] =	sst s1  }
0xa: {  	[smem:$0x3FAB] =	sst s2  }
0xb: {  	[smem:$0x3FAC] =	sst s3  }
0xc: {  	[smem:$0x3FAD] =	sst s4  }
0xd: {  	[smem:$0x3FAE] =	sst s5  }
0xe: {  	[smem:$0x3FAF] =	sst s6  }
0xf: {  	[smem:$0x3FB0] =	sst s7  }
0x10: {  	[smem:$0x3FB1] =	sst s8  }
0x11: {  	[smem:$0x3FB2] =	sst s9;
	s0 =	simm.s32 @!p0 $0x0  }
0x12: {  	s1 =	sld [smem:$0x3F98];
	s0 =	simm.s32 @p0 $0x1  }
0x13: {  	[smem:$0x3FB3] =	sst s0;
	s0 =	simm.s32 @!p1 $0x0  }
0x14: {  	s2 =	sld [smem:$0x3F97];
	s0 =	simm.s32 @p1 $0x1  }
0x15: {  	[smem:$0x3FB4] =	sst s0;
	s0 =	simm.s32 @!p2 $0x0  }
0x16: {  	s3 =	sld [smem:$0x3FDB];
	s0 =	simm.s32 @p2 $0x1  }
0x17: {  	s4 =	simm.s32 $0x1BF5;
	[smem:$0x3FB6] =	sst s0  }
0x18: {  	s0 =	sld [smem:$0x3F99];
	_ =	swait.ge [sflag:s4], $0x0  }
0x19: {  	s7 =	sld [smem:$0x3F9A]  }
0x1a: {  	s8 =	sadd.s32 $0xFFFFE003, lr  }
0x1b: {  	s9 =	sadd.s32 $0xFFFFFEF7, lr;
	s5 =	simm.s32 $0xFFFFFFFF;
	p2 =	slt.u32 s8, $0xFFFFF086  }
0x1c: {  	p1 =	slt.u32 s9, $0xF7A;
	s5 =	simm.s32 @!p2 $0x0  }
0x1d: {  	s5 =	simm.s32 @p1 $0x1;
	p0 =	seq.s32 s7, s2  }
0x1e: {  	s7 =	smul.u32 @!p0 $0xF7A, s2;
	p2 =	seq.s32 @!p0 s5, $0x0  }
0x1f: {  	s9 =	smul.u32 $0xF7A, s1;
	s8 =	simm.s32 @!p0 $0x1BF5;
	p2 =	por !p2, p0  }
0x20: {  	[sflag:s8] =	ssyncset.s32 @!p0 $0xFFFFF086;
	s6 =	sadd.s32 @!p0 s3, s7;
	s7 =	simm.s32 @!p0 $0x108  }
0x21: {  	s3 =	sadd.s32 s3, s9;
	s6 =	sadd.s32 @!p0 $0x88, s6;
	s7 =	simm.s32 @p2 $0x1082  }
0x22: {  	[simem:s7], [sflag:s8] =	dma.local @!p0 [hbm:s6], $0xF7A  }
0x23: {  	s9 =	sor.u32 $0xD0000000, s2;
	s6 =	simm.s32 $0x108;
	_ =	swait.ge @!p0 [sflag:s8], $0x0  }
0x24: {  	s3 =	sadd.s32 $0x88, s3;
	s6 =	simm.s32 @!p1 $0x1082;
	[sflag:s4] =	ssyncset.s32 $0xFFFFF086  }
0x25: {  	[simem:s6], [sflag:s4] =	dma.local [hbm:s3], $0xF7A  }
0x26: {  	[smem:$0x3F9A] =	sst s1;
	(tag) =	ssettag s2;
	_ =	strace s9  }
0x27: {  	s1 =	sld [smem:$0x3FAA]  }
0x28: {  	s2 =	sld [smem:$0x3FAB]  }
0x29: {  	s4 =	sld [smem:$0x3FAD]  }
0x2a: {  	p0 =	seq.s32 s5, $0x0;
	s5 =	sld [smem:$0x3FAE]  }
0x2b: {  	s6 =	sld [smem:$0x3FAF]  }
0x2c: {  	s7 =	sld [smem:$0x3FB0]  }
0x2d: {  	s3 =	simm.s32 $0x108;
	s8 =	sld [smem:$0x3FB1]  }
0x2e: {  	s3 =	simm.s32 @!p0 $0x1082;
	s9 =	sld [smem:$0x3FB2]  }
0x2f: {  	lr =	sadd.s32 s0, s3;
	s0 =	sld [smem:$0x3FA9]  }
0x30: {  	s3 =	sld [smem:$0x3FAC]  }
0x31: {  	[smem:$0x3FB5] =	sst s10  }
0x32: {  	s10 =	sld [smem:$0x3FB3];
	_ =	sdelay $0x3  }
0x33: {  	p0 =	seq.s32 s10, $0x1;
	s10 =	sld [smem:$0x3FB5];
	_ =	sdelay $0x3  }
0x34: {  	[smem:$0x3FB5] =	sst s10  }
0x35: {  	s10 =	sld [smem:$0x3FB4];
	_ =	sdelay $0x3  }
0x36: {  	p1 =	seq.s32 s10, $0x1;
	s10 =	sld [smem:$0x3FB5];
	_ =	sdelay $0x3  }
0x37: {  	[smem:$0x3FB5] =	sst s10  }
0x38: {  	s10 =	sld [smem:$0x3FB6]  }
0x39: {  	_ = 	snop;
	(pc) =	sbr.ind lr, $3  }
0x3a: {  	_ = 	snop  }
0x3b: {  	_ = 	snop  }
0x3c: {  	p2 =	seq.s32 s10, $0x1;
	s10 =	sld [smem:$0x3FB5]  }
0x3d: {  	_ =	shalt  }
0x3e: {  	_ =	shalt  }
0x3f: {  	_ =	shalt  }
0x40: {  	_ =	shalt  }
0x41: {  	_ =	shalt  }
0x42: {  	_ =	shalt  }
0x43: {  	_ =	shalt  }
0x44: {  	_ =	shalt  }
0x45: {  	_ =	shalt  }
0x46: {  	_ =	shalt  }
0x47: {  	_ =	shalt  }
0x48: {  	_ =	shalt  }
0x49: {  	_ =	shalt  }
0x4a: {  	_ =	shalt  }
0x4b: {  	_ =	shalt  }
0x4c: {  	_ =	shalt  }
0x4d: {  	_ =	shalt  }
0x4e: {  	_ =	shalt  }
0x4f: {  	_ =	shalt  }
0x50: {  	_ =	shalt  }
0x51: {  	_ =	shalt  }
0x52: {  	_ =	shalt  }
0x53: {  	_ =	shalt  }
0x54: {  	_ =	shalt  }
0x55: {  	_ =	shalt  }
0x56: {  	_ =	shalt  }
0x57: {  	_ =	shalt  }
0x58: {  	_ =	shalt  }
0x59: {  	_ =	shalt  }
0x5a: {  	_ =	shalt  }
0x5b: {  	_ =	shalt  }
0x5c: {  	_ =	shalt  }
0x5d: {  	_ =	shalt  }
0x5e: {  	_ =	shalt  }
0x5f: {  	_ =	shalt  }
0x60: {  	_ =	shalt  }
0x61: {  	_ =	shalt  }
0x62: {  	_ =	shalt  }
0x63: {  	_ =	shalt  }
0x64: {  	_ =	shalt  }
0x65: {  	_ =	shalt  }
0x66: {  	_ =	shalt  }
0x67: {  	_ =	shalt  }
0x68: {  	_ =	shalt  }
0x69: {  	_ =	shalt  }
0x6a: {  	_ =	shalt  }
0x6b: {  	_ =	shalt  }
0x6c: {  	_ =	shalt  }
0x6d: {  	_ =	shalt  }
0x6e: {  	_ =	shalt  }
0x6f: {  	_ =	shalt  }
0x70: {  	_ =	shalt  }
0x71: {  	_ =	shalt  }
0x72: {  	_ =	shalt  }
0x73: {  	_ =	shalt  }
0x74: {  	_ =	shalt  }
0x75: {  	_ =	shalt  }
0x76: {  	_ =	shalt  }
0x77: {  	_ =	shalt  }
0x78: {  	_ =	shalt  }
0x79: {  	_ =	shalt  }
0x7a: {  	_ =	shalt  }
0x7b: {  	_ =	shalt  }
0x7c: {  	_ =	shalt  }
0x7d: {  	_ =	shalt  }
0x7e: {  	_ =	shalt  }
0x7f: {  	_ =	shalt  }
0x80: {  	_ =	shalt  }
0x81: {  	_ =	shalt  }
0x82: {  	_ =	shalt  }
0x83: {  	_ =	shalt  }
0x84: {  	_ =	shalt  }
0x85: {  	_ =	shalt  }
0x86: {  	_ =	shalt  }
0x87: {  	_ =	shalt  }
.Lfunc_end0:
.L_simem_size_0:
called_computation.4_lowered:
.L_overlay_start_0:
0x88: {  	s2 =	sld [smem:$0x3FD9]  }
0x89: {  	s3 =	sld [smem:$0x3FFE];
	_ =	sdelay $0x1  }
0x8a: {  	s1 =	srdreg.scid  }
0x8b: {  	s0 =	sand.u32 $0x1, s1  }
0x8c: {  	s17 =	sshll.u32 s0, $0xA;
	s2 =	sadd.s32 s3, s2  }
0x8d: {  	s2 =	sadd.s32 s2, s17  }
0x8e: {  	[smem:$0x3FC1] =	sst s2  }
0x8f: {  	_ = 	snop  }
0x90: {  	s2 =	sld [smem:$0x3FD0];
	(tm) =	ssettm $0x1  }
0x91: {  	s18 =	sld [smem:$0x3FFB];
	_ =	sdelay $0x3  }
0x92: {  	_ =	strace s18  }
0x93: {  	s3 =	sld [smem:$0x3FFC];
	_ =	sdelay $0x3  }
0x94: {  	_ =	strace s3  }
0x95: {  	s3 =	sld [smem:$0x3FFD];
	_ =	sdelay $0x3  }
0x96: {  	_ =	strace s3  }
0x97: {  	_ =	strace $0x8FFFFFFF  }
0x98: {  	s19 =	sld [smem:$0x3FDB];
	_ =	sdelay $0x1  }
0x99: {  	s4 =	simm.s32 $_scs_section_size  }
0x9a: {  	s5 =	simm.s32 $_size__tile_overlayer_lowered;
	s6 =	simm.s32 $_tile_overlayer_lowered  }
0x9b: {  	s22 =	simm.s32 $0x1BFF;
	s21 =	sshll.u32 s6, $0x1;
	s3 =	sadd.s32 s4, s19  }
0x9c: {  	s7 =	simm.s32 $0x0;
	s20 =	sshll.u32 s5, $0x1;
	s5 =	sadd.s32 s21, s3  }
0x9d: {  	[timem:s7], [sflag:s22] =	dma.local [hbm:s5], s20  }
0x9e: {  	_ =	swait.ge [sflag:s22], s20  }
0x9f: {  	s4 =	ssub.s32 $0x0, s20;
	[sflag:s22] =	ssyncset.done $0x0  }
0xa0: {  	[sflag:s22] =	ssyncadd.s32 s4;
	_ =	sdelay $0x1  }
0xa1: {  	s23 =	simm.s32 $0x1B8B  }
0xa2: {  	_ =	swait.ge [sflag:s23], $0x1  }
0xa3: {  	[sflag:s23] =	ssyncset.done $0x0  }
0xa4: {  	s25 =	simm.s32 $0x1B8E;
	s24 =	sld [smem:$0x3FFE];
	[sflag:s23] =	ssyncadd.s32 $0xFFFFFFFF  }
0xa5: {  	s26 =	simm.s32 $execute0_lowered;
	[smem:$0x3FD2] =	sst s25  }
0xa6: {  	s5 =	sshll.u32 s26, $0x1;
	_ =	strace $0x8000004F;
	[dreg:$0x1] =	wrdreg $0xFFFFFFFF  }
0xa7: {  	s28 =	simm.s32 $_size_execute0_lowered;
	s3 =	sadd.s32 s3, s5;
	[dreg:$0x0] =	wrdreg $0x0  }
0xa8: {  	s5 =	sshll.u32 s28, $0x1;
	[dreg:$0x2] =	wrdreg s3  }
0xa9: {  	[dreg:$0x3] =	wrdreg s5  }
0xaa: {  	[dreg:$0x4] =	wrdreg $0xC0  }
0xab: {  	_ =	task [dreg:s7], $0x5FFFF  }
0xac: {  	[dreg:$0x1] =	wrdreg $0xFFFFFFFF  }
0xad: {  	[dreg:$0x0] =	wrdreg $0x60  }
0xae: {  	[dreg:$0x2] =	wrdreg s2  }
0xaf: {  	[dreg:$0x3] =	wrdreg s24  }
0xb0: {  	[dreg:$0x4] =	wrdreg $0x0  }
0xb1: {  	[dreg:$0x5] =	wrdreg $0xA  }
0xb2: {  	_ =	task.clear_ibuf [dreg:s7], $0x6FFFF;
	_ =	strace $0x9000004F  }
0xb3: {  	s29 =	simm.s32 $0xA;
	_ =	strace $0x80000051  }
0xb4: {  	_ =	swait.ge [sflag:s29], $0x1  }
0xb5: {  	[sflag:s29] =	ssyncadd.s32 $0xFFFFFFFF  }
0xb6: {  	_ =	strace $0x90000051  }
0xb7: {  	_ =	sfence  }
0xb8: {  	s30 =	sld [smem:$0x0];
	_ =	sdelay $0x2  }
0xb9: {  	s31 =	sshll.u32 s1, $0xD;
	s1 =	sshrl.u32 s1, $0x2  }
0xba: {  	s3 =	sand.u32 $0x4000, s31;
	s1 =	sadd.s32 s1, s30  }
0xbb: {  	s0 =	sor.u32 s3, s0;
	s1 =	sshll.u32 s1, $0x11  }
0xbc: {  	s0 =	sor.u32 s1, s0  }
0xbd: {  	s0 =	sadd.s32 $0x8F2B, s0  }
0xbe: {  	[sflag:s0] =	ssyncadd.remote.s32 $0x1  }
0xbf: {  	_ =	sfence.sel $0xFFFF  }
0xc0: {  	[dreg:$0x0] =	wrdreg $0xFFFFFFFF;
	(pc) =	sbr.abs _section_cstart, $3  }
0xc1: {  	[dreg:$0x1] =	wrdreg $0xFFFFFFFF  }
0xc2: {  	_ =	task.clear_ibuf [dreg:s7], $0x2FFFF;
	_ =	strace $0x9FFFFFFF  }
0xc3: {  	(tm) =	ssettm $0x7FFFFFFF  }
tec
execute0_lowered:
.L_overlay_start_1:
0x0: {  	(tag) =	ssettag $0x1  }
0x1: {  	s1 =	rddreg [dreg:$0x0]  }
0x2: {  	s8 =	rddreg [dreg:$0x1]  }
0x3: {  	s3 =	rddreg [dreg:$0x2]  }
0x4: {  	s0 =	rddreg [dreg:$0x3];
	s4 =	simm.s32 $0x0;
	s2 =	stileid.u32  }
0x5: {  	s5 =	srdreg.scid;
	s15 =	simm.s32 $0x1DA00;
	s16 =	simm.s32 $0x2  }
0x6: {  	s17 =	simm.s32 $0x80;
	s18 =	simm.s32 $0x1DB00;
	s19 =	simm.s32 $0x1DA80  }
0x7: {  	s20 =	simm.s32 $0x0;
	[smem:$0x7FF] =	sst s4;
	s6 =	smul.u32 $0x13C0, s2  }
0x8: {  	s9 =	sand.u32 $0x1, s5;
	s5 =	sadd.s32 $0x4C000, s8;
	s13 =	smul.u32 $0x1DA00, s2  }
0x9: {  	s7 =	sadd.s32 $0x87400, s8;
	s31 =	sshll.u32 s2, $0x6;
	_ =	strace $0x80000050  }
.Ltmp0:
0xa: {  	s10 =	ssub.s32 $0x2, s9;
	p0 =	seq.s32 s9, $0x1;
	(pc) =	sbr.rel .LBB2_1-.Ltmp0, $4  }
0xb: {  	s12 =	sadd.s32 s6, s8;
	s6 =	sadd.s32 $0x1AA00, s8;
	s11 =	sshrl.u32 s10, $0x1  }
0xc: {  	s8 =	sadd.s32 $0xC2800, s8;
	s14 =	sadd.s32 s13, s3;
	s9 =	sshrl.u32 s13, $0x3  }
0xd: {  	s10 =	ssub.s32 s10, s11;
	s11 =	sor.u32 $0x1C01, s31;
	s12 =	sadd.s32 $0x6E00, s12  }
0xe: {  	s13 =	sshrl.u32 s14, $0x3;
	s14 =	simm.s32 $0x1;
	s10 =	smax.u32 s10, $0x1  }
.LBB2_7:
0xf: {  	s21 =	sadd.s32 s21, s12;
	[sflag:s16] =	ssyncadd.s32 $0xFFFFE000  }
0x10: {  	[tilespmem:s15], [sflag:$0x2] =	stream.linear.gather [hbm4b:s21+s4], $0x100, $0x38;
	[tilespmem:$0x1FB00] =	vst v63  }
0x11: {  	_ =	swait.ge [sflag:s16], $0x100  }
0x12: {  	[sflag:s16] =	ssyncset.done $0x0  }
0x13: {  	[sflag:s16] =	ssyncadd.s32 $0xFFFFFF00  }
0x14: {  	[tilespmem:s18], [sflag:$0x1] =	stream.indirect.gather [hbm4b:s5+s17], $0x40, s15, s17, $0xb8;
	[tilespmem:$0x1FB00] =	vst v63  }
0x15: {  	_ =	swait.ge [sflag:s14], $0x2000  }
0x16: {  	[sflag:s14] =	ssyncset.done $0x0  }
0x17: {  	[sflag:s14] =	ssyncadd.s32 $0xFFFFE000  }
0x18: {  	[spmem:s3] =	stream.indirect.scatter.add.f32 [tilespmem:s18], [sflag:$0x2], $0x40, s19, s17, $0xb8;
	[tilespmem:$0x1FB00] =	vst v63  }
0x19: {  	_ =	swait.ge [sflag:s16], $0x2000  }
0x1a: {  	[sflag:s16] =	ssyncset.done $0x0  }
0x1b: {  	s21 =	smov.u32 s8;
	[sflag:s16] =	ssyncadd.s32 $0xFFFFE000  }
.LBB2_8:
0x1c: {  	s20 =	sadd.s32 $0x1, s20  }
0x1d: {  	p1 =	sne.s32 s20, s10  }
.Ltmp1:
0x1e: {  	s21 =	sadd.s32 s21, s9;
	[bflag:$0x0] =	sbarrier.arrive $0xFFFF;
	(pc) =	sbr.rel @!p1 .LBB2_9-.Ltmp1, $4  }
0x1f: {  	[hbm:s21], [sflag:s11] =	dma.local [spmem:s13], $0x3B40  }
0x20: {  	_ =	swait.ge [sflag:s14], $0x3B40  }
0x21: {  	[sflag:s14] =	ssyncset.done $0x0  }
0x22: {  	[sflag:s14] =	ssyncadd.s32 $0xFFFFC4C0  }
.LBB2_1:
0x23: {  	[spmem:s13], [sflag:s11] =	dma.local [hbm:s6], $0x3B40  }
.Ltmp2:
0x24: {  	_ =	swait.ge [sflag:s14], $0x3B40;
	(pc) =	sbr.rel @!p0 .LBB2_2-.Ltmp2, $4  }
0x25: {  	[sflag:s14] =	ssyncset.done $0x0  }
0x26: {  	[sflag:s14] =	ssyncadd.s32 $0xFFFFC4C0  }
0x27: {  	[bflag:$0x0] =	sbarrier.arrive $0xFFFF  }
0x28: {  	s21 =	sadd.s32 $0x0, s12  }
0x29: {  	[tilespmem:s15], [sflag:$0x2] =	stream.linear.gather [hbm4b:s21+s4], $0x100, $0x38;
	[tilespmem:$0x1FB00] =	vst v63  }
0x2a: {  	_ =	swait.ge [sflag:s16], $0x100  }
0x2b: {  	[sflag:s16] =	ssyncset.done $0x0  }
0x2c: {  	[sflag:s16] =	ssyncadd.s32 $0xFFFFFF00  }
0x2d: {  	[tilespmem:s18], [sflag:$0x1] =	stream.indirect.gather [hbm4b:s5+s17], $0x40, s15, s17, $0xb8;
	[tilespmem:$0x1FB00] =	vst v63  }
0x2e: {  	_ =	swait.ge [sflag:s14], $0x2000  }
0x2f: {  	[sflag:s14] =	ssyncset.done $0x0  }
0x30: {  	[sflag:s14] =	ssyncadd.s32 $0xFFFFE000  }
0x31: {  	[spmem:s3] =	stream.indirect.scatter.add.f32 [tilespmem:s18], [sflag:$0x2], $0x40, s19, s17, $0xb8;
	[tilespmem:$0x1FB00] =	vst v63  }
0x32: {  	_ =	swait.ge [sflag:s16], $0x2000  }
0x33: {  	s21 =	simm.s32 $0x20;
	s22 =	simm.s32 $0x40;
	[sflag:s16] =	ssyncset.done $0x0  }
.LBB2_6:
0x34: {  	s23 =	sadd.s32 s21, s12  }
0x35: {  	[sflag:s16] =	ssyncadd.s32 $0xFFFFE000;
	s21 =	smov.u32 s22;
	s24 =	sadd.s32 $0x20, s22  }
0x36: {  	[tilespmem:s15], [sflag:$0x2] =	stream.linear.gather [hbm4b:s23+s4], $0x100, $0x38;
	[tilespmem:$0x1FB00] =	vst v63  }
0x37: {  	p1 =	sne.s32 s22, $0x13A0;
	_ =	swait.ge [sflag:s16], $0x100  }
0x38: {  	[sflag:s16] =	ssyncset.done $0x0  }
0x39: {  	[sflag:s16] =	ssyncadd.s32 $0xFFFFFF00  }
0x3a: {  	[tilespmem:s18], [sflag:$0x1] =	stream.indirect.gather [hbm4b:s5+s17], $0x40, s15, s17, $0xb8;
	[tilespmem:$0x1FB00] =	vst v63  }
0x3b: {  	_ =	swait.ge [sflag:s14], $0x2000  }
.Ltmp3:
0x3c: {  	[sflag:s14] =	ssyncset.done $0x0;
	(pc) =	sbr.rel @p1 .LBB2_6-.Ltmp3, $4  }
0x3d: {  	[sflag:s14] =	ssyncadd.s32 $0xFFFFE000  }
0x3e: {  	[spmem:s3] =	stream.indirect.scatter.add.f32 [tilespmem:s18], [sflag:$0x2], $0x40, s19, s17, $0xb8;
	[tilespmem:$0x1FB00] =	vst v63  }
0x3f: {  	_ =	swait.ge [sflag:s16], $0x2000  }
0x40: {  	s22 =	smov.u32 s24;
	[sflag:s16] =	ssyncset.done $0x0  }
.Ltmp4:
0x41: {  	_ = 	snop;
	(pc) =	sbr.rel .LBB2_7-.Ltmp4, $1  }
0x42: {  	_ =	sdelay $0x3  }
.LBB2_2:
0x43: {  	[tilespmem:s15], [sflag:$0x2] =	stream.linear.gather [hbm4b:s21+s4], $0x100, $0x38;
	[tilespmem:$0x1FB00] =	vst v63  }
0x44: {  	_ =	swait.ge [sflag:s16], $0x100  }
0x45: {  	[sflag:s16] =	ssyncset.done $0x0  }
0x46: {  	[sflag:s16] =	ssyncadd.s32 $0xFFFFFF00  }
0x47: {  	[tilespmem:s18], [sflag:$0x1] =	stream.indirect.gather [hbm4b:s1+s17], $0x40, s15, s17, $0xb8;
	[tilespmem:$0x1FB00] =	vst v63  }
0x48: {  	_ =	swait.ge [sflag:s14], $0x2000  }
0x49: {  	[sflag:s14] =	ssyncset.done $0x0  }
0x4a: {  	[sflag:s14] =	ssyncadd.s32 $0xFFFFE000  }
0x4b: {  	[spmem:s3] =	stream.indirect.scatter.add.f32 [tilespmem:s18], [sflag:$0x2], $0x40, s19, s17, $0xb8;
	[tilespmem:$0x1FB00] =	vst v63  }
0x4c: {  	_ =	swait.ge [sflag:s16], $0x2000  }
0x4d: {  	s21 =	simm.s32 $0x20;
	s22 =	simm.s32 $0x40;
	[sflag:s16] =	ssyncset.done $0x0  }
.LBB2_3:
0x4e: {  	s23 =	sadd.s32 s21, s12  }
0x4f: {  	[sflag:s16] =	ssyncadd.s32 $0xFFFFE000;
	s21 =	smov.u32 s22;
	s24 =	sadd.s32 $0x20, s22  }
0x50: {  	[tilespmem:s15], [sflag:$0x2] =	stream.linear.gather [hbm4b:s23+s4], $0x100, $0x38;
	[tilespmem:$0x1FB00] =	vst v63  }
0x51: {  	p1 =	seq.s32 s22, $0x13A0;
	_ =	swait.ge [sflag:s16], $0x100  }
0x52: {  	[sflag:s16] =	ssyncset.done $0x0  }
0x53: {  	[sflag:s16] =	ssyncadd.s32 $0xFFFFFF00  }
0x54: {  	[tilespmem:s18], [sflag:$0x1] =	stream.indirect.gather [hbm4b:s1+s17], $0x40, s15, s17, $0xb8;
	[tilespmem:$0x1FB00] =	vst v63  }
0x55: {  	_ =	swait.ge [sflag:s14], $0x2000  }
.Ltmp5:
0x56: {  	[sflag:s14] =	ssyncset.done $0x0;
	(pc) =	sbr.rel @!p1 .LBB2_3-.Ltmp5, $4  }
0x57: {  	[sflag:s14] =	ssyncadd.s32 $0xFFFFE000  }
0x58: {  	[spmem:s3] =	stream.indirect.scatter.add.f32 [tilespmem:s18], [sflag:$0x2], $0x40, s19, s17, $0xb8;
	[tilespmem:$0x1FB00] =	vst v63  }
0x59: {  	_ =	swait.ge [sflag:s16], $0x2000  }
0x5a: {  	s22 =	smov.u32 s24;
	[sflag:s16] =	ssyncset.done $0x0  }
0x5b: {  	s21 =	sadd.s32 s21, s12;
	[sflag:s16] =	ssyncadd.s32 $0xFFFFE000  }
0x5c: {  	[tilespmem:s15], [sflag:$0x2] =	stream.linear.gather [hbm4b:s21+s4], $0x100, $0x38;
	[tilespmem:$0x1FB00] =	vst v63  }
0x5d: {  	_ =	swait.ge [sflag:s16], $0x100  }
0x5e: {  	[sflag:s16] =	ssyncset.done $0x0  }
0x5f: {  	[sflag:s16] =	ssyncadd.s32 $0xFFFFFF00  }
0x60: {  	[tilespmem:s18], [sflag:$0x1] =	stream.indirect.gather [hbm4b:s1+s17], $0x40, s15, s17, $0xb8;
	[tilespmem:$0x1FB00] =	vst v63  }
0x61: {  	_ =	swait.ge [sflag:s14], $0x2000  }
0x62: {  	[sflag:s14] =	ssyncset.done $0x0  }
.Ltmp6:
0x63: {  	[sflag:s14] =	ssyncadd.s32 $0xFFFFE000;
	(pc) =	sbr.rel .LBB2_8-.Ltmp6, $4  }
0x64: {  	[spmem:s3] =	stream.indirect.scatter.add.f32 [tilespmem:s18], [sflag:$0x2], $0x40, s19, s17, $0xb8;
	[tilespmem:$0x1FB00] =	vst v63  }
0x65: {  	_ =	swait.ge [sflag:s16], $0x2000  }
0x66: {  	[sflag:s16] =	ssyncset.done $0x0  }
0x67: {  	s21 =	smov.u32 s7;
	[sflag:s16] =	ssyncadd.s32 $0xFFFFE000  }
.LBB2_9:
0x68: {  	_ =	sfence.sel $0x180000  }
0x69: {  	[bflag:$0x0] =	sbarrier.arrive $0xFFFF  }
0x6a: {  	p0 =	sne.s32 s2, $0x0;
	_ =	strace $0x90000050  }
0x6b: {  	s0 =	sadd.s32 @!p0 $0x100000, s0;
	[bflag:$0x2] =	sbarrier.arrive $0xFFFF  }
0x6c: {  	[sflag:s0] =	ssyncadd.tile.s32 @!p0 $0x1;
	_ =	shalt  }
.Lfunc_end2:
_tile_overlayer_lowered:
.L_overlay_start_2:
0x6d: {  	(tag) =	ssettag $0x2  }
0x6e: {  	s0 =	rddreg [dreg:$0x0];
	s2 =	stileid.u32  }
0x6f: {  	s1 =	rddreg [dreg:$0x1];
	p0 =	sne.s32 s2, $0x0  }
0x70: {  	s3 =	rddreg [dreg:$0x2];
	[bflag:$0x3] =	sbarrier.arrive $0xFFFF;
	s2 =	simm.s32 @!p0 $0x1C01  }
0x71: {  	[timem:s3], [sflag:s2] =	dma.local @!p0 [hbm:s0], s1  }
0x72: {  	s0 =	simm.s32 @!p0 $0x1  }
0x73: {  	_ =	swait.ge @!p0 [sflag:s0], s1  }
0x74: {  	s1 =	ssub.s32 @!p0 $0x0, s1;
	[sflag:s0] =	ssyncset.done @!p0 $0x0  }
0x75: {  	[sflag:s0] =	ssyncadd.s32 @!p0 s1  }
0x76: {  	[bflag:$0x3] =	sbarrier.arrive $0xFFFF  }
0x77: {  	_ =	shalt  }

// kernel: kernel.17.cloned.1.call-start
scs
__scs_entry_jumppad:
0x0: {  	(pc) =	sbr.rel $0x88, $3  }
0x1: {  	(tag) =	ssettag $0x0;
	lr =	simm.s32 $0x1  }
0x2: {  	[smem:$0x3F9A] =	sst lr;
	_ =	strace $0xD0000000  }
0x3: {  	_ = 	snop  }
0x4: {  	_ = 	snop  }
0x5: {  	_ = 	snop  }
0x6: {  	_ = 	snop  }
0x7: {  	_ = 	snop  }
__scs_overlays_trampoline_lowered:
0x8: {  	[smem:$0x3FA9] =	sst s0  }
0x9: {  	[smem:$0x3FAA] =	sst s1  }
0xa: {  	[smem:$0x3FAB] =	sst s2  }
0xb: {  	[smem:$0x3FAC] =	sst s3  }
0xc: {  	[smem:$0x3FAD] =	sst s4  }
0xd: {  	[smem:$0x3FAE] =	sst s5  }
0xe: {  	[smem:$0x3FAF] =	sst s6  }
0xf: {  	[smem:$0x3FB0] =	sst s7  }
0x10: {  	[smem:$0x3FB1] =	sst s8  }
0x11: {  	[smem:$0x3FB2] =	sst s9;
	s0 =	simm.s32 @!p0 $0x0  }
0x12: {  	s1 =	sld [smem:$0x3F98];
	s0 =	simm.s32 @p0 $0x1  }
0x13: {  	[smem:$0x3FB3] =	sst s0;
	s0 =	simm.s32 @!p1 $0x0  }
0x14: {  	s2 =	sld [smem:$0x3F97];
	s0 =	simm.s32 @p1 $0x1  }
0x15: {  	[smem:$0x3FB4] =	sst s0;
	s0 =	simm.s32 @!p2 $0x0  }
0x16: {  	s3 =	sld [smem:$0x3FDB];
	s0 =	simm.s32 @p2 $0x1  }
0x17: {  	s4 =	simm.s32 $0x1BF5;
	[smem:$0x3FB6] =	sst s0  }
0x18: {  	s0 =	sld [smem:$0x3F99];
	_ =	swait.ge [sflag:s4], $0x0  }
0x19: {  	s7 =	sld [smem:$0x3F9A]  }
0x1a: {  	s8 =	sadd.s32 $0xFFFFE003, lr  }
0x1b: {  	s9 =	sadd.s32 $0xFFFFFEF7, lr;
	s5 =	simm.s32 $0xFFFFFFFF;
	p2 =	slt.u32 s8, $0xFFFFF086  }
0x1c: {  	p1 =	slt.u32 s9, $0xF7A;
	s5 =	simm.s32 @!p2 $0x0  }
0x1d: {  	s5 =	simm.s32 @p1 $0x1;
	p0 =	seq.s32 s7, s2  }
0x1e: {  	s7 =	smul.u32 @!p0 $0xF7A, s2;
	p2 =	seq.s32 @!p0 s5, $0x0  }
0x1f: {  	s9 =	smul.u32 $0xF7A, s1;
	s8 =	simm.s32 @!p0 $0x1BF5;
	p2 =	por !p2, p0  }
0x20: {  	[sflag:s8] =	ssyncset.s32 @!p0 $0xFFFFF086;
	s6 =	sadd.s32 @!p0 s3, s7;
	s7 =	simm.s32 @!p0 $0x108  }
0x21: {  	s3 =	sadd.s32 s3, s9;
	s6 =	sadd.s32 @!p0 $0x88, s6;
	s7 =	simm.s32 @p2 $0x1082  }
0x22: {  	[simem:s7], [sflag:s8] =	dma.local @!p0 [hbm:s6], $0xF7A  }
0x23: {  	s9 =	sor.u32 $0xD0000000, s2;
	s6 =	simm.s32 $0x108;
	_ =	swait.ge @!p0 [sflag:s8], $0x0  }
0x24: {  	s3 =	sadd.s32 $0x88, s3;
	s6 =	simm.s32 @!p1 $0x1082;
	[sflag:s4] =	ssyncset.s32 $0xFFFFF086  }
0x25: {  	[simem:s6], [sflag:s4] =	dma.local [hbm:s3], $0xF7A  }
0x26: {  	[smem:$0x3F9A] =	sst s1;
	(tag) =	ssettag s2;
	_ =	strace s9  }
0x27: {  	s1 =	sld [smem:$0x3FAA]  }
0x28: {  	s2 =	sld [smem:$0x3FAB]  }
0x29: {  	s4 =	sld [smem:$0x3FAD]  }
0x2a: {  	p0 =	seq.s32 s5, $0x0;
	s5 =	sld [smem:$0x3FAE]  }
0x2b: {  	s6 =	sld [smem:$0x3FAF]  }
0x2c: {  	s7 =	sld [smem:$0x3FB0]  }
0x2d: {  	s3 =	simm.s32 $0x108;
	s8 =	sld [smem:$0x3FB1]  }
0x2e: {  	s3 =	simm.s32 @!p0 $0x1082;
	s9 =	sld [smem:$0x3FB2]  }
0x2f: {  	lr =	sadd.s32 s0, s3;
	s0 =	sld [smem:$0x3FA9]  }
0x30: {  	s3 =	sld [smem:$0x3FAC]  }
0x31: {  	[smem:$0x3FB5] =	sst s10  }
0x32: {  	s10 =	sld [smem:$0x3FB3];
	_ =	sdelay $0x3  }
0x33: {  	p0 =	seq.s32 s10, $0x1;
	s10 =	sld [smem:$0x3FB5];
	_ =	sdelay $0x3  }
0x34: {  	[smem:$0x3FB5] =	sst s10  }
0x35: {  	s10 =	sld [smem:$0x3FB4];
	_ =	sdelay $0x3  }
0x36: {  	p1 =	seq.s32 s10, $0x1;
	s10 =	sld [smem:$0x3FB5];
	_ =	sdelay $0x3  }
0x37: {  	[smem:$0x3FB5] =	sst s10  }
0x38: {  	s10 =	sld [smem:$0x3FB6]  }
0x39: {  	_ = 	snop;
	(pc) =	sbr.ind lr, $3  }
0x3a: {  	_ = 	snop  }
0x3b: {  	_ = 	snop  }
0x3c: {  	p2 =	seq.s32 s10, $0x1;
	s10 =	sld [smem:$0x3FB5]  }
0x3d: {  	_ =	shalt  }
0x3e: {  	_ =	shalt  }
0x3f: {  	_ =	shalt  }
0x40: {  	_ =	shalt  }
0x41: {  	_ =	shalt  }
0x42: {  	_ =	shalt  }
0x43: {  	_ =	shalt  }
0x44: {  	_ =	shalt  }
0x45: {  	_ =	shalt  }
0x46: {  	_ =	shalt  }
0x47: {  	_ =	shalt  }
0x48: {  	_ =	shalt  }
0x49: {  	_ =	shalt  }
0x4a: {  	_ =	shalt  }
0x4b: {  	_ =	shalt  }
0x4c: {  	_ =	shalt  }
0x4d: {  	_ =	shalt  }
0x4e: {  	_ =	shalt  }
0x4f: {  	_ =	shalt  }
0x50: {  	_ =	shalt  }
0x51: {  	_ =	shalt  }
0x52: {  	_ =	shalt  }
0x53: {  	_ =	shalt  }
0x54: {  	_ =	shalt  }
0x55: {  	_ =	shalt  }
0x56: {  	_ =	shalt  }
0x57: {  	_ =	shalt  }
0x58: {  	_ =	shalt  }
0x59: {  	_ =	shalt  }
0x5a: {  	_ =	shalt  }
0x5b: {  	_ =	shalt  }
0x5c: {  	_ =	shalt  }
0x5d: {  	_ =	shalt  }
0x5e: {  	_ =	shalt  }
0x5f: {  	_ =	shalt  }
0x60: {  	_ =	shalt  }
0x61: {  	_ =	shalt  }
0x62: {  	_ =	shalt  }
0x63: {  	_ =	shalt  }
0x64: {  	_ =	shalt  }
0x65: {  	_ =	shalt  }
0x66: {  	_ =	shalt  }
0x67: {  	_ =	shalt  }
0x68: {  	_ =	shalt  }
0x69: {  	_ =	shalt  }
0x6a: {  	_ =	shalt  }
0x6b: {  	_ =	shalt  }
0x6c: {  	_ =	shalt  }
0x6d: {  	_ =	shalt  }
0x6e: {  	_ =	shalt  }
0x6f: {  	_ =	shalt  }
0x70: {  	_ =	shalt  }
0x71: {  	_ =	shalt  }
0x72: {  	_ =	shalt  }
0x73: {  	_ =	shalt  }
0x74: {  	_ =	shalt  }
0x75: {  	_ =	shalt  }
0x76: {  	_ =	shalt  }
0x77: {  	_ =	shalt  }
0x78: {  	_ =	shalt  }
0x79: {  	_ =	shalt  }
0x7a: {  	_ =	shalt  }
0x7b: {  	_ =	shalt  }
0x7c: {  	_ =	shalt  }
0x7d: {  	_ =	shalt  }
0x7e: {  	_ =	shalt  }
0x7f: {  	_ =	shalt  }
0x80: {  	_ =	shalt  }
0x81: {  	_ =	shalt  }
0x82: {  	_ =	shalt  }
0x83: {  	_ =	shalt  }
0x84: {  	_ =	shalt  }
0x85: {  	_ =	shalt  }
0x86: {  	_ =	shalt  }
0x87: {  	_ =	shalt  }
.Lfunc_end0:
.L_simem_size_0:
called_computation.5_lowered:
.L_overlay_start_0:
0x88: {  	s2 =	sld [smem:$0x3FD9]  }
0x89: {  	s3 =	sld [smem:$0x3FFE];
	_ =	sdelay $0x1  }
0x8a: {  	s1 =	srdreg.scid  }
0x8b: {  	s0 =	sand.u32 $0x1, s1  }
0x8c: {  	s17 =	sshll.u32 s0, $0xA;
	s2 =	sadd.s32 s3, s2  }
0x8d: {  	s2 =	sadd.s32 s2, s17  }
0x8e: {  	[smem:$0x3FC1] =	sst s2  }
0x8f: {  	_ = 	snop  }
0x90: {  	s2 =	sld [smem:$0x3FD0];
	(tm) =	ssettm $0x1  }
0x91: {  	s18 =	sld [smem:$0x3FFB];
	_ =	sdelay $0x3  }
0x92: {  	_ =	strace s18  }
0x93: {  	s3 =	sld [smem:$0x3FFC];
	_ =	sdelay $0x3  }
0x94: {  	_ =	strace s3  }
0x95: {  	s3 =	sld [smem:$0x3FFD];
	_ =	sdelay $0x3  }
0x96: {  	_ =	strace s3  }
0x97: {  	_ =	strace $0x8FFFFFFF  }
0x98: {  	s19 =	sld [smem:$0x3FDB];
	_ =	sdelay $0x1  }
0x99: {  	s4 =	simm.s32 $_scs_section_size  }
0x9a: {  	s5 =	simm.s32 $_size__tile_overlayer_lowered;
	s6 =	simm.s32 $_tile_overlayer_lowered  }
0x9b: {  	s22 =	simm.s32 $0x1BFF;
	s21 =	sshll.u32 s6, $0x1;
	s3 =	sadd.s32 s4, s19  }
0x9c: {  	s7 =	simm.s32 $0x0;
	s20 =	sshll.u32 s5, $0x1;
	s5 =	sadd.s32 s21, s3  }
0x9d: {  	[timem:s7], [sflag:s22] =	dma.local [hbm:s5], s20  }
0x9e: {  	_ =	swait.ge [sflag:s22], s20  }
0x9f: {  	s4 =	ssub.s32 $0x0, s20;
	[sflag:s22] =	ssyncset.done $0x0  }
0xa0: {  	[sflag:s22] =	ssyncadd.s32 s4;
	_ =	sdelay $0x1  }
0xa1: {  	s23 =	simm.s32 $0x1B8B  }
0xa2: {  	_ =	swait.ge [sflag:s23], $0x1  }
0xa3: {  	[sflag:s23] =	ssyncset.done $0x0  }
0xa4: {  	s25 =	simm.s32 $0x1B8E;
	s24 =	sld [smem:$0x3FFE];
	[sflag:s23] =	ssyncadd.s32 $0xFFFFFFFF  }
0xa5: {  	s26 =	simm.s32 $execute0_lowered;
	[smem:$0x3FD2] =	sst s25  }
0xa6: {  	s5 =	sshll.u32 s26, $0x1;
	_ =	strace $0x80000055;
	[dreg:$0x1] =	wrdreg $0xFFFFFFFF  }
0xa7: {  	s28 =	simm.s32 $_size_execute0_lowered;
	s3 =	sadd.s32 s3, s5;
	[dreg:$0x0] =	wrdreg $0x0  }
0xa8: {  	s5 =	sshll.u32 s28, $0x1;
	[dreg:$0x2] =	wrdreg s3  }
0xa9: {  	[dreg:$0x3] =	wrdreg s5  }
0xaa: {  	[dreg:$0x4] =	wrdreg $0xC0  }
0xab: {  	_ =	task [dreg:s7], $0x5FFFF  }
0xac: {  	[dreg:$0x1] =	wrdreg $0xFFFFFFFF  }
0xad: {  	[dreg:$0x0] =	wrdreg $0x60  }
0xae: {  	[dreg:$0x2] =	wrdreg s2  }
0xaf: {  	[dreg:$0x3] =	wrdreg s24  }
0xb0: {  	[dreg:$0x4] =	wrdreg $0x0  }
0xb1: {  	[dreg:$0x5] =	wrdreg $0x9  }
0xb2: {  	_ =	task.clear_ibuf [dreg:s7], $0x6FFFF;
	_ =	strace $0x90000055  }
0xb3: {  	s29 =	simm.s32 $0x9;
	_ =	strace $0x80000057  }
0xb4: {  	_ =	swait.ge [sflag:s29], $0x1  }
0xb5: {  	[sflag:s29] =	ssyncadd.s32 $0xFFFFFFFF  }
0xb6: {  	_ =	strace $0x90000057  }
0xb7: {  	_ =	sfence  }
0xb8: {  	s30 =	sld [smem:$0x0];
	_ =	sdelay $0x2  }
0xb9: {  	s31 =	sshll.u32 s1, $0xD;
	s1 =	sshrl.u32 s1, $0x2  }
0xba: {  	s3 =	sand.u32 $0x4000, s31;
	s1 =	sadd.s32 s1, s30  }
0xbb: {  	s0 =	sor.u32 s3, s0;
	s1 =	sshll.u32 s1, $0x11  }
0xbc: {  	s0 =	sor.u32 s1, s0  }
0xbd: {  	s0 =	sadd.s32 $0x8F2B, s0  }
0xbe: {  	[sflag:s0] =	ssyncadd.remote.s32 $0x1  }
0xbf: {  	_ =	sfence.sel $0xFFFF  }
0xc0: {  	[dreg:$0x0] =	wrdreg $0xFFFFFFFF;
	(pc) =	sbr.abs _section_cstart, $3  }
0xc1: {  	[dreg:$0x1] =	wrdreg $0xFFFFFFFF  }
0xc2: {  	_ =	task.clear_ibuf [dreg:s7], $0x2FFFF;
	_ =	strace $0x9FFFFFFF  }
0xc3: {  	(tm) =	ssettm $0x7FFFFFFF  }
tec
execute0_lowered:
.L_overlay_start_1:
0x0: {  	(tag) =	ssettag $0x1  }
0x1: {  	s1 =	rddreg [dreg:$0x0]  }
0x2: {  	s8 =	rddreg [dreg:$0x1]  }
0x3: {  	s3 =	rddreg [dreg:$0x2]  }
0x4: {  	s0 =	rddreg [dreg:$0x3];
	s4 =	simm.s32 $0x0;
	s2 =	stileid.u32  }
0x5: {  	s5 =	srdreg.scid;
	s15 =	simm.s32 $0x1DA00;
	s16 =	simm.s32 $0x2  }
0x6: {  	s17 =	simm.s32 $0x80;
	s18 =	simm.s32 $0x1DB00;
	s19 =	simm.s32 $0x1DA80  }
0x7: {  	s20 =	simm.s32 $0x0;
	[smem:$0x7FF] =	sst s4;
	s6 =	smul.u32 $0x13C0, s2  }
0x8: {  	s9 =	sand.u32 $0x1, s5;
	s5 =	sadd.s32 $0x1E600, s8;
	s13 =	smul.u32 $0x1DA00, s2  }
0x9: {  	s7 =	sadd.s32 $0x32200, s8;
	s31 =	sshll.u32 s2, $0x6;
	_ =	strace $0x80000056  }
.Ltmp0:
0xa: {  	s10 =	ssub.s32 $0x2, s9;
	p0 =	seq.s32 s9, $0x1;
	(pc) =	sbr.rel .LBB2_1-.Ltmp0, $4  }
0xb: {  	s12 =	sadd.s32 s6, s8;
	s6 =	sadd.s32 $0x1AA00, s8;
	s11 =	sshrl.u32 s10, $0x1  }
0xc: {  	s8 =	sadd.s32 $0x6D600, s8;
	s14 =	sadd.s32 s13, s3;
	s9 =	sshrl.u32 s13, $0x3  }
0xd: {  	s10 =	ssub.s32 s10, s11;
	s11 =	sor.u32 $0x1C01, s31;
	s12 =	sadd.s32 $0x6E00, s12  }
0xe: {  	s13 =	sshrl.u32 s14, $0x3;
	s14 =	simm.s32 $0x1;
	s10 =	smax.u32 s10, $0x1  }
.LBB2_7:
0xf: {  	s21 =	sadd.s32 s21, s12;
	[sflag:s16] =	ssyncadd.s32 $0xFFFFE000  }
0x10: {  	[tilespmem:s15], [sflag:$0x2] =	stream.linear.gather [hbm4b:s21+s4], $0x100, $0x38;
	[tilespmem:$0x1FB00] =	vst v63  }
0x11: {  	_ =	swait.ge [sflag:s16], $0x100  }
0x12: {  	[sflag:s16] =	ssyncset.done $0x0  }
0x13: {  	[sflag:s16] =	ssyncadd.s32 $0xFFFFFF00  }
0x14: {  	[tilespmem:s18], [sflag:$0x1] =	stream.indirect.gather [hbm4b:s5+s17], $0x40, s15, s17, $0xb8;
	[tilespmem:$0x1FB00] =	vst v63  }
0x15: {  	_ =	swait.ge [sflag:s14], $0x2000  }
0x16: {  	[sflag:s14] =	ssyncset.done $0x0  }
0x17: {  	[sflag:s14] =	ssyncadd.s32 $0xFFFFE000  }
0x18: {  	[spmem:s3] =	stream.indirect.scatter.add.f32 [tilespmem:s18], [sflag:$0x2], $0x40, s19, s17, $0xb8;
	[tilespmem:$0x1FB00] =	vst v63  }
0x19: {  	_ =	swait.ge [sflag:s16], $0x2000  }
0x1a: {  	[sflag:s16] =	ssyncset.done $0x0  }
0x1b: {  	s21 =	smov.u32 s8;
	[sflag:s16] =	ssyncadd.s32 $0xFFFFE000  }
.LBB2_8:
0x1c: {  	s20 =	sadd.s32 $0x1, s20  }
0x1d: {  	p1 =	sne.s32 s20, s10  }
.Ltmp1:
0x1e: {  	s21 =	sadd.s32 s21, s9;
	[bflag:$0x0] =	sbarrier.arrive $0xFFFF;
	(pc) =	sbr.rel @!p1 .LBB2_9-.Ltmp1, $4  }
0x1f: {  	[hbm:s21], [sflag:s11] =	dma.local [spmem:s13], $0x3B40  }
0x20: {  	_ =	swait.ge [sflag:s14], $0x3B40  }
0x21: {  	[sflag:s14] =	ssyncset.done $0x0  }
0x22: {  	[sflag:s14] =	ssyncadd.s32 $0xFFFFC4C0  }
.LBB2_1:
0x23: {  	[spmem:s13], [sflag:s11] =	dma.local [hbm:s6], $0x3B40  }
.Ltmp2:
0x24: {  	_ =	swait.ge [sflag:s14], $0x3B40;
	(pc) =	sbr.rel @!p0 .LBB2_2-.Ltmp2, $4  }
0x25: {  	[sflag:s14] =	ssyncset.done $0x0  }
0x26: {  	[sflag:s14] =	ssyncadd.s32 $0xFFFFC4C0  }
0x27: {  	[bflag:$0x0] =	sbarrier.arrive $0xFFFF  }
0x28: {  	s21 =	sadd.s32 $0x0, s12  }
0x29: {  	[tilespmem:s15], [sflag:$0x2] =	stream.linear.gather [hbm4b:s21+s4], $0x100, $0x38;
	[tilespmem:$0x1FB00] =	vst v63  }
0x2a: {  	_ =	swait.ge [sflag:s16], $0x100  }
0x2b: {  	[sflag:s16] =	ssyncset.done $0x0  }
0x2c: {  	[sflag:s16] =	ssyncadd.s32 $0xFFFFFF00  }
0x2d: {  	[tilespmem:s18], [sflag:$0x1] =	stream.indirect.gather [hbm4b:s5+s17], $0x40, s15, s17, $0xb8;
	[tilespmem:$0x1FB00] =	vst v63  }
0x2e: {  	_ =	swait.ge [sflag:s14], $0x2000  }
0x2f: {  	[sflag:s14] =	ssyncset.done $0x0  }
0x30: {  	[sflag:s14] =	ssyncadd.s32 $0xFFFFE000  }
0x31: {  	[spmem:s3] =	stream.indirect.scatter.add.f32 [tilespmem:s18], [sflag:$0x2], $0x40, s19, s17, $0xb8;
	[tilespmem:$0x1FB00] =	vst v63  }
0x32: {  	_ =	swait.ge [sflag:s16], $0x2000  }
0x33: {  	s21 =	simm.s32 $0x20;
	s22 =	simm.s32 $0x40;
	[sflag:s16] =	ssyncset.done $0x0  }
.LBB2_6:
0x34: {  	s23 =	sadd.s32 s21, s12  }
0x35: {  	[sflag:s16] =	ssyncadd.s32 $0xFFFFE000;
	s21 =	smov.u32 s22;
	s24 =	sadd.s32 $0x20, s22  }
0x36: {  	[tilespmem:s15], [sflag:$0x2] =	stream.linear.gather [hbm4b:s23+s4], $0x100, $0x38;
	[tilespmem:$0x1FB00] =	vst v63  }
0x37: {  	p1 =	sne.s32 s22, $0x13A0;
	_ =	swait.ge [sflag:s16], $0x100  }
0x38: {  	[sflag:s16] =	ssyncset.done $0x0  }
0x39: {  	[sflag:s16] =	ssyncadd.s32 $0xFFFFFF00  }
0x3a: {  	[tilespmem:s18], [sflag:$0x1] =	stream.indirect.gather [hbm4b:s5+s17], $0x40, s15, s17, $0xb8;
	[tilespmem:$0x1FB00] =	vst v63  }
0x3b: {  	_ =	swait.ge [sflag:s14], $0x2000  }
.Ltmp3:
0x3c: {  	[sflag:s14] =	ssyncset.done $0x0;
	(pc) =	sbr.rel @p1 .LBB2_6-.Ltmp3, $4  }
0x3d: {  	[sflag:s14] =	ssyncadd.s32 $0xFFFFE000  }
0x3e: {  	[spmem:s3] =	stream.indirect.scatter.add.f32 [tilespmem:s18], [sflag:$0x2], $0x40, s19, s17, $0xb8;
	[tilespmem:$0x1FB00] =	vst v63  }
0x3f: {  	_ =	swait.ge [sflag:s16], $0x2000  }
0x40: {  	s22 =	smov.u32 s24;
	[sflag:s16] =	ssyncset.done $0x0  }
.Ltmp4:
0x41: {  	_ = 	snop;
	(pc) =	sbr.rel .LBB2_7-.Ltmp4, $1  }
0x42: {  	_ =	sdelay $0x3  }
.LBB2_2:
0x43: {  	[tilespmem:s15], [sflag:$0x2] =	stream.linear.gather [hbm4b:s21+s4], $0x100, $0x38;
	[tilespmem:$0x1FB00] =	vst v63  }
0x44: {  	_ =	swait.ge [sflag:s16], $0x100  }
0x45: {  	[sflag:s16] =	ssyncset.done $0x0  }
0x46: {  	[sflag:s16] =	ssyncadd.s32 $0xFFFFFF00  }
0x47: {  	[tilespmem:s18], [sflag:$0x1] =	stream.indirect.gather [hbm4b:s1+s17], $0x40, s15, s17, $0xb8;
	[tilespmem:$0x1FB00] =	vst v63  }
0x48: {  	_ =	swait.ge [sflag:s14], $0x2000  }
0x49: {  	[sflag:s14] =	ssyncset.done $0x0  }
0x4a: {  	[sflag:s14] =	ssyncadd.s32 $0xFFFFE000  }
0x4b: {  	[spmem:s3] =	stream.indirect.scatter.add.f32 [tilespmem:s18], [sflag:$0x2], $0x40, s19, s17, $0xb8;
	[tilespmem:$0x1FB00] =	vst v63  }
0x4c: {  	_ =	swait.ge [sflag:s16], $0x2000  }
0x4d: {  	s21 =	simm.s32 $0x20;
	s22 =	simm.s32 $0x40;
	[sflag:s16] =	ssyncset.done $0x0  }
.LBB2_3:
0x4e: {  	s23 =	sadd.s32 s21, s12  }
0x4f: {  	[sflag:s16] =	ssyncadd.s32 $0xFFFFE000;
	s21 =	smov.u32 s22;
	s24 =	sadd.s32 $0x20, s22  }
0x50: {  	[tilespmem:s15], [sflag:$0x2] =	stream.linear.gather [hbm4b:s23+s4], $0x100, $0x38;
	[tilespmem:$0x1FB00] =	vst v63  }
0x51: {  	p1 =	seq.s32 s22, $0x13A0;
	_ =	swait.ge [sflag:s16], $0x100  }
0x52: {  	[sflag:s16] =	ssyncset.done $0x0  }
0x53: {  	[sflag:s16] =	ssyncadd.s32 $0xFFFFFF00  }
0x54: {  	[tilespmem:s18], [sflag:$0x1] =	stream.indirect.gather [hbm4b:s1+s17], $0x40, s15, s17, $0xb8;
	[tilespmem:$0x1FB00] =	vst v63  }
0x55: {  	_ =	swait.ge [sflag:s14], $0x2000  }
.Ltmp5:
0x56: {  	[sflag:s14] =	ssyncset.done $0x0;
	(pc) =	sbr.rel @!p1 .LBB2_3-.Ltmp5, $4  }
0x57: {  	[sflag:s14] =	ssyncadd.s32 $0xFFFFE000  }
0x58: {  	[spmem:s3] =	stream.indirect.scatter.add.f32 [tilespmem:s18], [sflag:$0x2], $0x40, s19, s17, $0xb8;
	[tilespmem:$0x1FB00] =	vst v63  }
0x59: {  	_ =	swait.ge [sflag:s16], $0x2000  }
0x5a: {  	s22 =	smov.u32 s24;
	[sflag:s16] =	ssyncset.done $0x0  }
0x5b: {  	s21 =	sadd.s32 s21, s12;
	[sflag:s16] =	ssyncadd.s32 $0xFFFFE000  }
0x5c: {  	[tilespmem:s15], [sflag:$0x2] =	stream.linear.gather [hbm4b:s21+s4], $0x100, $0x38;
	[tilespmem:$0x1FB00] =	vst v63  }
0x5d: {  	_ =	swait.ge [sflag:s16], $0x100  }
0x5e: {  	[sflag:s16] =	ssyncset.done $0x0  }
0x5f: {  	[sflag:s16] =	ssyncadd.s32 $0xFFFFFF00  }
0x60: {  	[tilespmem:s18], [sflag:$0x1] =	stream.indirect.gather [hbm4b:s1+s17], $0x40, s15, s17, $0xb8;
	[tilespmem:$0x1FB00] =	vst v63  }
0x61: {  	_ =	swait.ge [sflag:s14], $0x2000  }
0x62: {  	[sflag:s14] =	ssyncset.done $0x0  }
.Ltmp6:
0x63: {  	[sflag:s14] =	ssyncadd.s32 $0xFFFFE000;
	(pc) =	sbr.rel .LBB2_8-.Ltmp6, $4  }
0x64: {  	[spmem:s3] =	stream.indirect.scatter.add.f32 [tilespmem:s18], [sflag:$0x2], $0x40, s19, s17, $0xb8;
	[tilespmem:$0x1FB00] =	vst v63  }
0x65: {  	_ =	swait.ge [sflag:s16], $0x2000  }
0x66: {  	[sflag:s16] =	ssyncset.done $0x0  }
0x67: {  	s21 =	smov.u32 s7;
	[sflag:s16] =	ssyncadd.s32 $0xFFFFE000  }
.LBB2_9:
0x68: {  	_ =	sfence.sel $0x180000  }
0x69: {  	[bflag:$0x0] =	sbarrier.arrive $0xFFFF  }
0x6a: {  	p0 =	sne.s32 s2, $0x0;
	_ =	strace $0x90000056  }
0x6b: {  	s0 =	sadd.s32 @!p0 $0x100000, s0;
	[bflag:$0x2] =	sbarrier.arrive $0xFFFF  }
0x6c: {  	[sflag:s0] =	ssyncadd.tile.s32 @!p0 $0x1;
	_ =	shalt  }
.Lfunc_end2:
_tile_overlayer_lowered:
.L_overlay_start_2:
0x6d: {  	(tag) =	ssettag $0x2  }
0x6e: {  	s0 =	rddreg [dreg:$0x0];
	s2 =	stileid.u32  }
0x6f: {  	s1 =	rddreg [dreg:$0x1];
	p0 =	sne.s32 s2, $0x0  }
0x70: {  	s3 =	rddreg [dreg:$0x2];
	[bflag:$0x3] =	sbarrier.arrive $0xFFFF;
	s2 =	simm.s32 @!p0 $0x1C01  }
0x71: {  	[timem:s3], [sflag:s2] =	dma.local @!p0 [hbm:s0], s1  }
0x72: {  	s0 =	simm.s32 @!p0 $0x1  }
0x73: {  	_ =	swait.ge @!p0 [sflag:s0], s1  }
0x74: {  	s1 =	ssub.s32 @!p0 $0x0, s1;
	[sflag:s0] =	ssyncset.done @!p0 $0x0  }
0x75: {  	[sflag:s0] =	ssyncadd.s32 @!p0 s1  }
0x76: {  	[bflag:$0x3] =	sbarrier.arrive $0xFFFF  }
0x77: {  	_ =	shalt  }

// kernel: kernel.20.cloned.1.call-start
scs
__scs_entry_jumppad:
0x0: {  	(pc) =	sbr.rel $0x88, $3  }
0x1: {  	(tag) =	ssettag $0x0;
	lr =	simm.s32 $0x1  }
0x2: {  	[smem:$0x3F9A] =	sst lr;
	_ =	strace $0xD0000000  }
0x3: {  	_ = 	snop  }
0x4: {  	_ = 	snop  }
0x5: {  	_ = 	snop  }
0x6: {  	_ = 	snop  }
0x7: {  	_ = 	snop  }
__scs_overlays_trampoline_lowered:
0x8: {  	[smem:$0x3FA9] =	sst s0  }
0x9: {  	[smem:$0x3FAA] =	sst s1  }
0xa: {  	[smem:$0x3FAB] =	sst s2  }
0xb: {  	[smem:$0x3FAC] =	sst s3  }
0xc: {  	[smem:$0x3FAD] =	sst s4  }
0xd: {  	[smem:$0x3FAE] =	sst s5  }
0xe: {  	[smem:$0x3FAF] =	sst s6  }
0xf: {  	[smem:$0x3FB0] =	sst s7  }
0x10: {  	[smem:$0x3FB1] =	sst s8  }
0x11: {  	[smem:$0x3FB2] =	sst s9;
	s0 =	simm.s32 @!p0 $0x0  }
0x12: {  	s1 =	sld [smem:$0x3F98];
	s0 =	simm.s32 @p0 $0x1  }
0x13: {  	[smem:$0x3FB3] =	sst s0;
	s0 =	simm.s32 @!p1 $0x0  }
0x14: {  	s2 =	sld [smem:$0x3F97];
	s0 =	simm.s32 @p1 $0x1  }
0x15: {  	[smem:$0x3FB4] =	sst s0;
	s0 =	simm.s32 @!p2 $0x0  }
0x16: {  	s3 =	sld [smem:$0x3FDB];
	s0 =	simm.s32 @p2 $0x1  }
0x17: {  	s4 =	simm.s32 $0x1BF5;
	[smem:$0x3FB6] =	sst s0  }
0x18: {  	s0 =	sld [smem:$0x3F99];
	_ =	swait.ge [sflag:s4], $0x0  }
0x19: {  	s7 =	sld [smem:$0x3F9A]  }
0x1a: {  	s8 =	sadd.s32 $0xFFFFE003, lr  }
0x1b: {  	s9 =	sadd.s32 $0xFFFFFEF7, lr;
	s5 =	simm.s32 $0xFFFFFFFF;
	p2 =	slt.u32 s8, $0xFFFFF086  }
0x1c: {  	p1 =	slt.u32 s9, $0xF7A;
	s5 =	simm.s32 @!p2 $0x0  }
0x1d: {  	s5 =	simm.s32 @p1 $0x1;
	p0 =	seq.s32 s7, s2  }
0x1e: {  	s7 =	smul.u32 @!p0 $0xF7A, s2;
	p2 =	seq.s32 @!p0 s5, $0x0  }
0x1f: {  	s9 =	smul.u32 $0xF7A, s1;
	s8 =	simm.s32 @!p0 $0x1BF5;
	p2 =	por !p2, p0  }
0x20: {  	[sflag:s8] =	ssyncset.s32 @!p0 $0xFFFFF086;
	s6 =	sadd.s32 @!p0 s3, s7;
	s7 =	simm.s32 @!p0 $0x108  }
0x21: {  	s3 =	sadd.s32 s3, s9;
	s6 =	sadd.s32 @!p0 $0x88, s6;
	s7 =	simm.s32 @p2 $0x1082  }
0x22: {  	[simem:s7], [sflag:s8] =	dma.local @!p0 [hbm:s6], $0xF7A  }
0x23: {  	s9 =	sor.u32 $0xD0000000, s2;
	s6 =	simm.s32 $0x108;
	_ =	swait.ge @!p0 [sflag:s8], $0x0  }
0x24: {  	s3 =	sadd.s32 $0x88, s3;
	s6 =	simm.s32 @!p1 $0x1082;
	[sflag:s4] =	ssyncset.s32 $0xFFFFF086  }
0x25: {  	[simem:s6], [sflag:s4] =	dma.local [hbm:s3], $0xF7A  }
0x26: {  	[smem:$0x3F9A] =	sst s1;
	(tag) =	ssettag s2;
	_ =	strace s9  }
0x27: {  	s1 =	sld [smem:$0x3FAA]  }
0x28: {  	s2 =	sld [smem:$0x3FAB]  }
0x29: {  	s4 =	sld [smem:$0x3FAD]  }
0x2a: {  	p0 =	seq.s32 s5, $0x0;
	s5 =	sld [smem:$0x3FAE]  }
0x2b: {  	s6 =	sld [smem:$0x3FAF]  }
0x2c: {  	s7 =	sld [smem:$0x3FB0]  }
0x2d: {  	s3 =	simm.s32 $0x108;
	s8 =	sld [smem:$0x3FB1]  }
0x2e: {  	s3 =	simm.s32 @!p0 $0x1082;
	s9 =	sld [smem:$0x3FB2]  }
0x2f: {  	lr =	sadd.s32 s0, s3;
	s0 =	sld [smem:$0x3FA9]  }
0x30: {  	s3 =	sld [smem:$0x3FAC]  }
0x31: {  	[smem:$0x3FB5] =	sst s10  }
0x32: {  	s10 =	sld [smem:$0x3FB3];
	_ =	sdelay $0x3  }
0x33: {  	p0 =	seq.s32 s10, $0x1;
	s10 =	sld [smem:$0x3FB5];
	_ =	sdelay $0x3  }
0x34: {  	[smem:$0x3FB5] =	sst s10  }
0x35: {  	s10 =	sld [smem:$0x3FB4];
	_ =	sdelay $0x3  }
0x36: {  	p1 =	seq.s32 s10, $0x1;
	s10 =	sld [smem:$0x3FB5];
	_ =	sdelay $0x3  }
0x37: {  	[smem:$0x3FB5] =	sst s10  }
0x38: {  	s10 =	sld [smem:$0x3FB6]  }
0x39: {  	_ = 	snop;
	(pc) =	sbr.ind lr, $3  }
0x3a: {  	_ = 	snop  }
0x3b: {  	_ = 	snop  }
0x3c: {  	p2 =	seq.s32 s10, $0x1;
	s10 =	sld [smem:$0x3FB5]  }
0x3d: {  	_ =	shalt  }
0x3e: {  	_ =	shalt  }
0x3f: {  	_ =	shalt  }
0x40: {  	_ =	shalt  }
0x41: {  	_ =	shalt  }
0x42: {  	_ =	shalt  }
0x43: {  	_ =	shalt  }
0x44: {  	_ =	shalt  }
0x45: {  	_ =	shalt  }
0x46: {  	_ =	shalt  }
0x47: {  	_ =	shalt  }
0x48: {  	_ =	shalt  }
0x49: {  	_ =	shalt  }
0x4a: {  	_ =	shalt  }
0x4b: {  	_ =	shalt  }
0x4c: {  	_ =	shalt  }
0x4d: {  	_ =	shalt  }
0x4e: {  	_ =	shalt  }
0x4f: {  	_ =	shalt  }
0x50: {  	_ =	shalt  }
0x51: {  	_ =	shalt  }
0x52: {  	_ =	shalt  }
0x53: {  	_ =	shalt  }
0x54: {  	_ =	shalt  }
0x55: {  	_ =	shalt  }
0x56: {  	_ =	shalt  }
0x57: {  	_ =	shalt  }
0x58: {  	_ =	shalt  }
0x59: {  	_ =	shalt  }
0x5a: {  	_ =	shalt  }
0x5b: {  	_ =	shalt  }
0x5c: {  	_ =	shalt  }
0x5d: {  	_ =	shalt  }
0x5e: {  	_ =	shalt  }
0x5f: {  	_ =	shalt  }
0x60: {  	_ =	shalt  }
0x61: {  	_ =	shalt  }
0x62: {  	_ =	shalt  }
0x63: {  	_ =	shalt  }
0x64: {  	_ =	shalt  }
0x65: {  	_ =	shalt  }
0x66: {  	_ =	shalt  }
0x67: {  	_ =	shalt  }
0x68: {  	_ =	shalt  }
0x69: {  	_ =	shalt  }
0x6a: {  	_ =	shalt  }
0x6b: {  	_ =	shalt  }
0x6c: {  	_ =	shalt  }
0x6d: {  	_ =	shalt  }
0x6e: {  	_ =	shalt  }
0x6f: {  	_ =	shalt  }
0x70: {  	_ =	shalt  }
0x71: {  	_ =	shalt  }
0x72: {  	_ =	shalt  }
0x73: {  	_ =	shalt  }
0x74: {  	_ =	shalt  }
0x75: {  	_ =	shalt  }
0x76: {  	_ =	shalt  }
0x77: {  	_ =	shalt  }
0x78: {  	_ =	shalt  }
0x79: {  	_ =	shalt  }
0x7a: {  	_ =	shalt  }
0x7b: {  	_ =	shalt  }
0x7c: {  	_ =	shalt  }
0x7d: {  	_ =	shalt  }
0x7e: {  	_ =	shalt  }
0x7f: {  	_ =	shalt  }
0x80: {  	_ =	shalt  }
0x81: {  	_ =	shalt  }
0x82: {  	_ =	shalt  }
0x83: {  	_ =	shalt  }
0x84: {  	_ =	shalt  }
0x85: {  	_ =	shalt  }
0x86: {  	_ =	shalt  }
0x87: {  	_ =	shalt  }
.Lfunc_end0:
.L_simem_size_0:
called_computation.6_lowered:
.L_overlay_start_0:
0x88: {  	s2 =	sld [smem:$0x3FD9]  }
0x89: {  	s3 =	sld [smem:$0x3FFE];
	_ =	sdelay $0x1  }
0x8a: {  	s1 =	srdreg.scid  }
0x8b: {  	s0 =	sand.u32 $0x1, s1  }
0x8c: {  	s17 =	sshll.u32 s0, $0xA;
	s2 =	sadd.s32 s3, s2  }
0x8d: {  	s2 =	sadd.s32 s2, s17  }
0x8e: {  	[smem:$0x3FC1] =	sst s2  }
0x8f: {  	_ = 	snop  }
0x90: {  	s2 =	sld [smem:$0x3FD0];
	(tm) =	ssettm $0x1  }
0x91: {  	s18 =	sld [smem:$0x3FFB];
	_ =	sdelay $0x3  }
0x92: {  	_ =	strace s18  }
0x93: {  	s3 =	sld [smem:$0x3FFC];
	_ =	sdelay $0x3  }
0x94: {  	_ =	strace s3  }
0x95: {  	s3 =	sld [smem:$0x3FFD];
	_ =	sdelay $0x3  }
0x96: {  	_ =	strace s3  }
0x97: {  	_ =	strace $0x8FFFFFFF  }
0x98: {  	s19 =	sld [smem:$0x3FDB];
	_ =	sdelay $0x1  }
0x99: {  	s4 =	simm.s32 $_scs_section_size  }
0x9a: {  	s5 =	simm.s32 $_size__tile_overlayer_lowered;
	s6 =	simm.s32 $_tile_overlayer_lowered  }
0x9b: {  	s22 =	simm.s32 $0x1BFF;
	s21 =	sshll.u32 s6, $0x1;
	s3 =	sadd.s32 s4, s19  }
0x9c: {  	s7 =	simm.s32 $0x0;
	s20 =	sshll.u32 s5, $0x1;
	s5 =	sadd.s32 s21, s3  }
0x9d: {  	[timem:s7], [sflag:s22] =	dma.local [hbm:s5], s20  }
0x9e: {  	_ =	swait.ge [sflag:s22], s20  }
0x9f: {  	s4 =	ssub.s32 $0x0, s20;
	[sflag:s22] =	ssyncset.done $0x0  }
0xa0: {  	[sflag:s22] =	ssyncadd.s32 s4;
	_ =	sdelay $0x1  }
0xa1: {  	s23 =	simm.s32 $0x1B8B  }
0xa2: {  	_ =	swait.ge [sflag:s23], $0x1  }
0xa3: {  	[sflag:s23] =	ssyncset.done $0x0  }
0xa4: {  	s25 =	simm.s32 $0x1B8E;
	s24 =	sld [smem:$0x3FFE];
	[sflag:s23] =	ssyncadd.s32 $0xFFFFFFFF  }
0xa5: {  	s26 =	simm.s32 $execute0_lowered;
	[smem:$0x3FD2] =	sst s25  }
0xa6: {  	s5 =	sshll.u32 s26, $0x1;
	_ =	strace $0x80000058;
	[dreg:$0x1] =	wrdreg $0xFFFFFFFF  }
0xa7: {  	s28 =	simm.s32 $_size_execute0_lowered;
	s3 =	sadd.s32 s3, s5;
	[dreg:$0x0] =	wrdreg $0x0  }
0xa8: {  	s5 =	sshll.u32 s28, $0x1;
	[dreg:$0x2] =	wrdreg s3  }
0xa9: {  	[dreg:$0x3] =	wrdreg s5  }
0xaa: {  	[dreg:$0x4] =	wrdreg $0xC0  }
0xab: {  	_ =	task [dreg:s7], $0x5FFFF  }
0xac: {  	[dreg:$0x1] =	wrdreg $0xFFFFFFFF  }
0xad: {  	[dreg:$0x0] =	wrdreg $0x60  }
0xae: {  	[dreg:$0x2] =	wrdreg s2  }
0xaf: {  	[dreg:$0x3] =	wrdreg s24  }
0xb0: {  	[dreg:$0x4] =	wrdreg $0x0  }
0xb1: {  	[dreg:$0x5] =	wrdreg $0x9  }
0xb2: {  	_ =	task.clear_ibuf [dreg:s7], $0x6FFFF;
	_ =	strace $0x90000058  }
0xb3: {  	s29 =	simm.s32 $0x9;
	_ =	strace $0x8000005A  }
0xb4: {  	_ =	swait.ge [sflag:s29], $0x1  }
0xb5: {  	[sflag:s29] =	ssyncadd.s32 $0xFFFFFFFF  }
0xb6: {  	_ =	strace $0x9000005A  }
0xb7: {  	_ =	sfence  }
0xb8: {  	s30 =	sld [smem:$0x0];
	_ =	sdelay $0x2  }
0xb9: {  	s31 =	sshll.u32 s1, $0xD;
	s1 =	sshrl.u32 s1, $0x2  }
0xba: {  	s3 =	sand.u32 $0x4000, s31;
	s1 =	sadd.s32 s1, s30  }
0xbb: {  	s0 =	sor.u32 s3, s0;
	s1 =	sshll.u32 s1, $0x11  }
0xbc: {  	s0 =	sor.u32 s1, s0  }
0xbd: {  	s0 =	sadd.s32 $0x8F2B, s0  }
0xbe: {  	[sflag:s0] =	ssyncadd.remote.s32 $0x1  }
0xbf: {  	_ =	sfence.sel $0xFFFF  }
0xc0: {  	[dreg:$0x0] =	wrdreg $0xFFFFFFFF;
	(pc) =	sbr.abs _section_cstart, $3  }
0xc1: {  	[dreg:$0x1] =	wrdreg $0xFFFFFFFF  }
0xc2: {  	_ =	task.clear_ibuf [dreg:s7], $0x2FFFF;
	_ =	strace $0x9FFFFFFF  }
0xc3: {  	(tm) =	ssettm $0x7FFFFFFF  }
tec
execute0_lowered:
.L_overlay_start_1:
0x0: {  	(tag) =	ssettag $0x1  }
0x1: {  	s1 =	rddreg [dreg:$0x0]  }
0x2: {  	s8 =	rddreg [dreg:$0x1]  }
0x3: {  	s3 =	rddreg [dreg:$0x2]  }
0x4: {  	s0 =	rddreg [dreg:$0x3];
	s4 =	simm.s32 $0x0;
	s2 =	stileid.u32  }
0x5: {  	s5 =	srdreg.scid;
	s15 =	simm.s32 $0x1DA00;
	s16 =	simm.s32 $0x2  }
0x6: {  	s17 =	simm.s32 $0x80;
	s18 =	simm.s32 $0x1DB00;
	s19 =	simm.s32 $0x1DA80  }
0x7: {  	s20 =	simm.s32 $0x0;
	[smem:$0x7FF] =	sst s4;
	s6 =	smul.u32 $0x13C0, s2  }
0x8: {  	s9 =	sand.u32 $0x1, s5;
	s5 =	sadd.s32 $0x1E600, s8;
	s13 =	smul.u32 $0x1DA00, s2  }
0x9: {  	s7 =	sadd.s32 $0x32200, s8;
	s31 =	sshll.u32 s2, $0x6;
	_ =	strace $0x80000059  }
.Ltmp0:
0xa: {  	s10 =	ssub.s32 $0x2, s9;
	p0 =	seq.s32 s9, $0x1;
	(pc) =	sbr.rel .LBB2_1-.Ltmp0, $4  }
0xb: {  	s12 =	sadd.s32 s6, s8;
	s6 =	sadd.s32 $0x1AA00, s8;
	s11 =	sshrl.u32 s10, $0x1  }
0xc: {  	s8 =	sadd.s32 $0x6D600, s8;
	s14 =	sadd.s32 s13, s3;
	s9 =	sshrl.u32 s13, $0x3  }
0xd: {  	s10 =	ssub.s32 s10, s11;
	s11 =	sor.u32 $0x1C01, s31;
	s12 =	sadd.s32 $0x6E00, s12  }
0xe: {  	s13 =	sshrl.u32 s14, $0x3;
	s14 =	simm.s32 $0x1;
	s10 =	smax.u32 s10, $0x1  }
.LBB2_7:
0xf: {  	s21 =	sadd.s32 s21, s12;
	[sflag:s16] =	ssyncadd.s32 $0xFFFFE000  }
0x10: {  	[tilespmem:s15], [sflag:$0x2] =	stream.linear.gather [hbm4b:s21+s4], $0x100, $0x38;
	[tilespmem:$0x1FB00] =	vst v63  }
0x11: {  	_ =	swait.ge [sflag:s16], $0x100  }
0x12: {  	[sflag:s16] =	ssyncset.done $0x0  }
0x13: {  	[sflag:s16] =	ssyncadd.s32 $0xFFFFFF00  }
0x14: {  	[tilespmem:s18], [sflag:$0x1] =	stream.indirect.gather [hbm4b:s5+s17], $0x40, s15, s17, $0xb8;
	[tilespmem:$0x1FB00] =	vst v63  }
0x15: {  	_ =	swait.ge [sflag:s14], $0x2000  }
0x16: {  	[sflag:s14] =	ssyncset.done $0x0  }
0x17: {  	[sflag:s14] =	ssyncadd.s32 $0xFFFFE000  }
0x18: {  	[spmem:s3] =	stream.indirect.scatter.add.f32 [tilespmem:s18], [sflag:$0x2], $0x40, s19, s17, $0xb8;
	[tilespmem:$0x1FB00] =	vst v63  }
0x19: {  	_ =	swait.ge [sflag:s16], $0x2000  }
0x1a: {  	[sflag:s16] =	ssyncset.done $0x0  }
0x1b: {  	s21 =	smov.u32 s8;
	[sflag:s16] =	ssyncadd.s32 $0xFFFFE000  }
.LBB2_8:
0x1c: {  	s20 =	sadd.s32 $0x1, s20  }
0x1d: {  	p1 =	sne.s32 s20, s10  }
.Ltmp1:
0x1e: {  	s21 =	sadd.s32 s21, s9;
	[bflag:$0x0] =	sbarrier.arrive $0xFFFF;
	(pc) =	sbr.rel @!p1 .LBB2_9-.Ltmp1, $4  }
0x1f: {  	[hbm:s21], [sflag:s11] =	dma.local [spmem:s13], $0x3B40  }
0x20: {  	_ =	swait.ge [sflag:s14], $0x3B40  }
0x21: {  	[sflag:s14] =	ssyncset.done $0x0  }
0x22: {  	[sflag:s14] =	ssyncadd.s32 $0xFFFFC4C0  }
.LBB2_1:
0x23: {  	[spmem:s13], [sflag:s11] =	dma.local [hbm:s6], $0x3B40  }
.Ltmp2:
0x24: {  	_ =	swait.ge [sflag:s14], $0x3B40;
	(pc) =	sbr.rel @!p0 .LBB2_2-.Ltmp2, $4  }
0x25: {  	[sflag:s14] =	ssyncset.done $0x0  }
0x26: {  	[sflag:s14] =	ssyncadd.s32 $0xFFFFC4C0  }
0x27: {  	[bflag:$0x0] =	sbarrier.arrive $0xFFFF  }
0x28: {  	s21 =	sadd.s32 $0x0, s12  }
0x29: {  	[tilespmem:s15], [sflag:$0x2] =	stream.linear.gather [hbm4b:s21+s4], $0x100, $0x38;
	[tilespmem:$0x1FB00] =	vst v63  }
0x2a: {  	_ =	swait.ge [sflag:s16], $0x100  }
0x2b: {  	[sflag:s16] =	ssyncset.done $0x0  }
0x2c: {  	[sflag:s16] =	ssyncadd.s32 $0xFFFFFF00  }
0x2d: {  	[tilespmem:s18], [sflag:$0x1] =	stream.indirect.gather [hbm4b:s5+s17], $0x40, s15, s17, $0xb8;
	[tilespmem:$0x1FB00] =	vst v63  }
0x2e: {  	_ =	swait.ge [sflag:s14], $0x2000  }
0x2f: {  	[sflag:s14] =	ssyncset.done $0x0  }
0x30: {  	[sflag:s14] =	ssyncadd.s32 $0xFFFFE000  }
0x31: {  	[spmem:s3] =	stream.indirect.scatter.add.f32 [tilespmem:s18], [sflag:$0x2], $0x40, s19, s17, $0xb8;
	[tilespmem:$0x1FB00] =	vst v63  }
0x32: {  	_ =	swait.ge [sflag:s16], $0x2000  }
0x33: {  	s21 =	simm.s32 $0x20;
	s22 =	simm.s32 $0x40;
	[sflag:s16] =	ssyncset.done $0x0  }
.LBB2_6:
0x34: {  	s23 =	sadd.s32 s21, s12  }
0x35: {  	[sflag:s16] =	ssyncadd.s32 $0xFFFFE000;
	s21 =	smov.u32 s22;
	s24 =	sadd.s32 $0x20, s22  }
0x36: {  	[tilespmem:s15], [sflag:$0x2] =	stream.linear.gather [hbm4b:s23+s4], $0x100, $0x38;
	[tilespmem:$0x1FB00] =	vst v63  }
0x37: {  	p1 =	sne.s32 s22, $0x13A0;
	_ =	swait.ge [sflag:s16], $0x100  }
0x38: {  	[sflag:s16] =	ssyncset.done $0x0  }
0x39: {  	[sflag:s16] =	ssyncadd.s32 $0xFFFFFF00  }
0x3a: {  	[tilespmem:s18], [sflag:$0x1] =	stream.indirect.gather [hbm4b:s5+s17], $0x40, s15, s17, $0xb8;
	[tilespmem:$0x1FB00] =	vst v63  }
0x3b: {  	_ =	swait.ge [sflag:s14], $0x2000  }
.Ltmp3:
0x3c: {  	[sflag:s14] =	ssyncset.done $0x0;
	(pc) =	sbr.rel @p1 .LBB2_6-.Ltmp3, $4  }
0x3d: {  	[sflag:s14] =	ssyncadd.s32 $0xFFFFE000  }
0x3e: {  	[spmem:s3] =	stream.indirect.scatter.add.f32 [tilespmem:s18], [sflag:$0x2], $0x40, s19, s17, $0xb8;
	[tilespmem:$0x1FB00] =	vst v63  }
0x3f: {  	_ =	swait.ge [sflag:s16], $0x2000  }
0x40: {  	s22 =	smov.u32 s24;
	[sflag:s16] =	ssyncset.done $0x0  }
.Ltmp4:
0x41: {  	_ = 	snop;
	(pc) =	sbr.rel .LBB2_7-.Ltmp4, $1  }
0x42: {  	_ =	sdelay $0x3  }
.LBB2_2:
0x43: {  	[tilespmem:s15], [sflag:$0x2] =	stream.linear.gather [hbm4b:s21+s4], $0x100, $0x38;
	[tilespmem:$0x1FB00] =	vst v63  }
0x44: {  	_ =	swait.ge [sflag:s16], $0x100  }
0x45: {  	[sflag:s16] =	ssyncset.done $0x0  }
0x46: {  	[sflag:s16] =	ssyncadd.s32 $0xFFFFFF00  }
0x47: {  	[tilespmem:s18], [sflag:$0x1] =	stream.indirect.gather [hbm4b:s1+s17], $0x40, s15, s17, $0xb8;
	[tilespmem:$0x1FB00] =	vst v63  }
0x48: {  	_ =	swait.ge [sflag:s14], $0x2000  }
0x49: {  	[sflag:s14] =	ssyncset.done $0x0  }
0x4a: {  	[sflag:s14] =	ssyncadd.s32 $0xFFFFE000  }
0x4b: {  	[spmem:s3] =	stream.indirect.scatter.add.f32 [tilespmem:s18], [sflag:$0x2], $0x40, s19, s17, $0xb8;
	[tilespmem:$0x1FB00] =	vst v63  }
0x4c: {  	_ =	swait.ge [sflag:s16], $0x2000  }
0x4d: {  	s21 =	simm.s32 $0x20;
	s22 =	simm.s32 $0x40;
	[sflag:s16] =	ssyncset.done $0x0  }
.LBB2_3:
0x4e: {  	s23 =	sadd.s32 s21, s12  }
0x4f: {  	[sflag:s16] =	ssyncadd.s32 $0xFFFFE000;
	s21 =	smov.u32 s22;
	s24 =	sadd.s32 $0x20, s22  }
0x50: {  	[tilespmem:s15], [sflag:$0x2] =	stream.linear.gather [hbm4b:s23+s4], $0x100, $0x38;
	[tilespmem:$0x1FB00] =	vst v63  }
0x51: {  	p1 =	seq.s32 s22, $0x13A0;
	_ =	swait.ge [sflag:s16], $0x100  }
0x52: {  	[sflag:s16] =	ssyncset.done $0x0  }
0x53: {  	[sflag:s16] =	ssyncadd.s32 $0xFFFFFF00  }
0x54: {  	[tilespmem:s18], [sflag:$0x1] =	stream.indirect.gather [hbm4b:s1+s17], $0x40, s15, s17, $0xb8;
	[tilespmem:$0x1FB00] =	vst v63  }
0x55: {  	_ =	swait.ge [sflag:s14], $0x2000  }
.Ltmp5:
0x56: {  	[sflag:s14] =	ssyncset.done $0x0;
	(pc) =	sbr.rel @!p1 .LBB2_3-.Ltmp5, $4  }
0x57: {  	[sflag:s14] =	ssyncadd.s32 $0xFFFFE000  }
0x58: {  	[spmem:s3] =	stream.indirect.scatter.add.f32 [tilespmem:s18], [sflag:$0x2], $0x40, s19, s17, $0xb8;
	[tilespmem:$0x1FB00] =	vst v63  }
0x59: {  	_ =	swait.ge [sflag:s16], $0x2000  }
0x5a: {  	s22 =	smov.u32 s24;
	[sflag:s16] =	ssyncset.done $0x0  }
0x5b: {  	s21 =	sadd.s32 s21, s12;
	[sflag:s16] =	ssyncadd.s32 $0xFFFFE000  }
0x5c: {  	[tilespmem:s15], [sflag:$0x2] =	stream.linear.gather [hbm4b:s21+s4], $0x100, $0x38;
	[tilespmem:$0x1FB00] =	vst v63  }
0x5d: {  	_ =	swait.ge [sflag:s16], $0x100  }
0x5e: {  	[sflag:s16] =	ssyncset.done $0x0  }
0x5f: {  	[sflag:s16] =	ssyncadd.s32 $0xFFFFFF00  }
0x60: {  	[tilespmem:s18], [sflag:$0x1] =	stream.indirect.gather [hbm4b:s1+s17], $0x40, s15, s17, $0xb8;
	[tilespmem:$0x1FB00] =	vst v63  }
0x61: {  	_ =	swait.ge [sflag:s14], $0x2000  }
0x62: {  	[sflag:s14] =	ssyncset.done $0x0  }
.Ltmp6:
0x63: {  	[sflag:s14] =	ssyncadd.s32 $0xFFFFE000;
	(pc) =	sbr.rel .LBB2_8-.Ltmp6, $4  }
0x64: {  	[spmem:s3] =	stream.indirect.scatter.add.f32 [tilespmem:s18], [sflag:$0x2], $0x40, s19, s17, $0xb8;
	[tilespmem:$0x1FB00] =	vst v63  }
0x65: {  	_ =	swait.ge [sflag:s16], $0x2000  }
0x66: {  	[sflag:s16] =	ssyncset.done $0x0  }
0x67: {  	s21 =	smov.u32 s7;
	[sflag:s16] =	ssyncadd.s32 $0xFFFFE000  }
.LBB2_9:
0x68: {  	_ =	sfence.sel $0x180000  }
0x69: {  	[bflag:$0x0] =	sbarrier.arrive $0xFFFF  }
0x6a: {  	p0 =	sne.s32 s2, $0x0;
	_ =	strace $0x90000059  }
0x6b: {  	s0 =	sadd.s32 @!p0 $0x100000, s0;
	[bflag:$0x2] =	sbarrier.arrive $0xFFFF  }
0x6c: {  	[sflag:s0] =	ssyncadd.tile.s32 @!p0 $0x1;
	_ =	shalt  }
.Lfunc_end2:
_tile_overlayer_lowered:
.L_overlay_start_2:
0x6d: {  	(tag) =	ssettag $0x2  }
0x6e: {  	s0 =	rddreg [dreg:$0x0];
	s2 =	stileid.u32  }
0x6f: {  	s1 =	rddreg [dreg:$0x1];
	p0 =	sne.s32 s2, $0x0  }
0x70: {  	s3 =	rddreg [dreg:$0x2];
	[bflag:$0x3] =	sbarrier.arrive $0xFFFF;
	s2 =	simm.s32 @!p0 $0x1C01  }
0x71: {  	[timem:s3], [sflag:s2] =	dma.local @!p0 [hbm:s0], s1  }
0x72: {  	s0 =	simm.s32 @!p0 $0x1  }
0x73: {  	_ =	swait.ge @!p0 [sflag:s0], s1  }
0x74: {  	s1 =	ssub.s32 @!p0 $0x0, s1;
	[sflag:s0] =	ssyncset.done @!p0 $0x0  }
0x75: {  	[sflag:s0] =	ssyncadd.s32 @!p0 s1  }
0x76: {  	[bflag:$0x3] =	sbarrier.arrive $0xFFFF  }
0x77: {  	_ =	shalt  }

// kernel: kernel.23.cloned.1.call-start
scs
__scs_entry_jumppad:
0x0: {  	(pc) =	sbr.rel $0x88, $3  }
0x1: {  	(tag) =	ssettag $0x0;
	lr =	simm.s32 $0x1  }
0x2: {  	[smem:$0x3F9A] =	sst lr;
	_ =	strace $0xD0000000  }
0x3: {  	_ = 	snop  }
0x4: {  	_ = 	snop  }
0x5: {  	_ = 	snop  }
0x6: {  	_ = 	snop  }
0x7: {  	_ = 	snop  }
__scs_overlays_trampoline_lowered:
0x8: {  	[smem:$0x3FA9] =	sst s0  }
0x9: {  	[smem:$0x3FAA] =	sst s1  }
0xa: {  	[smem:$0x3FAB] =	sst s2  }
0xb: {  	[smem:$0x3FAC] =	sst s3  }
0xc: {  	[smem:$0x3FAD] =	sst s4  }
0xd: {  	[smem:$0x3FAE] =	sst s5  }
0xe: {  	[smem:$0x3FAF] =	sst s6  }
0xf: {  	[smem:$0x3FB0] =	sst s7  }
0x10: {  	[smem:$0x3FB1] =	sst s8  }
0x11: {  	[smem:$0x3FB2] =	sst s9;
	s0 =	simm.s32 @!p0 $0x0  }
0x12: {  	s1 =	sld [smem:$0x3F98];
	s0 =	simm.s32 @p0 $0x1  }
0x13: {  	[smem:$0x3FB3] =	sst s0;
	s0 =	simm.s32 @!p1 $0x0  }
0x14: {  	s2 =	sld [smem:$0x3F97];
	s0 =	simm.s32 @p1 $0x1  }
0x15: {  	[smem:$0x3FB4] =	sst s0;
	s0 =	simm.s32 @!p2 $0x0  }
0x16: {  	s3 =	sld [smem:$0x3FDB];
	s0 =	simm.s32 @p2 $0x1  }
0x17: {  	s4 =	simm.s32 $0x1BF5;
	[smem:$0x3FB6] =	sst s0  }
0x18: {  	s0 =	sld [smem:$0x3F99];
	_ =	swait.ge [sflag:s4], $0x0  }
0x19: {  	s7 =	sld [smem:$0x3F9A]  }
0x1a: {  	s8 =	sadd.s32 $0xFFFFE003, lr  }
0x1b: {  	s9 =	sadd.s32 $0xFFFFFEF7, lr;
	s5 =	simm.s32 $0xFFFFFFFF;
	p2 =	slt.u32 s8, $0xFFFFF086  }
0x1c: {  	p1 =	slt.u32 s9, $0xF7A;
	s5 =	simm.s32 @!p2 $0x0  }
0x1d: {  	s5 =	simm.s32 @p1 $0x1;
	p0 =	seq.s32 s7, s2  }
0x1e: {  	s7 =	smul.u32 @!p0 $0xF7A, s2;
	p2 =	seq.s32 @!p0 s5, $0x0  }
0x1f: {  	s9 =	smul.u32 $0xF7A, s1;
	s8 =	simm.s32 @!p0 $0x1BF5;
	p2 =	por !p2, p0  }
0x20: {  	[sflag:s8] =	ssyncset.s32 @!p0 $0xFFFFF086;
	s6 =	sadd.s32 @!p0 s3, s7;
	s7 =	simm.s32 @!p0 $0x108  }
0x21: {  	s3 =	sadd.s32 s3, s9;
	s6 =	sadd.s32 @!p0 $0x88, s6;
	s7 =	simm.s32 @p2 $0x1082  }
0x22: {  	[simem:s7], [sflag:s8] =	dma.local @!p0 [hbm:s6], $0xF7A  }
0x23: {  	s9 =	sor.u32 $0xD0000000, s2;
	s6 =	simm.s32 $0x108;
	_ =	swait.ge @!p0 [sflag:s8], $0x0  }
0x24: {  	s3 =	sadd.s32 $0x88, s3;
	s6 =	simm.s32 @!p1 $0x1082;
	[sflag:s4] =	ssyncset.s32 $0xFFFFF086  }
0x25: {  	[simem:s6], [sflag:s4] =	dma.local [hbm:s3], $0xF7A  }
0x26: {  	[smem:$0x3F9A] =	sst s1;
	(tag) =	ssettag s2;
	_ =	strace s9  }
0x27: {  	s1 =	sld [smem:$0x3FAA]  }
0x28: {  	s2 =	sld [smem:$0x3FAB]  }
0x29: {  	s4 =	sld [smem:$0x3FAD]  }
0x2a: {  	p0 =	seq.s32 s5, $0x0;
	s5 =	sld [smem:$0x3FAE]  }
0x2b: {  	s6 =	sld [smem:$0x3FAF]  }
0x2c: {  	s7 =	sld [smem:$0x3FB0]  }
0x2d: {  	s3 =	simm.s32 $0x108;
	s8 =	sld [smem:$0x3FB1]  }
0x2e: {  	s3 =	simm.s32 @!p0 $0x1082;
	s9 =	sld [smem:$0x3FB2]  }
0x2f: {  	lr =	sadd.s32 s0, s3;
	s0 =	sld [smem:$0x3FA9]  }
0x30: {  	s3 =	sld [smem:$0x3FAC]  }
0x31: {  	[smem:$0x3FB5] =	sst s10  }
0x32: {  	s10 =	sld [smem:$0x3FB3];
	_ =	sdelay $0x3  }
0x33: {  	p0 =	seq.s32 s10, $0x1;
	s10 =	sld [smem:$0x3FB5];
	_ =	sdelay $0x3  }
0x34: {  	[smem:$0x3FB5] =	sst s10  }
0x35: {  	s10 =	sld [smem:$0x3FB4];
	_ =	sdelay $0x3  }
0x36: {  	p1 =	seq.s32 s10, $0x1;
	s10 =	sld [smem:$0x3FB5];
	_ =	sdelay $0x3  }
0x37: {  	[smem:$0x3FB5] =	sst s10  }
0x38: {  	s10 =	sld [smem:$0x3FB6]  }
0x39: {  	_ = 	snop;
	(pc) =	sbr.ind lr, $3  }
0x3a: {  	_ = 	snop  }
0x3b: {  	_ = 	snop  }
0x3c: {  	p2 =	seq.s32 s10, $0x1;
	s10 =	sld [smem:$0x3FB5]  }
0x3d: {  	_ =	shalt  }
0x3e: {  	_ =	shalt  }
0x3f: {  	_ =	shalt  }
0x40: {  	_ =	shalt  }
0x41: {  	_ =	shalt  }
0x42: {  	_ =	shalt  }
0x43: {  	_ =	shalt  }
0x44: {  	_ =	shalt  }
0x45: {  	_ =	shalt  }
0x46: {  	_ =	shalt  }
0x47: {  	_ =	shalt  }
0x48: {  	_ =	shalt  }
0x49: {  	_ =	shalt  }
0x4a: {  	_ =	shalt  }
0x4b: {  	_ =	shalt  }
0x4c: {  	_ =	shalt  }
0x4d: {  	_ =	shalt  }
0x4e: {  	_ =	shalt  }
0x4f: {  	_ =	shalt  }
0x50: {  	_ =	shalt  }
0x51: {  	_ =	shalt  }
0x52: {  	_ =	shalt  }
0x53: {  	_ =	shalt  }
0x54: {  	_ =	shalt  }
0x55: {  	_ =	shalt  }
0x56: {  	_ =	shalt  }
0x57: {  	_ =	shalt  }
0x58: {  	_ =	shalt  }
0x59: {  	_ =	shalt  }
0x5a: {  	_ =	shalt  }
0x5b: {  	_ =	shalt  }
0x5c: {  	_ =	shalt  }
0x5d: {  	_ =	shalt  }
0x5e: {  	_ =	shalt  }
0x5f: {  	_ =	shalt  }
0x60: {  	_ =	shalt  }
0x61: {  	_ =	shalt  }
0x62: {  	_ =	shalt  }
0x63: {  	_ =	shalt  }
0x64: {  	_ =	shalt  }
0x65: {  	_ =	shalt  }
0x66: {  	_ =	shalt  }
0x67: {  	_ =	shalt  }
0x68: {  	_ =	shalt  }
0x69: {  	_ =	shalt  }
0x6a: {  	_ =	shalt  }
0x6b: {  	_ =	shalt  }
0x6c: {  	_ =	shalt  }
0x6d: {  	_ =	shalt  }
0x6e: {  	_ =	shalt  }
0x6f: {  	_ =	shalt  }
0x70: {  	_ =	shalt  }
0x71: {  	_ =	shalt  }
0x72: {  	_ =	shalt  }
0x73: {  	_ =	shalt  }
0x74: {  	_ =	shalt  }
0x75: {  	_ =	shalt  }
0x76: {  	_ =	shalt  }
0x77: {  	_ =	shalt  }
0x78: {  	_ =	shalt  }
0x79: {  	_ =	shalt  }
0x7a: {  	_ =	shalt  }
0x7b: {  	_ =	shalt  }
0x7c: {  	_ =	shalt  }
0x7d: {  	_ =	shalt  }
0x7e: {  	_ =	shalt  }
0x7f: {  	_ =	shalt  }
0x80: {  	_ =	shalt  }
0x81: {  	_ =	shalt  }
0x82: {  	_ =	shalt  }
0x83: {  	_ =	shalt  }
0x84: {  	_ =	shalt  }
0x85: {  	_ =	shalt  }
0x86: {  	_ =	shalt  }
0x87: {  	_ =	shalt  }
.Lfunc_end0:
.L_simem_size_0:
called_computation.7_lowered:
.L_overlay_start_0:
0x88: {  	s2 =	sld [smem:$0x3FD9]  }
0x89: {  	s3 =	sld [smem:$0x3FFE];
	_ =	sdelay $0x1  }
0x8a: {  	s1 =	srdreg.scid  }
0x8b: {  	s0 =	sand.u32 $0x1, s1  }
0x8c: {  	s17 =	sshll.u32 s0, $0xA;
	s2 =	sadd.s32 s3, s2  }
0x8d: {  	s2 =	sadd.s32 s2, s17  }
0x8e: {  	[smem:$0x3FC1] =	sst s2  }
0x8f: {  	_ = 	snop  }
0x90: {  	s2 =	sld [smem:$0x3FD0];
	(tm) =	ssettm $0x1  }
0x91: {  	s18 =	sld [smem:$0x3FFB];
	_ =	sdelay $0x3  }
0x92: {  	_ =	strace s18  }
0x93: {  	s3 =	sld [smem:$0x3FFC];
	_ =	sdelay $0x3  }
0x94: {  	_ =	strace s3  }
0x95: {  	s3 =	sld [smem:$0x3FFD];
	_ =	sdelay $0x3  }
0x96: {  	_ =	strace s3  }
0x97: {  	_ =	strace $0x8FFFFFFF  }
0x98: {  	s19 =	sld [smem:$0x3FDB];
	_ =	sdelay $0x1  }
0x99: {  	s4 =	simm.s32 $_scs_section_size  }
0x9a: {  	s5 =	simm.s32 $_size__tile_overlayer_lowered;
	s6 =	simm.s32 $_tile_overlayer_lowered  }
0x9b: {  	s22 =	simm.s32 $0x1BFF;
	s21 =	sshll.u32 s6, $0x1;
	s3 =	sadd.s32 s4, s19  }
0x9c: {  	s7 =	simm.s32 $0x0;
	s20 =	sshll.u32 s5, $0x1;
	s5 =	sadd.s32 s21, s3  }
0x9d: {  	[timem:s7], [sflag:s22] =	dma.local [hbm:s5], s20  }
0x9e: {  	_ =	swait.ge [sflag:s22], s20  }
0x9f: {  	s4 =	ssub.s32 $0x0, s20;
	[sflag:s22] =	ssyncset.done $0x0  }
0xa0: {  	[sflag:s22] =	ssyncadd.s32 s4;
	_ =	sdelay $0x1  }
0xa1: {  	s23 =	simm.s32 $0x1B8B  }
0xa2: {  	_ =	swait.ge [sflag:s23], $0x1  }
0xa3: {  	[sflag:s23] =	ssyncset.done $0x0  }
0xa4: {  	s25 =	simm.s32 $0x1B8E;
	s24 =	sld [smem:$0x3FFE];
	[sflag:s23] =	ssyncadd.s32 $0xFFFFFFFF  }
0xa5: {  	s26 =	simm.s32 $execute0_lowered;
	[smem:$0x3FD2] =	sst s25  }
0xa6: {  	s5 =	sshll.u32 s26, $0x1;
	_ =	strace $0x8000005B;
	[dreg:$0x1] =	wrdreg $0xFFFFFFFF  }
0xa7: {  	s28 =	simm.s32 $_size_execute0_lowered;
	s3 =	sadd.s32 s3, s5;
	[dreg:$0x0] =	wrdreg $0x0  }
0xa8: {  	s5 =	sshll.u32 s28, $0x1;
	[dreg:$0x2] =	wrdreg s3  }
0xa9: {  	[dreg:$0x3] =	wrdreg s5  }
0xaa: {  	[dreg:$0x4] =	wrdreg $0xC0  }
0xab: {  	_ =	task [dreg:s7], $0x5FFFF  }
0xac: {  	[dreg:$0x1] =	wrdreg $0xFFFFFFFF  }
0xad: {  	[dreg:$0x0] =	wrdreg $0x60  }
0xae: {  	[dreg:$0x2] =	wrdreg s2  }
0xaf: {  	[dreg:$0x3] =	wrdreg s24  }
0xb0: {  	[dreg:$0x4] =	wrdreg $0x0  }
0xb1: {  	[dreg:$0x5] =	wrdreg $0x9  }
0xb2: {  	_ =	task.clear_ibuf [dreg:s7], $0x6FFFF;
	_ =	strace $0x9000005B  }
0xb3: {  	s29 =	simm.s32 $0x9;
	_ =	strace $0x8000005D  }
0xb4: {  	_ =	swait.ge [sflag:s29], $0x1  }
0xb5: {  	[sflag:s29] =	ssyncadd.s32 $0xFFFFFFFF  }
0xb6: {  	_ =	strace $0x9000005D  }
0xb7: {  	_ =	sfence  }
0xb8: {  	s30 =	sld [smem:$0x0];
	_ =	sdelay $0x2  }
0xb9: {  	s31 =	sshll.u32 s1, $0xD;
	s1 =	sshrl.u32 s1, $0x2  }
0xba: {  	s3 =	sand.u32 $0x4000, s31;
	s1 =	sadd.s32 s1, s30  }
0xbb: {  	s0 =	sor.u32 s3, s0;
	s1 =	sshll.u32 s1, $0x11  }
0xbc: {  	s0 =	sor.u32 s1, s0  }
0xbd: {  	s0 =	sadd.s32 $0x8F2B, s0  }
0xbe: {  	[sflag:s0] =	ssyncadd.remote.s32 $0x1  }
0xbf: {  	_ =	sfence.sel $0xFFFF  }
0xc0: {  	[dreg:$0x0] =	wrdreg $0xFFFFFFFF;
	(pc) =	sbr.abs _section_cstart, $3  }
0xc1: {  	[dreg:$0x1] =	wrdreg $0xFFFFFFFF  }
0xc2: {  	_ =	task.clear_ibuf [dreg:s7], $0x2FFFF;
	_ =	strace $0x9FFFFFFF  }
0xc3: {  	(tm) =	ssettm $0x7FFFFFFF  }
tec
execute0_lowered:
.L_overlay_start_1:
0x0: {  	(tag) =	ssettag $0x1  }
0x1: {  	s1 =	rddreg [dreg:$0x0]  }
0x2: {  	s8 =	rddreg [dreg:$0x1]  }
0x3: {  	s3 =	rddreg [dreg:$0x2]  }
0x4: {  	s0 =	rddreg [dreg:$0x3];
	s4 =	simm.s32 $0x0;
	s2 =	stileid.u32  }
0x5: {  	s5 =	srdreg.scid;
	s15 =	simm.s32 $0x1DA00;
	s16 =	simm.s32 $0x2  }
0x6: {  	s17 =	simm.s32 $0x80;
	s18 =	simm.s32 $0x1DB00;
	s19 =	simm.s32 $0x1DA80  }
0x7: {  	s20 =	simm.s32 $0x0;
	[smem:$0x7FF] =	sst s4;
	s6 =	smul.u32 $0x13C0, s2  }
0x8: {  	s9 =	sand.u32 $0x1, s5;
	s5 =	sadd.s32 $0x45E00, s8;
	s13 =	smul.u32 $0x1DA00, s2  }
0x9: {  	s7 =	sadd.s32 $0x81200, s8;
	s31 =	sshll.u32 s2, $0x6;
	_ =	strace $0x8000005C  }
.Ltmp0:
0xa: {  	s10 =	ssub.s32 $0x2, s9;
	p0 =	seq.s32 s9, $0x1;
	(pc) =	sbr.rel .LBB2_1-.Ltmp0, $4  }
0xb: {  	s12 =	sadd.s32 s6, s8;
	s6 =	sadd.s32 $0x1AA00, s8;
	s11 =	sshrl.u32 s10, $0x1  }
0xc: {  	s8 =	sadd.s32 $0xBC600, s8;
	s14 =	sadd.s32 s13, s3;
	s9 =	sshrl.u32 s13, $0x3  }
0xd: {  	s10 =	ssub.s32 s10, s11;
	s11 =	sor.u32 $0x1C01, s31;
	s12 =	sadd.s32 $0x6E00, s12  }
0xe: {  	s13 =	sshrl.u32 s14, $0x3;
	s14 =	simm.s32 $0x1;
	s10 =	smax.u32 s10, $0x1  }
.LBB2_7:
0xf: {  	s21 =	sadd.s32 s21, s12;
	[sflag:s16] =	ssyncadd.s32 $0xFFFFE000  }
0x10: {  	[tilespmem:s15], [sflag:$0x2] =	stream.linear.gather [hbm4b:s21+s4], $0x100, $0x38;
	[tilespmem:$0x1FB00] =	vst v63  }
0x11: {  	_ =	swait.ge [sflag:s16], $0x100  }
0x12: {  	[sflag:s16] =	ssyncset.done $0x0  }
0x13: {  	[sflag:s16] =	ssyncadd.s32 $0xFFFFFF00  }
0x14: {  	[tilespmem:s18], [sflag:$0x1] =	stream.indirect.gather [hbm4b:s5+s17], $0x40, s15, s17, $0xb8;
	[tilespmem:$0x1FB00] =	vst v63  }
0x15: {  	_ =	swait.ge [sflag:s14], $0x2000  }
0x16: {  	[sflag:s14] =	ssyncset.done $0x0  }
0x17: {  	[sflag:s14] =	ssyncadd.s32 $0xFFFFE000  }
0x18: {  	[spmem:s3] =	stream.indirect.scatter.add.f32 [tilespmem:s18], [sflag:$0x2], $0x40, s19, s17, $0xb8;
	[tilespmem:$0x1FB00] =	vst v63  }
0x19: {  	_ =	swait.ge [sflag:s16], $0x2000  }
0x1a: {  	[sflag:s16] =	ssyncset.done $0x0  }
0x1b: {  	s21 =	smov.u32 s8;
	[sflag:s16] =	ssyncadd.s32 $0xFFFFE000  }
.LBB2_8:
0x1c: {  	s20 =	sadd.s32 $0x1, s20  }
0x1d: {  	p1 =	sne.s32 s20, s10  }
.Ltmp1:
0x1e: {  	s21 =	sadd.s32 s21, s9;
	[bflag:$0x0] =	sbarrier.arrive $0xFFFF;
	(pc) =	sbr.rel @!p1 .LBB2_9-.Ltmp1, $4  }
0x1f: {  	[hbm:s21], [sflag:s11] =	dma.local [spmem:s13], $0x3B40  }
0x20: {  	_ =	swait.ge [sflag:s14], $0x3B40  }
0x21: {  	[sflag:s14] =	ssyncset.done $0x0  }
0x22: {  	[sflag:s14] =	ssyncadd.s32 $0xFFFFC4C0  }
.LBB2_1:
0x23: {  	[spmem:s13], [sflag:s11] =	dma.local [hbm:s6], $0x3B40  }
.Ltmp2:
0x24: {  	_ =	swait.ge [sflag:s14], $0x3B40;
	(pc) =	sbr.rel @!p0 .LBB2_2-.Ltmp2, $4  }
0x25: {  	[sflag:s14] =	ssyncset.done $0x0  }
0x26: {  	[sflag:s14] =	ssyncadd.s32 $0xFFFFC4C0  }
0x27: {  	[bflag:$0x0] =	sbarrier.arrive $0xFFFF  }
0x28: {  	s21 =	sadd.s32 $0x0, s12  }
0x29: {  	[tilespmem:s15], [sflag:$0x2] =	stream.linear.gather [hbm4b:s21+s4], $0x100, $0x38;
	[tilespmem:$0x1FB00] =	vst v63  }
0x2a: {  	_ =	swait.ge [sflag:s16], $0x100  }
0x2b: {  	[sflag:s16] =	ssyncset.done $0x0  }
0x2c: {  	[sflag:s16] =	ssyncadd.s32 $0xFFFFFF00  }
0x2d: {  	[tilespmem:s18], [sflag:$0x1] =	stream.indirect.gather [hbm4b:s5+s17], $0x40, s15, s17, $0xb8;
	[tilespmem:$0x1FB00] =	vst v63  }
0x2e: {  	_ =	swait.ge [sflag:s14], $0x2000  }
0x2f: {  	[sflag:s14] =	ssyncset.done $0x0  }
0x30: {  	[sflag:s14] =	ssyncadd.s32 $0xFFFFE000  }
0x31: {  	[spmem:s3] =	stream.indirect.scatter.add.f32 [tilespmem:s18], [sflag:$0x2], $0x40, s19, s17, $0xb8;
	[tilespmem:$0x1FB00] =	vst v63  }
0x32: {  	_ =	swait.ge [sflag:s16], $0x2000  }
0x33: {  	s21 =	simm.s32 $0x20;
	s22 =	simm.s32 $0x40;
	[sflag:s16] =	ssyncset.done $0x0  }
.LBB2_6:
0x34: {  	s23 =	sadd.s32 s21, s12  }
0x35: {  	[sflag:s16] =	ssyncadd.s32 $0xFFFFE000;
	s21 =	smov.u32 s22;
	s24 =	sadd.s32 $0x20, s22  }
0x36: {  	[tilespmem:s15], [sflag:$0x2] =	stream.linear.gather [hbm4b:s23+s4], $0x100, $0x38;
	[tilespmem:$0x1FB00] =	vst v63  }
0x37: {  	p1 =	sne.s32 s22, $0x13A0;
	_ =	swait.ge [sflag:s16], $0x100  }
0x38: {  	[sflag:s16] =	ssyncset.done $0x0  }
0x39: {  	[sflag:s16] =	ssyncadd.s32 $0xFFFFFF00  }
0x3a: {  	[tilespmem:s18], [sflag:$0x1] =	stream.indirect.gather [hbm4b:s5+s17], $0x40, s15, s17, $0xb8;
	[tilespmem:$0x1FB00] =	vst v63  }
0x3b: {  	_ =	swait.ge [sflag:s14], $0x2000  }
.Ltmp3:
0x3c: {  	[sflag:s14] =	ssyncset.done $0x0;
	(pc) =	sbr.rel @p1 .LBB2_6-.Ltmp3, $4  }
0x3d: {  	[sflag:s14] =	ssyncadd.s32 $0xFFFFE000  }
0x3e: {  	[spmem:s3] =	stream.indirect.scatter.add.f32 [tilespmem:s18], [sflag:$0x2], $0x40, s19, s17, $0xb8;
	[tilespmem:$0x1FB00] =	vst v63  }
0x3f: {  	_ =	swait.ge [sflag:s16], $0x2000  }
0x40: {  	s22 =	smov.u32 s24;
	[sflag:s16] =	ssyncset.done $0x0  }
.Ltmp4:
0x41: {  	_ = 	snop;
	(pc) =	sbr.rel .LBB2_7-.Ltmp4, $1  }
0x42: {  	_ =	sdelay $0x3  }
.LBB2_2:
0x43: {  	[tilespmem:s15], [sflag:$0x2] =	stream.linear.gather [hbm4b:s21+s4], $0x100, $0x38;
	[tilespmem:$0x1FB00] =	vst v63  }
0x44: {  	_ =	swait.ge [sflag:s16], $0x100  }
0x45: {  	[sflag:s16] =	ssyncset.done $0x0  }
0x46: {  	[sflag:s16] =	ssyncadd.s32 $0xFFFFFF00  }
0x47: {  	[tilespmem:s18], [sflag:$0x1] =	stream.indirect.gather [hbm4b:s1+s17], $0x40, s15, s17, $0xb8;
	[tilespmem:$0x1FB00] =	vst v63  }
0x48: {  	_ =	swait.ge [sflag:s14], $0x2000  }
0x49: {  	[sflag:s14] =	ssyncset.done $0x0  }
0x4a: {  	[sflag:s14] =	ssyncadd.s32 $0xFFFFE000  }
0x4b: {  	[spmem:s3] =	stream.indirect.scatter.add.f32 [tilespmem:s18], [sflag:$0x2], $0x40, s19, s17, $0xb8;
	[tilespmem:$0x1FB00] =	vst v63  }
0x4c: {  	_ =	swait.ge [sflag:s16], $0x2000  }
0x4d: {  	s21 =	simm.s32 $0x20;
	s22 =	simm.s32 $0x40;
	[sflag:s16] =	ssyncset.done $0x0  }
.LBB2_3:
0x4e: {  	s23 =	sadd.s32 s21, s12  }
0x4f: {  	[sflag:s16] =	ssyncadd.s32 $0xFFFFE000;
	s21 =	smov.u32 s22;
	s24 =	sadd.s32 $0x20, s22  }
0x50: {  	[tilespmem:s15], [sflag:$0x2] =	stream.linear.gather [hbm4b:s23+s4], $0x100, $0x38;
	[tilespmem:$0x1FB00] =	vst v63  }
0x51: {  	p1 =	seq.s32 s22, $0x13A0;
	_ =	swait.ge [sflag:s16], $0x100  }
0x52: {  	[sflag:s16] =	ssyncset.done $0x0  }
0x53: {  	[sflag:s16] =	ssyncadd.s32 $0xFFFFFF00  }
0x54: {  	[tilespmem:s18], [sflag:$0x1] =	stream.indirect.gather [hbm4b:s1+s17], $0x40, s15, s17, $0xb8;
	[tilespmem:$0x1FB00] =	vst v63  }
0x55: {  	_ =	swait.ge [sflag:s14], $0x2000  }
.Ltmp5:
0x56: {  	[sflag:s14] =	ssyncset.done $0x0;
	(pc) =	sbr.rel @!p1 .LBB2_3-.Ltmp5, $4  }
0x57: {  	[sflag:s14] =	ssyncadd.s32 $0xFFFFE000  }
0x58: {  	[spmem:s3] =	stream.indirect.scatter.add.f32 [tilespmem:s18], [sflag:$0x2], $0x40, s19, s17, $0xb8;
	[tilespmem:$0x1FB00] =	vst v63  }
0x59: {  	_ =	swait.ge [sflag:s16], $0x2000  }
0x5a: {  	s22 =	smov.u32 s24;
	[sflag:s16] =	ssyncset.done $0x0  }
0x5b: {  	s21 =	sadd.s32 s21, s12;
	[sflag:s16] =	ssyncadd.s32 $0xFFFFE000  }
0x5c: {  	[tilespmem:s15], [sflag:$0x2] =	stream.linear.gather [hbm4b:s21+s4], $0x100, $0x38;
	[tilespmem:$0x1FB00] =	vst v63  }
0x5d: {  	_ =	swait.ge [sflag:s16], $0x100  }
0x5e: {  	[sflag:s16] =	ssyncset.done $0x0  }
0x5f: {  	[sflag:s16] =	ssyncadd.s32 $0xFFFFFF00  }
0x60: {  	[tilespmem:s18], [sflag:$0x1] =	stream.indirect.gather [hbm4b:s1+s17], $0x40, s15, s17, $0xb8;
	[tilespmem:$0x1FB00] =	vst v63  }
0x61: {  	_ =	swait.ge [sflag:s14], $0x2000  }
0x62: {  	[sflag:s14] =	ssyncset.done $0x0  }
.Ltmp6:
0x63: {  	[sflag:s14] =	ssyncadd.s32 $0xFFFFE000;
	(pc) =	sbr.rel .LBB2_8-.Ltmp6, $4  }
0x64: {  	[spmem:s3] =	stream.indirect.scatter.add.f32 [tilespmem:s18], [sflag:$0x2], $0x40, s19, s17, $0xb8;
	[tilespmem:$0x1FB00] =	vst v63  }
0x65: {  	_ =	swait.ge [sflag:s16], $0x2000  }
0x66: {  	[sflag:s16] =	ssyncset.done $0x0  }
0x67: {  	s21 =	smov.u32 s7;
	[sflag:s16] =	ssyncadd.s32 $0xFFFFE000  }
.LBB2_9:
0x68: {  	_ =	sfence.sel $0x180000  }
0x69: {  	[bflag:$0x0] =	sbarrier.arrive $0xFFFF  }
0x6a: {  	p0 =	sne.s32 s2, $0x0;
	_ =	strace $0x9000005C  }
0x6b: {  	s0 =	sadd.s32 @!p0 $0x100000, s0;
	[bflag:$0x2] =	sbarrier.arrive $0xFFFF  }
0x6c: {  	[sflag:s0] =	ssyncadd.tile.s32 @!p0 $0x1;
	_ =	shalt  }
.Lfunc_end2:
_tile_overlayer_lowered:
.L_overlay_start_2:
0x6d: {  	(tag) =	ssettag $0x2  }
0x6e: {  	s0 =	rddreg [dreg:$0x0];
	s2 =	stileid.u32  }
0x6f: {  	s1 =	rddreg [dreg:$0x1];
	p0 =	sne.s32 s2, $0x0  }
0x70: {  	s3 =	rddreg [dreg:$0x2];
	[bflag:$0x3] =	sbarrier.arrive $0xFFFF;
	s2 =	simm.s32 @!p0 $0x1C01  }
0x71: {  	[timem:s3], [sflag:s2] =	dma.local @!p0 [hbm:s0], s1  }
0x72: {  	s0 =	simm.s32 @!p0 $0x1  }
0x73: {  	_ =	swait.ge @!p0 [sflag:s0], s1  }
0x74: {  	s1 =	ssub.s32 @!p0 $0x0, s1;
	[sflag:s0] =	ssyncset.done @!p0 $0x0  }
0x75: {  	[sflag:s0] =	ssyncadd.s32 @!p0 s1  }
0x76: {  	[bflag:$0x3] =	sbarrier.arrive $0xFFFF  }
0x77: {  	_ =	shalt  }

</sc_bundles>
